<compile_context>
chip_gen: v7x
topology: tpu7x:2x2x1
jax: 0.10.2.dev20260603
libtpu: 0.0.44.dev20260713+nightly
codegen_flags: <defaults>
</compile_context>

<pallas_src>
import functools

import jax
import jax.numpy as jnp
from jax import lax
from jax.experimental import pallas as pl
from jax.experimental.pallas import tpu as pltpu
from jax.experimental.pallas import tpu_sc as plsc

SEQ = 2048
D = 16
N = SEQ * SEQ
NC, NS = 2, 16
NW = NC * NS
L = 16
ROW_OUT = 2 * 16 * 8 * 128
IBLK = 16 * 8 * 128
BLKS_PER_W = (SEQ // 8) // NW

_mesh = plsc.VectorSubcoreMesh(core_axis_name="c", subcore_axis_name="s")


@functools.partial(
    pl.kernel,
    out_type=jax.ShapeDtypeStruct((SEQ * ROW_OUT,), jnp.float32),
    mesh=_mesh,
    compiler_params=pltpu.CompilerParams(
        use_tc_tiling_on_sc=False, needs_layout_passes=False),
    scratch_types=[
        pltpu.VMEM((2, IBLK), jnp.int32),
        pltpu.VMEM((2, ROW_OUT), jnp.float32),
        pltpu.VMEM((D, 129), jnp.float32),
        pltpu.SemaphoreType.DMA,
        pltpu.SemaphoreType.DMA,
        pltpu.SemaphoreType.DMA,
        pltpu.SemaphoreType.DMA,
    ],
)
def _srpe_gather(idx_hbm, tabt_hbm, out_hbm, idx_v, row_v, tabt_v,
                 sem_i0, sem_i1, sem_o0, sem_o1):
    wid = lax.axis_index("s") * NC + lax.axis_index("c")
    first_blk = wid * BLKS_PER_W

    pltpu.sync_copy(tabt_hbm, tabt_v)

    sem_i = (sem_i0, sem_i1)
    sem_o = (sem_o0, sem_o1)

    def idx_src(blk):
        off = pl.multiple_of(blk * IBLK, IBLK)
        return idx_hbm.at[pl.ds(off, IBLK)]

    def out_dst(row):
        off = pl.multiple_of(row * ROW_OUT, ROW_OUT)
        return out_hbm.at[pl.ds(off, ROW_OUT)]

    def gather_row(ib, i_in, rb):
        ibuf = idx_v.at[ib]
        obuf = row_v.at[rb]

        def _group(t, carry):
            oos, vals = [], []
            for u in range(2):
                k = t * 2 + u
                jb = k >> 3
                g = k & 7
                io = jb * 1024 + i_in * 128 + g * L
                oos.append(jb * 1024 + g * L)
                idx_vec = ibuf[pl.ds(io, L)]
                vals.append([plsc.load_gather(tabt_v.at[d], [idx_vec])
                             for d in range(D)])
            for u in range(2):
                for d in range(D):
                    obuf[pl.ds(oos[u] + (d // 8) * 16384 + (d % 8) * 128,
                               L)] = vals[u][d]
            return carry

        lax.fori_loop(0, 64, _group, 0)

    pltpu.async_copy(idx_src(first_blk), idx_v.at[0], sem_i[0])

    def blk_body(b2, carry):
        for ib in range(2):
            b = b2 * 2 + ib
            blk = first_blk + b

            @pl.when(b + 1 < BLKS_PER_W)
            def _prefetch():
                pltpu.async_copy(
                    idx_src(blk + 1), idx_v.at[1 - ib], sem_i[1 - ib])

            pltpu.make_async_copy(idx_src(blk), idx_v.at[ib], sem_i[ib]).wait()

            def iin_body(ii, carry2, b=b, blk=blk, ib=ib):
                for rb in range(2):
                    i_in = ii * 2 + rb
                    row = blk * 8 + i_in

                    @pl.when(b * 8 + i_in >= 2)
                    def _drain():
                        pltpu.make_async_copy(
                            row_v.at[rb], out_dst(row), sem_o[rb]).wait()

                    gather_row(ib, i_in, rb)
                    pltpu.async_copy(row_v.at[rb], out_dst(row), sem_o[rb])
                return carry2

            lax.fori_loop(0, 4, iin_body, 0)
        return carry

    lax.fori_loop(0, BLKS_PER_W // 2, blk_body, 0)

    last = (first_blk + BLKS_PER_W) * 8
    pltpu.make_async_copy(row_v.at[0], out_dst(last - 2), sem_o[0]).wait()
    pltpu.make_async_copy(row_v.at[1], out_dst(last - 1), sem_o[1]).wait()


def kernel(SDist, srpe_weight):
    idx = SDist.reshape(SEQ // 8, 8, SEQ // 128, 128).transpose(0, 2, 1, 3)
    idx = idx.reshape(N)
    tabt = srpe_weight.T
    flat = _srpe_gather(idx, tabt)
    out = flat.reshape(SEQ, 2, 16, 8, 128).transpose(0, 2, 4, 1, 3)
    return out.reshape(SEQ, SEQ, D)

# --- scband reference (transcript-rebuilt; emitter-appended) ---
"""Pipeline reference for scband-srpe-2130303779463 (READ-ONLY COPY).

The authoritative reference and input builder live on the scoring server;
editing this copy changes nothing except your own understanding.
"""

import jax, jax.numpy as jnp
import numpy as np

ALPHA = 128
D = 16
SEQ = 2048

def setup_inputs(seed: int = 0) -> dict:
    key = jax.random.key(seed)
    k1, k2 = jax.random.split(key)
    # SDist: clipped spatial distance matrix, values in [0, alpha]
    SDist = jax.random.randint(k1, (SEQ, SEQ), 0, ALPHA + 1, dtype=jnp.int32)
    # nn.Embedding(alpha+1, d) weight, N(0,1) init like torch default
    srpe_weight = jax.random.normal(k2, (ALPHA + 1, D), dtype=jnp.float32)
    return {"SDist": SDist, "srpe_weight": srpe_weight}

def reference(SDist, srpe_weight):
    # SRPE.forward: self.srpe(self.SDist) -> embedding gather
    return jnp.take(srpe_weight, SDist, axis=0)

if __name__ == "__main__":
    import jax
    _d = setup_inputs()
    print(jax.jit(kernel)(*tuple(_d.values())))

</pallas_src>

<mosaic_0001>
#map = affine_map<(d0, d1) -> (0)>
#map1 = affine_map<(d0, d1) -> (0, 0)>
module attributes {stable_mosaic.version = 14 : i64} {
  func.func @_srpe_gather(%arg0: i32, %arg1: i32, %arg2: memref<4194304xi32, #tpu.memory_space<hbm>>, %arg3: memref<16x129xf32, #tpu.memory_space<hbm>>, %arg4: memref<67108864xf32, #tpu.memory_space<hbm>>, %arg5: memref<2x16384xi32, #tpu.memory_space<vmem>>, %arg6: memref<2x32768xf32, #tpu.memory_space<vmem>>, %arg7: memref<16x129xf32, #tpu.memory_space<vmem>>, %arg8: memref<!tpu.dma_semaphore, #tpu.memory_space<semaphore_mem>>, %arg9: memref<!tpu.dma_semaphore, #tpu.memory_space<semaphore_mem>>, %arg10: memref<!tpu.dma_semaphore, #tpu.memory_space<semaphore_mem>>, %arg11: memref<!tpu.dma_semaphore, #tpu.memory_space<semaphore_mem>>) attributes {dimension_semantics = [#tpu.dimension_semantics<core_parallel>, #tpu.dimension_semantics<subcore_parallel>], iteration_bounds = array<i64: 2, 16>, scalar_prefetch = 0 : i64, scratch_operands = 7 : i64, tpu.core_type = #tpu.core_type<sc_vector_subcore>, window_params = [{transform_indices = #map}, {transform_indices = #map1}, {transform_indices = #map}]} {
    %mul3A = arith.constant 2 : i32
    %mul3A_0 = arith.muli %arg1, %mul3A : i32
    %add3A = arith.addi %mul3A_0, %arg0 : i32
    %mul3A_1 = arith.constant 8 : i32
    %mul3A_2 = arith.muli %add3A, %mul3A_1 : i32
    "tpu.region"() ({
      %run_scoped3A = tpu.sem_alloc : memref<!tpu.dma_semaphore, #tpu.memory_space<semaphore_mem>>
      tpu.enqueue_dma source(%arg3 : memref<16x129xf32, #tpu.memory_space<hbm>>) target(%arg7 : memref<16x129xf32, #tpu.memory_space<vmem>>) target_semaphore(%run_scoped3A : memref<!tpu.dma_semaphore, #tpu.memory_space<semaphore_mem>>)
      tpu.wait_dma2 semaphore(%run_scoped3A : memref<!tpu.dma_semaphore, #tpu.memory_space<semaphore_mem>>) src(%arg3 : memref<16x129xf32, #tpu.memory_space<hbm>>) dst(%arg7 : memref<16x129xf32, #tpu.memory_space<vmem>>)
      tpu.yield
    }) : () -> ()
    %mul3A_3 = arith.constant 16384 : i32
    %mul3A_4 = arith.muli %mul3A_2, %mul3A_3 : i32
    %multiple_of3A = tpu.assume_multiple %mul3A_4, 16384 : i32
    %dma_start3A = arith.constant 0 : i32
    %dma_start3A_5 = arith.constant 0 : i32
    %dma_start3A_6 = tpu.memref_slice %arg5[%dma_start3A, %dma_start3A_5] : memref<2x16384xi32, #tpu.memory_space<vmem>> -> memref<1x16384xi32, #tpu.memory_space<vmem>>
    %dma_start3A_7 = tpu.memref_squeeze %dma_start3A_6 : memref<1x16384xi32, #tpu.memory_space<vmem>> -> memref<16384xi32, #tpu.memory_space<vmem>>
    %dma_start3A_8 = tpu.memref_slice %arg2[%multiple_of3A] : memref<4194304xi32, #tpu.memory_space<hbm>> -> memref<16384xi32, #tpu.memory_space<hbm>>
    %dma_start3A_9 = arith.constant 0 : i32
    %dma_start3A_10 = tpu.memref_slice %arg5[%dma_start3A, %dma_start3A_9] : memref<2x16384xi32, #tpu.memory_space<vmem>> -> memref<1x16384xi32, #tpu.memory_space<vmem>>
    %dma_start3A_11 = tpu.memref_squeeze %dma_start3A_10 : memref<1x16384xi32, #tpu.memory_space<vmem>> -> memref<16384xi32, #tpu.memory_space<vmem>>
    %dma_start3A_12 = tpu.memref_slice %arg2[%multiple_of3A] : memref<4194304xi32, #tpu.memory_space<hbm>> -> memref<16384xi32, #tpu.memory_space<hbm>>
    tpu.enqueue_dma source(%dma_start3A_12 : memref<16384xi32, #tpu.memory_space<hbm>>) target(%dma_start3A_11 : memref<16384xi32, #tpu.memory_space<vmem>>) target_semaphore(%arg8 : memref<!tpu.dma_semaphore, #tpu.memory_space<semaphore_mem>>)
    %scan3A = arith.constant 0 : i32
    %scan3A_13 = arith.constant 0 : i32
    %scan3A_14 = arith.constant 4 : i32
    %scan3A_15 = arith.addi %scan3A_13, %scan3A_14 : i32
    %scan3A_16 = arith.constant 1 : i32
    scf.for %scan3A_48 = %scan3A_13 to %scan3A_15 step %scan3A_16  : i32 {
      %mul3A_49 = arith.constant 2 : i32
      %mul3A_50 = arith.muli %scan3A_48, %mul3A_49 : i32
      %add3A_51 = arith.constant 0 : i32
      %add3A_52 = arith.addi %mul3A_50, %add3A_51 : i32
      %add3A_53 = arith.addi %mul3A_2, %add3A_52 : i32
      %add3A_54 = arith.constant 1 : i32
      %add3A_55 = arith.addi %add3A_52, %add3A_54 : i32
      %lt3A = arith.constant 8 : i32
      %lt3A_56 = arith.cmpi slt, %add3A_55, %lt3A : i32
      %convert_element_type3A = arith.extui %lt3A_56 : i1 to i32
      %cond3A = arith.constant 0 : i32
      %cond3A_57 = arith.cmpi ne, %convert_element_type3A, %cond3A : i32
      scf.if %cond3A_57 {
        %add3A_106 = arith.constant 1 : i32
        %add3A_107 = arith.addi %add3A_53, %add3A_106 : i32
        %mul3A_108 = arith.constant 16384 : i32
        %mul3A_109 = arith.muli %add3A_107, %mul3A_108 : i32
        %multiple_of3A_110 = tpu.assume_multiple %mul3A_109, 16384 : i32
        %dma_start3A_111 = arith.constant 1 : i32
        %dma_start3A_112 = arith.constant 0 : i32
        %dma_start3A_113 = tpu.memref_slice %arg5[%dma_start3A_111, %dma_start3A_112] : memref<2x16384xi32, #tpu.memory_space<vmem>> -> memref<1x16384xi32, #tpu.memory_space<vmem>>
        %dma_start3A_114 = tpu.memref_squeeze %dma_start3A_113 : memref<1x16384xi32, #tpu.memory_space<vmem>> -> memref<16384xi32, #tpu.memory_space<vmem>>
        %dma_start3A_115 = tpu.memref_slice %arg2[%multiple_of3A_110] : memref<4194304xi32, #tpu.memory_space<hbm>> -> memref<16384xi32, #tpu.memory_space<hbm>>
        %dma_start3A_116 = arith.constant 0 : i32
        %dma_start3A_117 = tpu.memref_slice %arg5[%dma_start3A_111, %dma_start3A_116] : memref<2x16384xi32, #tpu.memory_space<vmem>> -> memref<1x16384xi32, #tpu.memory_space<vmem>>
        %dma_start3A_118 = tpu.memref_squeeze %dma_start3A_117 : memref<1x16384xi32, #tpu.memory_space<vmem>> -> memref<16384xi32, #tpu.memory_space<vmem>>
        %dma_start3A_119 = tpu.memref_slice %arg2[%multiple_of3A_110] : memref<4194304xi32, #tpu.memory_space<hbm>> -> memref<16384xi32, #tpu.memory_space<hbm>>
        tpu.enqueue_dma source(%dma_start3A_119 : memref<16384xi32, #tpu.memory_space<hbm>>) target(%dma_start3A_118 : memref<16384xi32, #tpu.memory_space<vmem>>) target_semaphore(%arg9 : memref<!tpu.dma_semaphore, #tpu.memory_space<semaphore_mem>>)
      } else {
      }
      %mul3A_58 = arith.constant 16384 : i32
      %mul3A_59 = arith.muli %add3A_53, %mul3A_58 : i32
      %multiple_of3A_60 = tpu.assume_multiple %mul3A_59, 16384 : i32
      %dma_wait3A_61 = arith.constant 0 : i32
      %dma_wait3A_62 = arith.constant 0 : i32
      %dma_wait3A_63 = tpu.memref_slice %arg5[%dma_wait3A_61, %dma_wait3A_62] : memref<2x16384xi32, #tpu.memory_space<vmem>> -> memref<1x16384xi32, #tpu.memory_space<vmem>>
      %dma_wait3A_64 = tpu.memref_squeeze %dma_wait3A_63 : memref<1x16384xi32, #tpu.memory_space<vmem>> -> memref<16384xi32, #tpu.memory_space<vmem>>
      %dma_wait3A_65 = tpu.memref_slice %arg2[%multiple_of3A_60] : memref<4194304xi32, #tpu.memory_space<hbm>> -> memref<16384xi32, #tpu.memory_space<hbm>>
      %dma_wait3A_66 = arith.constant 0 : i32
      %dma_wait3A_67 = tpu.memref_slice %arg5[%dma_wait3A_61, %dma_wait3A_66] : memref<2x16384xi32, #tpu.memory_space<vmem>> -> memref<1x16384xi32, #tpu.memory_space<vmem>>
      %dma_wait3A_68 = tpu.memref_squeeze %dma_wait3A_67 : memref<1x16384xi32, #tpu.memory_space<vmem>> -> memref<16384xi32, #tpu.memory_space<vmem>>
      %dma_wait3A_69 = tpu.memref_slice %arg2[%multiple_of3A_60] : memref<4194304xi32, #tpu.memory_space<hbm>> -> memref<16384xi32, #tpu.memory_space<hbm>>
      tpu.wait_dma2 semaphore(%arg8 : memref<!tpu.dma_semaphore, #tpu.memory_space<semaphore_mem>>) src(%dma_wait3A_69 : memref<16384xi32, #tpu.memory_space<hbm>>) dst(%dma_wait3A_68 : memref<16384xi32, #tpu.memory_space<vmem>>)
      %scan3A_70 = arith.constant 0 : i32
      %scan3A_71 = arith.constant 0 : i32
      %scan3A_72 = arith.constant 4 : i32
      %scan3A_73 = arith.addi %scan3A_71, %scan3A_72 : i32
      %scan3A_74 = arith.constant 1 : i32
      scf.for %scan3A_106 = %scan3A_71 to %scan3A_73 step %scan3A_74  : i32 {
        %mul3A_107 = arith.constant 2 : i32
        %mul3A_108 = arith.muli %scan3A_106, %mul3A_107 : i32
        %add3A_109 = arith.constant 0 : i32
        %add3A_110 = arith.addi %mul3A_108, %add3A_109 : i32
        %mul3A_111 = arith.constant 8 : i32
        %mul3A_112 = arith.muli %add3A_53, %mul3A_111 : i32
        %add3A_113 = arith.addi %mul3A_112, %add3A_110 : i32
        %mul3A_114 = arith.constant 8 : i32
        %mul3A_115 = arith.muli %add3A_52, %mul3A_114 : i32
        %add3A_116 = arith.addi %mul3A_115, %add3A_110 : i32
        %ge3A = arith.constant 2 : i32
        %ge3A_117 = arith.cmpi sge, %add3A_116, %ge3A : i32
        %convert_element_type3A_118 = arith.extui %ge3A_117 : i1 to i32
        %cond3A_119 = arith.constant 0 : i32
        %cond3A_120 = arith.cmpi ne, %convert_element_type3A_118, %cond3A_119 : i32
        scf.if %cond3A_120 {
          %mul3A_176 = arith.constant 32768 : i32
          %mul3A_177 = arith.muli %add3A_113, %mul3A_176 : i32
          %multiple_of3A_178 = tpu.assume_multiple %mul3A_177, 32768 : i32
          %dma_wait3A_179 = arith.constant 0 : i32
          %dma_wait3A_180 = arith.constant 0 : i32
          %dma_wait3A_181 = tpu.memref_slice %arg6[%dma_wait3A_179, %dma_wait3A_180] : memref<2x32768xf32, #tpu.memory_space<vmem>> -> memref<1x32768xf32, #tpu.memory_space<vmem>>
          %dma_wait3A_182 = tpu.memref_squeeze %dma_wait3A_181 : memref<1x32768xf32, #tpu.memory_space<vmem>> -> memref<32768xf32, #tpu.memory_space<vmem>>
          %dma_wait3A_183 = tpu.memref_slice %arg4[%multiple_of3A_178] : memref<67108864xf32, #tpu.memory_space<hbm>> -> memref<32768xf32, #tpu.memory_space<hbm>>
          %dma_wait3A_184 = tpu.memref_slice %arg4[%multiple_of3A_178] : memref<67108864xf32, #tpu.memory_space<hbm>> -> memref<32768xf32, #tpu.memory_space<hbm>>
          %dma_wait3A_185 = arith.constant 0 : i32
          %dma_wait3A_186 = tpu.memref_slice %arg6[%dma_wait3A_179, %dma_wait3A_185] : memref<2x32768xf32, #tpu.memory_space<vmem>> -> memref<1x32768xf32, #tpu.memory_space<vmem>>
          %dma_wait3A_187 = tpu.memref_squeeze %dma_wait3A_186 : memref<1x32768xf32, #tpu.memory_space<vmem>> -> memref<32768xf32, #tpu.memory_space<vmem>>
          tpu.wait_dma2 semaphore(%arg10 : memref<!tpu.dma_semaphore, #tpu.memory_space<semaphore_mem>>) src(%dma_wait3A_187 : memref<32768xf32, #tpu.memory_space<vmem>>) dst(%dma_wait3A_184 : memref<32768xf32, #tpu.memory_space<hbm>>)
        } else {
        }
        %scan3A_121 = arith.constant 0 : i32
        %scan3A_122 = arith.constant 0 : i32
        %scan3A_123 = arith.constant 0 : i32
        %scan3A_124 = arith.constant 0 : i32
        %scan3A_125 = arith.constant 64 : i32
        %scan3A_126 = arith.addi %scan3A_124, %scan3A_125 : i32
        %scan3A_127 = arith.constant 1 : i32
        scf.for %scan3A_176 = %scan3A_124 to %scan3A_126 step %scan3A_127  : i32 {
          %mul3A_177 = arith.constant 2 : i32
          %mul3A_178 = arith.muli %scan3A_176, %mul3A_177 : i32
          %add3A_179 = arith.constant 0 : i32
          %add3A_180 = arith.addi %mul3A_178, %add3A_179 : i32
          %shift_right_arithmetic3A = arith.constant 3 : i32
          %shift_right_arithmetic3A_181 = arith.shrsi %add3A_180, %shift_right_arithmetic3A : i32
          %and3A = arith.constant 7 : i32
          %and3A_182 = arith.andi %add3A_180, %and3A : i32
          %mul3A_183 = arith.constant 1024 : i32
          %mul3A_184 = arith.muli %shift_right_arithmetic3A_181, %mul3A_183 : i32
          %mul3A_185 = arith.constant 128 : i32
          %mul3A_186 = arith.muli %add3A_110, %mul3A_185 : i32
          %add3A_187 = arith.addi %mul3A_184, %mul3A_186 : i32
          %mul3A_188 = arith.constant 16 : i32
          %mul3A_189 = arith.muli %and3A_182, %mul3A_188 : i32
          %add3A_190 = arith.addi %add3A_187, %mul3A_189 : i32
          %mul3A_191 = arith.constant 1024 : i32
          %mul3A_192 = arith.muli %shift_right_arithmetic3A_181, %mul3A_191 : i32
          %mul3A_193 = arith.constant 16 : i32
          %mul3A_194 = arith.muli %and3A_182, %mul3A_193 : i32
          %add3A_195 = arith.addi %mul3A_192, %mul3A_194 : i32
          %get3A = arith.constant 0 : i32
          %get3A_196 = tpu.memref_slice %arg5[%scan3A_122, %get3A] : memref<2x16384xi32, #tpu.memory_space<vmem>> -> memref<1x16384xi32, #tpu.memory_space<vmem>>
          %get3A_197 = tpu.memref_squeeze %get3A_196 : memref<1x16384xi32, #tpu.memory_space<vmem>> -> memref<16384xi32, #tpu.memory_space<vmem>>
          %get3A_198 = arith.index_cast %add3A_190 : i32 to index
          %get3A_199 = tpu.vector_load %get3A_197[%get3A_198] {strides = array<i32>} : memref<16384xi32, #tpu.memory_space<vmem>>, vector<16xi32>,
          %gather3A = arith.constant 0 : i32
          %gather3A_200 = arith.constant 0 : i32
          %gather3A_201 = tpu.memref_slice %arg7[%gather3A, %gather3A_200] : memref<16x129xf32, #tpu.memory_space<vmem>> -> memref<1x129xf32, #tpu.memory_space<vmem>>
          %gather3A_202 = tpu.memref_squeeze %gather3A_201 : memref<1x129xf32, #tpu.memory_space<vmem>> -> memref<129xf32, #tpu.memory_space<vmem>>
          %gather3A_203 = tpu.vector_load_idx %gather3A_202[%get3A_199] : memref<129xf32, #tpu.memory_space<vmem>>[vector<16xi32>], vector<16xf32>,
          %gather3A_204 = arith.constant 1 : i32
          %gather3A_205 = arith.constant 0 : i32
          %gather3A_206 = tpu.memref_slice %arg7[%gather3A_204, %gather3A_205] : memref<16x129xf32, #tpu.memory_space<vmem>> -> memref<1x129xf32, #tpu.memory_space<vmem>>
          %gather3A_207 = tpu.memref_squeeze %gather3A_206 : memref<1x129xf32, #tpu.memory_space<vmem>> -> memref<129xf32, #tpu.memory_space<vmem>>
          %gather3A_208 = tpu.vector_load_idx %gather3A_207[%get3A_199] : memref<129xf32, #tpu.memory_space<vmem>>[vector<16xi32>], vector<16xf32>,
          %gather3A_209 = arith.constant 2 : i32
          %gather3A_210 = arith.constant 0 : i32
          %gather3A_211 = tpu.memref_slice %arg7[%gather3A_209, %gather3A_210] : memref<16x129xf32, #tpu.memory_space<vmem>> -> memref<1x129xf32, #tpu.memory_space<vmem>>
          %gather3A_212 = tpu.memref_squeeze %gather3A_211 : memref<1x129xf32, #tpu.memory_space<vmem>> -> memref<129xf32, #tpu.memory_space<vmem>>
          %gather3A_213 = tpu.vector_load_idx %gather3A_212[%get3A_199] : memref<129xf32, #tpu.memory_space<vmem>>[vector<16xi32>], vector<16xf32>,
          %gather3A_214 = arith.constant 3 : i32
          %gather3A_215 = arith.constant 0 : i32
          %gather3A_216 = tpu.memref_slice %arg7[%gather3A_214, %gather3A_215] : memref<16x129xf32, #tpu.memory_space<vmem>> -> memref<1x129xf32, #tpu.memory_space<vmem>>
          %gather3A_217 = tpu.memref_squeeze %gather3A_216 : memref<1x129xf32, #tpu.memory_space<vmem>> -> memref<129xf32, #tpu.memory_space<vmem>>
          %gather3A_218 = tpu.vector_load_idx %gather3A_217[%get3A_199] : memref<129xf32, #tpu.memory_space<vmem>>[vector<16xi32>], vector<16xf32>,
          %gather3A_219 = arith.constant 4 : i32
          %gather3A_220 = arith.constant 0 : i32
          %gather3A_221 = tpu.memref_slice %arg7[%gather3A_219, %gather3A_220] : memref<16x129xf32, #tpu.memory_space<vmem>> -> memref<1x129xf32, #tpu.memory_space<vmem>>
          %gather3A_222 = tpu.memref_squeeze %gather3A_221 : memref<1x129xf32, #tpu.memory_space<vmem>> -> memref<129xf32, #tpu.memory_space<vmem>>
          %gather3A_223 = tpu.vector_load_idx %gather3A_222[%get3A_199] : memref<129xf32, #tpu.memory_space<vmem>>[vector<16xi32>], vector<16xf32>,
          %gather3A_224 = arith.constant 5 : i32
          %gather3A_225 = arith.constant 0 : i32
          %gather3A_226 = tpu.memref_slice %arg7[%gather3A_224, %gather3A_225] : memref<16x129xf32, #tpu.memory_space<vmem>> -> memref<1x129xf32, #tpu.memory_space<vmem>>
          %gather3A_227 = tpu.memref_squeeze %gather3A_226 : memref<1x129xf32, #tpu.memory_space<vmem>> -> memref<129xf32, #tpu.memory_space<vmem>>
          %gather3A_228 = tpu.vector_load_idx %gather3A_227[%get3A_199] : memref<129xf32, #tpu.memory_space<vmem>>[vector<16xi32>], vector<16xf32>,
          %gather3A_229 = arith.constant 6 : i32
          %gather3A_230 = arith.constant 0 : i32
          %gather3A_231 = tpu.memref_slice %arg7[%gather3A_229, %gather3A_230] : memref<16x129xf32, #tpu.memory_space<vmem>> -> memref<1x129xf32, #tpu.memory_space<vmem>>
          %gather3A_232 = tpu.memref_squeeze %gather3A_231 : memref<1x129xf32, #tpu.memory_space<vmem>> -> memref<129xf32, #tpu.memory_space<vmem>>
          %gather3A_233 = tpu.vector_load_idx %gather3A_232[%get3A_199] : memref<129xf32, #tpu.memory_space<vmem>>[vector<16xi32>], vector<16xf32>,
          %gather3A_234 = arith.constant 7 : i32
          %gather3A_235 = arith.constant 0 : i32
          %gather3A_236 = tpu.memref_slice %arg7[%gather3A_234, %gather3A_235] : memref<16x129xf32, #tpu.memory_space<vmem>> -> memref<1x129xf32, #tpu.memory_space<vmem>>
          %gather3A_237 = tpu.memref_squeeze %gather3A_236 : memref<1x129xf32, #tpu.memory_space<vmem>> -> memref<129xf32, #tpu.memory_space<vmem>>
          %gather3A_238 = tpu.vector_load_idx %gather3A_237[%get3A_199] : memref<129xf32, #tpu.memory_space<vmem>>[vector<16xi32>], vector<16xf32>,
          %gather3A_239 = arith.constant 8 : i32
          %gather3A_240 = arith.constant 0 : i32
          %gather3A_241 = tpu.memref_slice %arg7[%gather3A_239, %gather3A_240] : memref<16x129xf32, #tpu.memory_space<vmem>> -> memref<1x129xf32, #tpu.memory_space<vmem>>
          %gather3A_242 = tpu.memref_squeeze %gather3A_241 : memref<1x129xf32, #tpu.memory_space<vmem>> -> memref<129xf32, #tpu.memory_space<vmem>>
          %gather3A_243 = tpu.vector_load_idx %gather3A_242[%get3A_199] : memref<129xf32, #tpu.memory_space<vmem>>[vector<16xi32>], vector<16xf32>,
          %gather3A_244 = arith.constant 9 : i32
          %gather3A_245 = arith.constant 0 : i32
          %gather3A_246 = tpu.memref_slice %arg7[%gather3A_244, %gather3A_245] : memref<16x129xf32, #tpu.memory_space<vmem>> -> memref<1x129xf32, #tpu.memory_space<vmem>>
          %gather3A_247 = tpu.memref_squeeze %gather3A_246 : memref<1x129xf32, #tpu.memory_space<vmem>> -> memref<129xf32, #tpu.memory_space<vmem>>
          %gather3A_248 = tpu.vector_load_idx %gather3A_247[%get3A_199] : memref<129xf32, #tpu.memory_space<vmem>>[vector<16xi32>], vector<16xf32>,
          %gather3A_249 = arith.constant 10 : i32
          %gather3A_250 = arith.constant 0 : i32
          %gather3A_251 = tpu.memref_slice %arg7[%gather3A_249, %gather3A_250] : memref<16x129xf32, #tpu.memory_space<vmem>> -> memref<1x129xf32, #tpu.memory_space<vmem>>
          %gather3A_252 = tpu.memref_squeeze %gather3A_251 : memref<1x129xf32, #tpu.memory_space<vmem>> -> memref<129xf32, #tpu.memory_space<vmem>>
          %gather3A_253 = tpu.vector_load_idx %gather3A_252[%get3A_199] : memref<129xf32, #tpu.memory_space<vmem>>[vector<16xi32>], vector<16xf32>,
          %gather3A_254 = arith.constant 11 : i32
          %gather3A_255 = arith.constant 0 : i32
          %gather3A_256 = tpu.memref_slice %arg7[%gather3A_254, %gather3A_255] : memref<16x129xf32, #tpu.memory_space<vmem>> -> memref<1x129xf32, #tpu.memory_space<vmem>>
          %gather3A_257 = tpu.memref_squeeze %gather3A_256 : memref<1x129xf32, #tpu.memory_space<vmem>> -> memref<129xf32, #tpu.memory_space<vmem>>
          %gather3A_258 = tpu.vector_load_idx %gather3A_257[%get3A_199] : memref<129xf32, #tpu.memory_space<vmem>>[vector<16xi32>], vector<16xf32>,
          %gather3A_259 = arith.constant 12 : i32
          %gather3A_260 = arith.constant 0 : i32
          %gather3A_261 = tpu.memref_slice %arg7[%gather3A_259, %gather3A_260] : memref<16x129xf32, #tpu.memory_space<vmem>> -> memref<1x129xf32, #tpu.memory_space<vmem>>
          %gather3A_262 = tpu.memref_squeeze %gather3A_261 : memref<1x129xf32, #tpu.memory_space<vmem>> -> memref<129xf32, #tpu.memory_space<vmem>>
          %gather3A_263 = tpu.vector_load_idx %gather3A_262[%get3A_199] : memref<129xf32, #tpu.memory_space<vmem>>[vector<16xi32>], vector<16xf32>,
          %gather3A_264 = arith.constant 13 : i32
          %gather3A_265 = arith.constant 0 : i32
          %gather3A_266 = tpu.memref_slice %arg7[%gather3A_264, %gather3A_265] : memref<16x129xf32, #tpu.memory_space<vmem>> -> memref<1x129xf32, #tpu.memory_space<vmem>>
          %gather3A_267 = tpu.memref_squeeze %gather3A_266 : memref<1x129xf32, #tpu.memory_space<vmem>> -> memref<129xf32, #tpu.memory_space<vmem>>
          %gather3A_268 = tpu.vector_load_idx %gather3A_267[%get3A_199] : memref<129xf32, #tpu.memory_space<vmem>>[vector<16xi32>], vector<16xf32>,
          %gather3A_269 = arith.constant 14 : i32
          %gather3A_270 = arith.constant 0 : i32
          %gather3A_271 = tpu.memref_slice %arg7[%gather3A_269, %gather3A_270] : memref<16x129xf32, #tpu.memory_space<vmem>> -> memref<1x129xf32, #tpu.memory_space<vmem>>
          %gather3A_272 = tpu.memref_squeeze %gather3A_271 : memref<1x129xf32, #tpu.memory_space<vmem>> -> memref<129xf32, #tpu.memory_space<vmem>>
          %gather3A_273 = tpu.vector_load_idx %gather3A_272[%get3A_199] : memref<129xf32, #tpu.memory_space<vmem>>[vector<16xi32>], vector<16xf32>,
          %gather3A_274 = arith.constant 15 : i32
          %gather3A_275 = arith.constant 0 : i32
          %gather3A_276 = tpu.memref_slice %arg7[%gather3A_274, %gather3A_275] : memref<16x129xf32, #tpu.memory_space<vmem>> -> memref<1x129xf32, #tpu.memory_space<vmem>>
          %gather3A_277 = tpu.memref_squeeze %gather3A_276 : memref<1x129xf32, #tpu.memory_space<vmem>> -> memref<129xf32, #tpu.memory_space<vmem>>
          %gather3A_278 = tpu.vector_load_idx %gather3A_277[%get3A_199] : memref<129xf32, #tpu.memory_space<vmem>>[vector<16xi32>], vector<16xf32>,
          %mul3A_279 = arith.constant 2 : i32
          %mul3A_280 = arith.muli %scan3A_176, %mul3A_279 : i32
          %add3A_281 = arith.constant 1 : i32
          %add3A_282 = arith.addi %mul3A_280, %add3A_281 : i32
          %shift_right_arithmetic3A_283 = arith.constant 3 : i32
          %shift_right_arithmetic3A_284 = arith.shrsi %add3A_282, %shift_right_arithmetic3A_283 : i32
          %and3A_285 = arith.constant 7 : i32
          %and3A_286 = arith.andi %add3A_282, %and3A_285 : i32
          %mul3A_287 = arith.constant 1024 : i32
          %mul3A_288 = arith.muli %shift_right_arithmetic3A_284, %mul3A_287 : i32
          %mul3A_289 = arith.constant 128 : i32
          %mul3A_290 = arith.muli %add3A_110, %mul3A_289 : i32
          %add3A_291 = arith.addi %mul3A_288, %mul3A_290 : i32
          %mul3A_292 = arith.constant 16 : i32
          %mul3A_293 = arith.muli %and3A_286, %mul3A_292 : i32
          %add3A_294 = arith.addi %add3A_291, %mul3A_293 : i32
          %mul3A_295 = arith.constant 1024 : i32
          %mul3A_296 = arith.muli %shift_right_arithmetic3A_284, %mul3A_295 : i32
          %mul3A_297 = arith.constant 16 : i32
          %mul3A_298 = arith.muli %and3A_286, %mul3A_297 : i32
          %add3A_299 = arith.addi %mul3A_296, %mul3A_298 : i32
          %get3A_300 = arith.constant 0 : i32
          %get3A_301 = tpu.memref_slice %arg5[%scan3A_122, %get3A_300] : memref<2x16384xi32, #tpu.memory_space<vmem>> -> memref<1x16384xi32, #tpu.memory_space<vmem>>
          %get3A_302 = tpu.memref_squeeze %get3A_301 : memref<1x16384xi32, #tpu.memory_space<vmem>> -> memref<16384xi32, #tpu.memory_space<vmem>>
          %get3A_303 = arith.index_cast %add3A_294 : i32 to index
          %get3A_304 = tpu.vector_load %get3A_302[%get3A_303] {strides = array<i32>} : memref<16384xi32, #tpu.memory_space<vmem>>, vector<16xi32>,
          %gather3A_305 = arith.constant 0 : i32
          %gather3A_306 = arith.constant 0 : i32
          %gather3A_307 = tpu.memref_slice %arg7[%gather3A_305, %gather3A_306] : memref<16x129xf32, #tpu.memory_space<vmem>> -> memref<1x129xf32, #tpu.memory_space<vmem>>
          %gather3A_308 = tpu.memref_squeeze %gather3A_307 : memref<1x129xf32, #tpu.memory_space<vmem>> -> memref<129xf32, #tpu.memory_space<vmem>>
          %gather3A_309 = tpu.vector_load_idx %gather3A_308[%get3A_304] : memref<129xf32, #tpu.memory_space<vmem>>[vector<16xi32>], vector<16xf32>,
          %gather3A_310 = arith.constant 1 : i32
          %gather3A_311 = arith.constant 0 : i32
          %gather3A_312 = tpu.memref_slice %arg7[%gather3A_310, %gather3A_311] : memref<16x129xf32, #tpu.memory_space<vmem>> -> memref<1x129xf32, #tpu.memory_space<vmem>>
          %gather3A_313 = tpu.memref_squeeze %gather3A_312 : memref<1x129xf32, #tpu.memory_space<vmem>> -> memref<129xf32, #tpu.memory_space<vmem>>
          %gather3A_314 = tpu.vector_load_idx %gather3A_313[%get3A_304] : memref<129xf32, #tpu.memory_space<vmem>>[vector<16xi32>], vector<16xf32>,
          %gather3A_315 = arith.constant 2 : i32
          %gather3A_316 = arith.constant 0 : i32
          %gather3A_317 = tpu.memref_slice %arg7[%gather3A_315, %gather3A_316] : memref<16x129xf32, #tpu.memory_space<vmem>> -> memref<1x129xf32, #tpu.memory_space<vmem>>
          %gather3A_318 = tpu.memref_squeeze %gather3A_317 : memref<1x129xf32, #tpu.memory_space<vmem>> -> memref<129xf32, #tpu.memory_space<vmem>>
          %gather3A_319 = tpu.vector_load_idx %gather3A_318[%get3A_304] : memref<129xf32, #tpu.memory_space<vmem>>[vector<16xi32>], vector<16xf32>,
          %gather3A_320 = arith.constant 3 : i32
          %gather3A_321 = arith.constant 0 : i32
          %gather3A_322 = tpu.memref_slice %arg7[%gather3A_320, %gather3A_321] : memref<16x129xf32, #tpu.memory_space<vmem>> -> memref<1x129xf32, #tpu.memory_space<vmem>>
          %gather3A_323 = tpu.memref_squeeze %gather3A_322 : memref<1x129xf32, #tpu.memory_space<vmem>> -> memref<129xf32, #tpu.memory_space<vmem>>
          %gather3A_324 = tpu.vector_load_idx %gather3A_323[%get3A_304] : memref<129xf32, #tpu.memory_space<vmem>>[vector<16xi32>], vector<16xf32>,
          %gather3A_325 = arith.constant 4 : i32
          %gather3A_326 = arith.constant 0 : i32
          %gather3A_327 = tpu.memref_slice %arg7[%gather3A_325, %gather3A_326] : memref<16x129xf32, #tpu.memory_space<vmem>> -> memref<1x129xf32, #tpu.memory_space<vmem>>
          %gather3A_328 = tpu.memref_squeeze %gather3A_327 : memref<1x129xf32, #tpu.memory_space<vmem>> -> memref<129xf32, #tpu.memory_space<vmem>>
          %gather3A_329 = tpu.vector_load_idx %gather3A_328[%get3A_304] : memref<129xf32, #tpu.memory_space<vmem>>[vector<16xi32>], vector<16xf32>,
          %gather3A_330 = arith.constant 5 : i32
          %gather3A_331 = arith.constant 0 : i32
          %gather3A_332 = tpu.memref_slice %arg7[%gather3A_330, %gather3A_331] : memref<16x129xf32, #tpu.memory_space<vmem>> -> memref<1x129xf32, #tpu.memory_space<vmem>>
          %gather3A_333 = tpu.memref_squeeze %gather3A_332 : memref<1x129xf32, #tpu.memory_space<vmem>> -> memref<129xf32, #tpu.memory_space<vmem>>
          %gather3A_334 = tpu.vector_load_idx %gather3A_333[%get3A_304] : memref<129xf32, #tpu.memory_space<vmem>>[vector<16xi32>], vector<16xf32>,
          %gather3A_335 = arith.constant 6 : i32
          %gather3A_336 = arith.constant 0 : i32
          %gather3A_337 = tpu.memref_slice %arg7[%gather3A_335, %gather3A_336] : memref<16x129xf32, #tpu.memory_space<vmem>> -> memref<1x129xf32, #tpu.memory_space<vmem>>
          %gather3A_338 = tpu.memref_squeeze %gather3A_337 : memref<1x129xf32, #tpu.memory_space<vmem>> -> memref<129xf32, #tpu.memory_space<vmem>>
          %gather3A_339 = tpu.vector_load_idx %gather3A_338[%get3A_304] : memref<129xf32, #tpu.memory_space<vmem>>[vector<16xi32>], vector<16xf32>,
          %gather3A_340 = arith.constant 7 : i32
          %gather3A_341 = arith.constant 0 : i32
          %gather3A_342 = tpu.memref_slice %arg7[%gather3A_340, %gather3A_341] : memref<16x129xf32, #tpu.memory_space<vmem>> -> memref<1x129xf32, #tpu.memory_space<vmem>>
          %gather3A_343 = tpu.memref_squeeze %gather3A_342 : memref<1x129xf32, #tpu.memory_space<vmem>> -> memref<129xf32, #tpu.memory_space<vmem>>
          %gather3A_344 = tpu.vector_load_idx %gather3A_343[%get3A_304] : memref<129xf32, #tpu.memory_space<vmem>>[vector<16xi32>], vector<16xf32>,
          %gather3A_345 = arith.constant 8 : i32
          %gather3A_346 = arith.constant 0 : i32
          %gather3A_347 = tpu.memref_slice %arg7[%gather3A_345, %gather3A_346] : memref<16x129xf32, #tpu.memory_space<vmem>> -> memref<1x129xf32, #tpu.memory_space<vmem>>
          %gather3A_348 = tpu.memref_squeeze %gather3A_347 : memref<1x129xf32, #tpu.memory_space<vmem>> -> memref<129xf32, #tpu.memory_space<vmem>>
          %gather3A_349 = tpu.vector_load_idx %gather3A_348[%get3A_304] : memref<129xf32, #tpu.memory_space<vmem>>[vector<16xi32>], vector<16xf32>,
          %gather3A_350 = arith.constant 9 : i32
          %gather3A_351 = arith.constant 0 : i32
          %gather3A_352 = tpu.memref_slice %arg7[%gather3A_350, %gather3A_351] : memref<16x129xf32, #tpu.memory_space<vmem>> -> memref<1x129xf32, #tpu.memory_space<vmem>>
          %gather3A_353 = tpu.memref_squeeze %gather3A_352 : memref<1x129xf32, #tpu.memory_space<vmem>> -> memref<129xf32, #tpu.memory_space<vmem>>
          %gather3A_354 = tpu.vector_load_idx %gather3A_353[%get3A_304] : memref<129xf32, #tpu.memory_space<vmem>>[vector<16xi32>], vector<16xf32>,
          %gather3A_355 = arith.constant 10 : i32
          %gather3A_356 = arith.constant 0 : i32
          %gather3A_357 = tpu.memref_slice %arg7[%gather3A_355, %gather3A_356] : memref<16x129xf32, #tpu.memory_space<vmem>> -> memref<1x129xf32, #tpu.memory_space<vmem>>
          %gather3A_358 = tpu.memref_squeeze %gather3A_357 : memref<1x129xf32, #tpu.memory_space<vmem>> -> memref<129xf32, #tpu.memory_space<vmem>>
          %gather3A_359 = tpu.vector_load_idx %gather3A_358[%get3A_304] : memref<129xf32, #tpu.memory_space<vmem>>[vector<16xi32>], vector<16xf32>,
          %gather3A_360 = arith.constant 11 : i32
          %gather3A_361 = arith.constant 0 : i32
          %gather3A_362 = tpu.memref_slice %arg7[%gather3A_360, %gather3A_361] : memref<16x129xf32, #tpu.memory_space<vmem>> -> memref<1x129xf32, #tpu.memory_space<vmem>>
          %gather3A_363 = tpu.memref_squeeze %gather3A_362 : memref<1x129xf32, #tpu.memory_space<vmem>> -> memref<129xf32, #tpu.memory_space<vmem>>
          %gather3A_364 = tpu.vector_load_idx %gather3A_363[%get3A_304] : memref<129xf32, #tpu.memory_space<vmem>>[vector<16xi32>], vector<16xf32>,
          %gather3A_365 = arith.constant 12 : i32
          %gather3A_366 = arith.constant 0 : i32
          %gather3A_367 = tpu.memref_slice %arg7[%gather3A_365, %gather3A_366] : memref<16x129xf32, #tpu.memory_space<vmem>> -> memref<1x129xf32, #tpu.memory_space<vmem>>
          %gather3A_368 = tpu.memref_squeeze %gather3A_367 : memref<1x129xf32, #tpu.memory_space<vmem>> -> memref<129xf32, #tpu.memory_space<vmem>>
          %gather3A_369 = tpu.vector_load_idx %gather3A_368[%get3A_304] : memref<129xf32, #tpu.memory_space<vmem>>[vector<16xi32>], vector<16xf32>,
          %gather3A_370 = arith.constant 13 : i32
          %gather3A_371 = arith.constant 0 : i32
          %gather3A_372 = tpu.memref_slice %arg7[%gather3A_370, %gather3A_371] : memref<16x129xf32, #tpu.memory_space<vmem>> -> memref<1x129xf32, #tpu.memory_space<vmem>>
          %gather3A_373 = tpu.memref_squeeze %gather3A_372 : memref<1x129xf32, #tpu.memory_space<vmem>> -> memref<129xf32, #tpu.memory_space<vmem>>
          %gather3A_374 = tpu.vector_load_idx %gather3A_373[%get3A_304] : memref<129xf32, #tpu.memory_space<vmem>>[vector<16xi32>], vector<16xf32>,
          %gather3A_375 = arith.constant 14 : i32
          %gather3A_376 = arith.constant 0 : i32
          %gather3A_377 = tpu.memref_slice %arg7[%gather3A_375, %gather3A_376] : memref<16x129xf32, #tpu.memory_space<vmem>> -> memref<1x129xf32, #tpu.memory_space<vmem>>
          %gather3A_378 = tpu.memref_squeeze %gather3A_377 : memref<1x129xf32, #tpu.memory_space<vmem>> -> memref<129xf32, #tpu.memory_space<vmem>>
          %gather3A_379 = tpu.vector_load_idx %gather3A_378[%get3A_304] : memref<129xf32, #tpu.memory_space<vmem>>[vector<16xi32>], vector<16xf32>,
          %gather3A_380 = arith.constant 15 : i32
          %gather3A_381 = arith.constant 0 : i32
          %gather3A_382 = tpu.memref_slice %arg7[%gather3A_380, %gather3A_381] : memref<16x129xf32, #tpu.memory_space<vmem>> -> memref<1x129xf32, #tpu.memory_space<vmem>>
          %gather3A_383 = tpu.memref_squeeze %gather3A_382 : memref<1x129xf32, #tpu.memory_space<vmem>> -> memref<129xf32, #tpu.memory_space<vmem>>
          %gather3A_384 = tpu.vector_load_idx %gather3A_383[%get3A_304] : memref<129xf32, #tpu.memory_space<vmem>>[vector<16xi32>], vector<16xf32>,
          %add3A_385 = arith.constant 0 : i32
          %add3A_386 = arith.addi %add3A_195, %add3A_385 : i32
          %add3A_387 = arith.constant 0 : i32
          %add3A_388 = arith.addi %add3A_386, %add3A_387 : i32
          %swap3A = arith.constant 0 : i32
          %swap3A_389 = tpu.memref_slice %arg6[%scan3A_123, %swap3A] : memref<2x32768xf32, #tpu.memory_space<vmem>> -> memref<1x32768xf32, #tpu.memory_space<vmem>>
          %swap3A_390 = tpu.memref_squeeze %swap3A_389 : memref<1x32768xf32, #tpu.memory_space<vmem>> -> memref<32768xf32, #tpu.memory_space<vmem>>
          %swap3A_391 = arith.index_cast %add3A_388 : i32 to index
          %swap3A_392 = tpu.vector_load %swap3A_390[%swap3A_391] {strides = array<i32>} : memref<32768xf32, #tpu.memory_space<vmem>>, vector<16xf32>,
          tpu.vector_store %swap3A_390[%swap3A_391], %gather3A_203 {strides = array<i32>} : memref<32768xf32, #tpu.memory_space<vmem>>, vector<16xf32>,
          %add3A_393 = arith.constant 0 : i32
          %add3A_394 = arith.addi %add3A_195, %add3A_393 : i32
          %add3A_395 = arith.constant 128 : i32
          %add3A_396 = arith.addi %add3A_394, %add3A_395 : i32
          %swap3A_397 = arith.constant 0 : i32
          %swap3A_398 = tpu.memref_slice %arg6[%scan3A_123, %swap3A_397] : memref<2x32768xf32, #tpu.memory_space<vmem>> -> memref<1x32768xf32, #tpu.memory_space<vmem>>
          %swap3A_399 = tpu.memref_squeeze %swap3A_398 : memref<1x32768xf32, #tpu.memory_space<vmem>> -> memref<32768xf32, #tpu.memory_space<vmem>>
          %swap3A_400 = arith.index_cast %add3A_396 : i32 to index
          %swap3A_401 = tpu.vector_load %swap3A_399[%swap3A_400] {strides = array<i32>} : memref<32768xf32, #tpu.memory_space<vmem>>, vector<16xf32>,
          tpu.vector_store %swap3A_399[%swap3A_400], %gather3A_208 {strides = array<i32>} : memref<32768xf32, #tpu.memory_space<vmem>>, vector<16xf32>,
          %add3A_402 = arith.constant 0 : i32
          %add3A_403 = arith.addi %add3A_195, %add3A_402 : i32
          %add3A_404 = arith.constant 256 : i32
          %add3A_405 = arith.addi %add3A_403, %add3A_404 : i32
          %swap3A_406 = arith.constant 0 : i32
          %swap3A_407 = tpu.memref_slice %arg6[%scan3A_123, %swap3A_406] : memref<2x32768xf32, #tpu.memory_space<vmem>> -> memref<1x32768xf32, #tpu.memory_space<vmem>>
          %swap3A_408 = tpu.memref_squeeze %swap3A_407 : memref<1x32768xf32, #tpu.memory_space<vmem>> -> memref<32768xf32, #tpu.memory_space<vmem>>
          %swap3A_409 = arith.index_cast %add3A_405 : i32 to index
          %swap3A_410 = tpu.vector_load %swap3A_408[%swap3A_409] {strides = array<i32>} : memref<32768xf32, #tpu.memory_space<vmem>>, vector<16xf32>,
          tpu.vector_store %swap3A_408[%swap3A_409], %gather3A_213 {strides = array<i32>} : memref<32768xf32, #tpu.memory_space<vmem>>, vector<16xf32>,
          %add3A_411 = arith.constant 0 : i32
          %add3A_412 = arith.addi %add3A_195, %add3A_411 : i32
          %add3A_413 = arith.constant 384 : i32
          %add3A_414 = arith.addi %add3A_412, %add3A_413 : i32
          %swap3A_415 = arith.constant 0 : i32
          %swap3A_416 = tpu.memref_slice %arg6[%scan3A_123, %swap3A_415] : memref<2x32768xf32, #tpu.memory_space<vmem>> -> memref<1x32768xf32, #tpu.memory_space<vmem>>
          %swap3A_417 = tpu.memref_squeeze %swap3A_416 : memref<1x32768xf32, #tpu.memory_space<vmem>> -> memref<32768xf32, #tpu.memory_space<vmem>>
          %swap3A_418 = arith.index_cast %add3A_414 : i32 to index
          %swap3A_419 = tpu.vector_load %swap3A_417[%swap3A_418] {strides = array<i32>} : memref<32768xf32, #tpu.memory_space<vmem>>, vector<16xf32>,
          tpu.vector_store %swap3A_417[%swap3A_418], %gather3A_218 {strides = array<i32>} : memref<32768xf32, #tpu.memory_space<vmem>>, vector<16xf32>,
          %add3A_420 = arith.constant 0 : i32
          %add3A_421 = arith.addi %add3A_195, %add3A_420 : i32
          %add3A_422 = arith.constant 512 : i32
          %add3A_423 = arith.addi %add3A_421, %add3A_422 : i32
          %swap3A_424 = arith.constant 0 : i32
          %swap3A_425 = tpu.memref_slice %arg6[%scan3A_123, %swap3A_424] : memref<2x32768xf32, #tpu.memory_space<vmem>> -> memref<1x32768xf32, #tpu.memory_space<vmem>>
          %swap3A_426 = tpu.memref_squeeze %swap3A_425 : memref<1x32768xf32, #tpu.memory_space<vmem>> -> memref<32768xf32, #tpu.memory_space<vmem>>
          %swap3A_427 = arith.index_cast %add3A_423 : i32 to index
          %swap3A_428 = tpu.vector_load %swap3A_426[%swap3A_427] {strides = array<i32>} : memref<32768xf32, #tpu.memory_space<vmem>>, vector<16xf32>,
          tpu.vector_store %swap3A_426[%swap3A_427], %gather3A_223 {strides = array<i32>} : memref<32768xf32, #tpu.memory_space<vmem>>, vector<16xf32>,
          %add3A_429 = arith.constant 0 : i32
          %add3A_430 = arith.addi %add3A_195, %add3A_429 : i32
          %add3A_431 = arith.constant 640 : i32
          %add3A_432 = arith.addi %add3A_430, %add3A_431 : i32
          %swap3A_433 = arith.constant 0 : i32
          %swap3A_434 = tpu.memref_slice %arg6[%scan3A_123, %swap3A_433] : memref<2x32768xf32, #tpu.memory_space<vmem>> -> memref<1x32768xf32, #tpu.memory_space<vmem>>
          %swap3A_435 = tpu.memref_squeeze %swap3A_434 : memref<1x32768xf32, #tpu.memory_space<vmem>> -> memref<32768xf32, #tpu.memory_space<vmem>>
          %swap3A_436 = arith.index_cast %add3A_432 : i32 to index
          %swap3A_437 = tpu.vector_load %swap3A_435[%swap3A_436] {strides = array<i32>} : memref<32768xf32, #tpu.memory_space<vmem>>, vector<16xf32>,
          tpu.vector_store %swap3A_435[%swap3A_436], %gather3A_228 {strides = array<i32>} : memref<32768xf32, #tpu.memory_space<vmem>>, vector<16xf32>,
          %add3A_438 = arith.constant 0 : i32
          %add3A_439 = arith.addi %add3A_195, %add3A_438 : i32
          %add3A_440 = arith.constant 768 : i32
          %add3A_441 = arith.addi %add3A_439, %add3A_440 : i32
          %swap3A_442 = arith.constant 0 : i32
          %swap3A_443 = tpu.memref_slice %arg6[%scan3A_123, %swap3A_442] : memref<2x32768xf32, #tpu.memory_space<vmem>> -> memref<1x32768xf32, #tpu.memory_space<vmem>>
          %swap3A_444 = tpu.memref_squeeze %swap3A_443 : memref<1x32768xf32, #tpu.memory_space<vmem>> -> memref<32768xf32, #tpu.memory_space<vmem>>
          %swap3A_445 = arith.index_cast %add3A_441 : i32 to index
          %swap3A_446 = tpu.vector_load %swap3A_444[%swap3A_445] {strides = array<i32>} : memref<32768xf32, #tpu.memory_space<vmem>>, vector<16xf32>,
          tpu.vector_store %swap3A_444[%swap3A_445], %gather3A_233 {strides = array<i32>} : memref<32768xf32, #tpu.memory_space<vmem>>, vector<16xf32>,
          %add3A_447 = arith.constant 0 : i32
          %add3A_448 = arith.addi %add3A_195, %add3A_447 : i32
          %add3A_449 = arith.constant 896 : i32
          %add3A_450 = arith.addi %add3A_448, %add3A_449 : i32
          %swap3A_451 = arith.constant 0 : i32
          %swap3A_452 = tpu.memref_slice %arg6[%scan3A_123, %swap3A_451] : memref<2x32768xf32, #tpu.memory_space<vmem>> -> memref<1x32768xf32, #tpu.memory_space<vmem>>
          %swap3A_453 = tpu.memref_squeeze %swap3A_452 : memref<1x32768xf32, #tpu.memory_space<vmem>> -> memref<32768xf32, #tpu.memory_space<vmem>>
          %swap3A_454 = arith.index_cast %add3A_450 : i32 to index
          %swap3A_455 = tpu.vector_load %swap3A_453[%swap3A_454] {strides = array<i32>} : memref<32768xf32, #tpu.memory_space<vmem>>, vector<16xf32>,
          tpu.vector_store %swap3A_453[%swap3A_454], %gather3A_238 {strides = array<i32>} : memref<32768xf32, #tpu.memory_space<vmem>>, vector<16xf32>,
          %add3A_456 = arith.constant 16384 : i32
          %add3A_457 = arith.addi %add3A_195, %add3A_456 : i32
          %add3A_458 = arith.constant 0 : i32
          %add3A_459 = arith.addi %add3A_457, %add3A_458 : i32
          %swap3A_460 = arith.constant 0 : i32
          %swap3A_461 = tpu.memref_slice %arg6[%scan3A_123, %swap3A_460] : memref<2x32768xf32, #tpu.memory_space<vmem>> -> memref<1x32768xf32, #tpu.memory_space<vmem>>
          %swap3A_462 = tpu.memref_squeeze %swap3A_461 : memref<1x32768xf32, #tpu.memory_space<vmem>> -> memref<32768xf32, #tpu.memory_space<vmem>>
          %swap3A_463 = arith.index_cast %add3A_459 : i32 to index
          %swap3A_464 = tpu.vector_load %swap3A_462[%swap3A_463] {strides = array<i32>} : memref<32768xf32, #tpu.memory_space<vmem>>, vector<16xf32>,
          tpu.vector_store %swap3A_462[%swap3A_463], %gather3A_243 {strides = array<i32>} : memref<32768xf32, #tpu.memory_space<vmem>>, vector<16xf32>,
          %add3A_465 = arith.constant 16384 : i32
          %add3A_466 = arith.addi %add3A_195, %add3A_465 : i32
          %add3A_467 = arith.constant 128 : i32
          %add3A_468 = arith.addi %add3A_466, %add3A_467 : i32
          %swap3A_469 = arith.constant 0 : i32
          %swap3A_470 = tpu.memref_slice %arg6[%scan3A_123, %swap3A_469] : memref<2x32768xf32, #tpu.memory_space<vmem>> -> memref<1x32768xf32, #tpu.memory_space<vmem>>
          %swap3A_471 = tpu.memref_squeeze %swap3A_470 : memref<1x32768xf32, #tpu.memory_space<vmem>> -> memref<32768xf32, #tpu.memory_space<vmem>>
          %swap3A_472 = arith.index_cast %add3A_468 : i32 to index
          %swap3A_473 = tpu.vector_load %swap3A_471[%swap3A_472] {strides = array<i32>} : memref<32768xf32, #tpu.memory_space<vmem>>, vector<16xf32>,
          tpu.vector_store %swap3A_471[%swap3A_472], %gather3A_248 {strides = array<i32>} : memref<32768xf32, #tpu.memory_space<vmem>>, vector<16xf32>,
          %add3A_474 = arith.constant 16384 : i32
          %add3A_475 = arith.addi %add3A_195, %add3A_474 : i32
          %add3A_476 = arith.constant 256 : i32
          %add3A_477 = arith.addi %add3A_475, %add3A_476 : i32
          %swap3A_478 = arith.constant 0 : i32
          %swap3A_479 = tpu.memref_slice %arg6[%scan3A_123, %swap3A_478] : memref<2x32768xf32, #tpu.memory_space<vmem>> -> memref<1x32768xf32, #tpu.memory_space<vmem>>
          %swap3A_480 = tpu.memref_squeeze %swap3A_479 : memref<1x32768xf32, #tpu.memory_space<vmem>> -> memref<32768xf32, #tpu.memory_space<vmem>>
          %swap3A_481 = arith.index_cast %add3A_477 : i32 to index
          %swap3A_482 = tpu.vector_load %swap3A_480[%swap3A_481] {strides = array<i32>} : memref<32768xf32, #tpu.memory_space<vmem>>, vector<16xf32>,
          tpu.vector_store %swap3A_480[%swap3A_481], %gather3A_253 {strides = array<i32>} : memref<32768xf32, #tpu.memory_space<vmem>>, vector<16xf32>,
          %add3A_483 = arith.constant 16384 : i32
          %add3A_484 = arith.addi %add3A_195, %add3A_483 : i32
          %add3A_485 = arith.constant 384 : i32
          %add3A_486 = arith.addi %add3A_484, %add3A_485 : i32
          %swap3A_487 = arith.constant 0 : i32
          %swap3A_488 = tpu.memref_slice %arg6[%scan3A_123, %swap3A_487] : memref<2x32768xf32, #tpu.memory_space<vmem>> -> memref<1x32768xf32, #tpu.memory_space<vmem>>
          %swap3A_489 = tpu.memref_squeeze %swap3A_488 : memref<1x32768xf32, #tpu.memory_space<vmem>> -> memref<32768xf32, #tpu.memory_space<vmem>>
          %swap3A_490 = arith.index_cast %add3A_486 : i32 to index
          %swap3A_491 = tpu.vector_load %swap3A_489[%swap3A_490] {strides = array<i32>} : memref<32768xf32, #tpu.memory_space<vmem>>, vector<16xf32>,
          tpu.vector_store %swap3A_489[%swap3A_490], %gather3A_258 {strides = array<i32>} : memref<32768xf32, #tpu.memory_space<vmem>>, vector<16xf32>,
          %add3A_492 = arith.constant 16384 : i32
          %add3A_493 = arith.addi %add3A_195, %add3A_492 : i32
          %add3A_494 = arith.constant 512 : i32
          %add3A_495 = arith.addi %add3A_493, %add3A_494 : i32
          %swap3A_496 = arith.constant 0 : i32
          %swap3A_497 = tpu.memref_slice %arg6[%scan3A_123, %swap3A_496] : memref<2x32768xf32, #tpu.memory_space<vmem>> -> memref<1x32768xf32, #tpu.memory_space<vmem>>
          %swap3A_498 = tpu.memref_squeeze %swap3A_497 : memref<1x32768xf32, #tpu.memory_space<vmem>> -> memref<32768xf32, #tpu.memory_space<vmem>>
          %swap3A_499 = arith.index_cast %add3A_495 : i32 to index
          %swap3A_500 = tpu.vector_load %swap3A_498[%swap3A_499] {strides = array<i32>} : memref<32768xf32, #tpu.memory_space<vmem>>, vector<16xf32>,
          tpu.vector_store %swap3A_498[%swap3A_499], %gather3A_263 {strides = array<i32>} : memref<32768xf32, #tpu.memory_space<vmem>>, vector<16xf32>,
          %add3A_501 = arith.constant 16384 : i32
          %add3A_502 = arith.addi %add3A_195, %add3A_501 : i32
          %add3A_503 = arith.constant 640 : i32
          %add3A_504 = arith.addi %add3A_502, %add3A_503 : i32
          %swap3A_505 = arith.constant 0 : i32
          %swap3A_506 = tpu.memref_slice %arg6[%scan3A_123, %swap3A_505] : memref<2x32768xf32, #tpu.memory_space<vmem>> -> memref<1x32768xf32, #tpu.memory_space<vmem>>
          %swap3A_507 = tpu.memref_squeeze %swap3A_506 : memref<1x32768xf32, #tpu.memory_space<vmem>> -> memref<32768xf32, #tpu.memory_space<vmem>>
          %swap3A_508 = arith.index_cast %add3A_504 : i32 to index
          %swap3A_509 = tpu.vector_load %swap3A_507[%swap3A_508] {strides = array<i32>} : memref<32768xf32, #tpu.memory_space<vmem>>, vector<16xf32>,
          tpu.vector_store %swap3A_507[%swap3A_508], %gather3A_268 {strides = array<i32>} : memref<32768xf32, #tpu.memory_space<vmem>>, vector<16xf32>,
          %add3A_510 = arith.constant 16384 : i32
          %add3A_511 = arith.addi %add3A_195, %add3A_510 : i32
          %add3A_512 = arith.constant 768 : i32
          %add3A_513 = arith.addi %add3A_511, %add3A_512 : i32
          %swap3A_514 = arith.constant 0 : i32
          %swap3A_515 = tpu.memref_slice %arg6[%scan3A_123, %swap3A_514] : memref<2x32768xf32, #tpu.memory_space<vmem>> -> memref<1x32768xf32, #tpu.memory_space<vmem>>
          %swap3A_516 = tpu.memref_squeeze %swap3A_515 : memref<1x32768xf32, #tpu.memory_space<vmem>> -> memref<32768xf32, #tpu.memory_space<vmem>>
          %swap3A_517 = arith.index_cast %add3A_513 : i32 to index
          %swap3A_518 = tpu.vector_load %swap3A_516[%swap3A_517] {strides = array<i32>} : memref<32768xf32, #tpu.memory_space<vmem>>, vector<16xf32>,
          tpu.vector_store %swap3A_516[%swap3A_517], %gather3A_273 {strides = array<i32>} : memref<32768xf32, #tpu.memory_space<vmem>>, vector<16xf32>,
          %add3A_519 = arith.constant 16384 : i32
          %add3A_520 = arith.addi %add3A_195, %add3A_519 : i32
          %add3A_521 = arith.constant 896 : i32
          %add3A_522 = arith.addi %add3A_520, %add3A_521 : i32
          %swap3A_523 = arith.constant 0 : i32
          %swap3A_524 = tpu.memref_slice %arg6[%scan3A_123, %swap3A_523] : memref<2x32768xf32, #tpu.memory_space<vmem>> -> memref<1x32768xf32, #tpu.memory_space<vmem>>
          %swap3A_525 = tpu.memref_squeeze %swap3A_524 : memref<1x32768xf32, #tpu.memory_space<vmem>> -> memref<32768xf32, #tpu.memory_space<vmem>>
          %swap3A_526 = arith.index_cast %add3A_522 : i32 to index
          %swap3A_527 = tpu.vector_load %swap3A_525[%swap3A_526] {strides = array<i32>} : memref<32768xf32, #tpu.memory_space<vmem>>, vector<16xf32>,
          tpu.vector_store %swap3A_525[%swap3A_526], %gather3A_278 {strides = array<i32>} : memref<32768xf32, #tpu.memory_space<vmem>>, vector<16xf32>,
          %add3A_528 = arith.constant 0 : i32
          %add3A_529 = arith.addi %add3A_299, %add3A_528 : i32
          %add3A_530 = arith.constant 0 : i32
          %add3A_531 = arith.addi %add3A_529, %add3A_530 : i32
          %swap3A_532 = arith.constant 0 : i32
          %swap3A_533 = tpu.memref_slice %arg6[%scan3A_123, %swap3A_532] : memref<2x32768xf32, #tpu.memory_space<vmem>> -> memref<1x32768xf32, #tpu.memory_space<vmem>>
          %swap3A_534 = tpu.memref_squeeze %swap3A_533 : memref<1x32768xf32, #tpu.memory_space<vmem>> -> memref<32768xf32, #tpu.memory_space<vmem>>
          %swap3A_535 = arith.index_cast %add3A_531 : i32 to index
          %swap3A_536 = tpu.vector_load %swap3A_534[%swap3A_535] {strides = array<i32>} : memref<32768xf32, #tpu.memory_space<vmem>>, vector<16xf32>,
          tpu.vector_store %swap3A_534[%swap3A_535], %gather3A_309 {strides = array<i32>} : memref<32768xf32, #tpu.memory_space<vmem>>, vector<16xf32>,
          %add3A_537 = arith.constant 0 : i32
          %add3A_538 = arith.addi %add3A_299, %add3A_537 : i32
          %add3A_539 = arith.constant 128 : i32
          %add3A_540 = arith.addi %add3A_538, %add3A_539 : i32
          %swap3A_541 = arith.constant 0 : i32
          %swap3A_542 = tpu.memref_slice %arg6[%scan3A_123, %swap3A_541] : memref<2x32768xf32, #tpu.memory_space<vmem>> -> memref<1x32768xf32, #tpu.memory_space<vmem>>
          %swap3A_543 = tpu.memref_squeeze %swap3A_542 : memref<1x32768xf32, #tpu.memory_space<vmem>> -> memref<32768xf32, #tpu.memory_space<vmem>>
          %swap3A_544 = arith.index_cast %add3A_540 : i32 to index
          %swap3A_545 = tpu.vector_load %swap3A_543[%swap3A_544] {strides = array<i32>} : memref<32768xf32, #tpu.memory_space<vmem>>, vector<16xf32>,
          tpu.vector_store %swap3A_543[%swap3A_544], %gather3A_314 {strides = array<i32>} : memref<32768xf32, #tpu.memory_space<vmem>>, vector<16xf32>,
          %add3A_546 = arith.constant 0 : i32
          %add3A_547 = arith.addi %add3A_299, %add3A_546 : i32
          %add3A_548 = arith.constant 256 : i32
          %add3A_549 = arith.addi %add3A_547, %add3A_548 : i32
          %swap3A_550 = arith.constant 0 : i32
          %swap3A_551 = tpu.memref_slice %arg6[%scan3A_123, %swap3A_550] : memref<2x32768xf32, #tpu.memory_space<vmem>> -> memref<1x32768xf32, #tpu.memory_space<vmem>>
          %swap3A_552 = tpu.memref_squeeze %swap3A_551 : memref<1x32768xf32, #tpu.memory_space<vmem>> -> memref<32768xf32, #tpu.memory_space<vmem>>
          %swap3A_553 = arith.index_cast %add3A_549 : i32 to index
          %swap3A_554 = tpu.vector_load %swap3A_552[%swap3A_553] {strides = array<i32>} : memref<32768xf32, #tpu.memory_space<vmem>>, vector<16xf32>,
          tpu.vector_store %swap3A_552[%swap3A_553], %gather3A_319 {strides = array<i32>} : memref<32768xf32, #tpu.memory_space<vmem>>, vector<16xf32>,
          %add3A_555 = arith.constant 0 : i32
          %add3A_556 = arith.addi %add3A_299, %add3A_555 : i32
          %add3A_557 = arith.constant 384 : i32
          %add3A_558 = arith.addi %add3A_556, %add3A_557 : i32
          %swap3A_559 = arith.constant 0 : i32
          %swap3A_560 = tpu.memref_slice %arg6[%scan3A_123, %swap3A_559] : memref<2x32768xf32, #tpu.memory_space<vmem>> -> memref<1x32768xf32, #tpu.memory_space<vmem>>
          %swap3A_561 = tpu.memref_squeeze %swap3A_560 : memref<1x32768xf32, #tpu.memory_space<vmem>> -> memref<32768xf32, #tpu.memory_space<vmem>>
          %swap3A_562 = arith.index_cast %add3A_558 : i32 to index
          %swap3A_563 = tpu.vector_load %swap3A_561[%swap3A_562] {strides = array<i32>} : memref<32768xf32, #tpu.memory_space<vmem>>, vector<16xf32>,
          tpu.vector_store %swap3A_561[%swap3A_562], %gather3A_324 {strides = array<i32>} : memref<32768xf32, #tpu.memory_space<vmem>>, vector<16xf32>,
          %add3A_564 = arith.constant 0 : i32
          %add3A_565 = arith.addi %add3A_299, %add3A_564 : i32
          %add3A_566 = arith.constant 512 : i32
          %add3A_567 = arith.addi %add3A_565, %add3A_566 : i32
          %swap3A_568 = arith.constant 0 : i32
          %swap3A_569 = tpu.memref_slice %arg6[%scan3A_123, %swap3A_568] : memref<2x32768xf32, #tpu.memory_space<vmem>> -> memref<1x32768xf32, #tpu.memory_space<vmem>>
          %swap3A_570 = tpu.memref_squeeze %swap3A_569 : memref<1x32768xf32, #tpu.memory_space<vmem>> -> memref<32768xf32, #tpu.memory_space<vmem>>
          %swap3A_571 = arith.index_cast %add3A_567 : i32 to index
          %swap3A_572 = tpu.vector_load %swap3A_570[%swap3A_571] {strides = array<i32>} : memref<32768xf32, #tpu.memory_space<vmem>>, vector<16xf32>,
          tpu.vector_store %swap3A_570[%swap3A_571], %gather3A_329 {strides = array<i32>} : memref<32768xf32, #tpu.memory_space<vmem>>, vector<16xf32>,
          %add3A_573 = arith.constant 0 : i32
          %add3A_574 = arith.addi %add3A_299, %add3A_573 : i32
          %add3A_575 = arith.constant 640 : i32
          %add3A_576 = arith.addi %add3A_574, %add3A_575 : i32
          %swap3A_577 = arith.constant 0 : i32
          %swap3A_578 = tpu.memref_slice %arg6[%scan3A_123, %swap3A_577] : memref<2x32768xf32, #tpu.memory_space<vmem>> -> memref<1x32768xf32, #tpu.memory_space<vmem>>
          %swap3A_579 = tpu.memref_squeeze %swap3A_578 : memref<1x32768xf32, #tpu.memory_space<vmem>> -> memref<32768xf32, #tpu.memory_space<vmem>>
          %swap3A_580 = arith.index_cast %add3A_576 : i32 to index
          %swap3A_581 = tpu.vector_load %swap3A_579[%swap3A_580] {strides = array<i32>} : memref<32768xf32, #tpu.memory_space<vmem>>, vector<16xf32>,
          tpu.vector_store %swap3A_579[%swap3A_580], %gather3A_334 {strides = array<i32>} : memref<32768xf32, #tpu.memory_space<vmem>>, vector<16xf32>,
          %add3A_582 = arith.constant 0 : i32
          %add3A_583 = arith.addi %add3A_299, %add3A_582 : i32
          %add3A_584 = arith.constant 768 : i32
          %add3A_585 = arith.addi %add3A_583, %add3A_584 : i32
          %swap3A_586 = arith.constant 0 : i32
          %swap3A_587 = tpu.memref_slice %arg6[%scan3A_123, %swap3A_586] : memref<2x32768xf32, #tpu.memory_space<vmem>> -> memref<1x32768xf32, #tpu.memory_space<vmem>>
          %swap3A_588 = tpu.memref_squeeze %swap3A_587 : memref<1x32768xf32, #tpu.memory_space<vmem>> -> memref<32768xf32, #tpu.memory_space<vmem>>
          %swap3A_589 = arith.index_cast %add3A_585 : i32 to index
          %swap3A_590 = tpu.vector_load %swap3A_588[%swap3A_589] {strides = array<i32>} : memref<32768xf32, #tpu.memory_space<vmem>>, vector<16xf32>,
          tpu.vector_store %swap3A_588[%swap3A_589], %gather3A_339 {strides = array<i32>} : memref<32768xf32, #tpu.memory_space<vmem>>, vector<16xf32>,
          %add3A_591 = arith.constant 0 : i32
          %add3A_592 = arith.addi %add3A_299, %add3A_591 : i32
          %add3A_593 = arith.constant 896 : i32
          %add3A_594 = arith.addi %add3A_592, %add3A_593 : i32
          %swap3A_595 = arith.constant 0 : i32
          %swap3A_596 = tpu.memref_slice %arg6[%scan3A_123, %swap3A_595] : memref<2x32768xf32, #tpu.memory_space<vmem>> -> memref<1x32768xf32, #tpu.memory_space<vmem>>
          %swap3A_597 = tpu.memref_squeeze %swap3A_596 : memref<1x32768xf32, #tpu.memory_space<vmem>> -> memref<32768xf32, #tpu.memory_space<vmem>>
          %swap3A_598 = arith.index_cast %add3A_594 : i32 to index
          %swap3A_599 = tpu.vector_load %swap3A_597[%swap3A_598] {strides = array<i32>} : memref<32768xf32, #tpu.memory_space<vmem>>, vector<16xf32>,
          tpu.vector_store %swap3A_597[%swap3A_598], %gather3A_344 {strides = array<i32>} : memref<32768xf32, #tpu.memory_space<vmem>>, vector<16xf32>,
          %add3A_600 = arith.constant 16384 : i32
          %add3A_601 = arith.addi %add3A_299, %add3A_600 : i32
          %add3A_602 = arith.constant 0 : i32
          %add3A_603 = arith.addi %add3A_601, %add3A_602 : i32
          %swap3A_604 = arith.constant 0 : i32
          %swap3A_605 = tpu.memref_slice %arg6[%scan3A_123, %swap3A_604] : memref<2x32768xf32, #tpu.memory_space<vmem>> -> memref<1x32768xf32, #tpu.memory_space<vmem>>
          %swap3A_606 = tpu.memref_squeeze %swap3A_605 : memref<1x32768xf32, #tpu.memory_space<vmem>> -> memref<32768xf32, #tpu.memory_space<vmem>>
          %swap3A_607 = arith.index_cast %add3A_603 : i32 to index
          %swap3A_608 = tpu.vector_load %swap3A_606[%swap3A_607] {strides = array<i32>} : memref<32768xf32, #tpu.memory_space<vmem>>, vector<16xf32>,
          tpu.vector_store %swap3A_606[%swap3A_607], %gather3A_349 {strides = array<i32>} : memref<32768xf32, #tpu.memory_space<vmem>>, vector<16xf32>,
          %add3A_609 = arith.constant 16384 : i32
          %add3A_610 = arith.addi %add3A_299, %add3A_609 : i32
          %add3A_611 = arith.constant 128 : i32
          %add3A_612 = arith.addi %add3A_610, %add3A_611 : i32
          %swap3A_613 = arith.constant 0 : i32
          %swap3A_614 = tpu.memref_slice %arg6[%scan3A_123, %swap3A_613] : memref<2x32768xf32, #tpu.memory_space<vmem>> -> memref<1x32768xf32, #tpu.memory_space<vmem>>
          %swap3A_615 = tpu.memref_squeeze %swap3A_614 : memref<1x32768xf32, #tpu.memory_space<vmem>> -> memref<32768xf32, #tpu.memory_space<vmem>>
          %swap3A_616 = arith.index_cast %add3A_612 : i32 to index
          %swap3A_617 = tpu.vector_load %swap3A_615[%swap3A_616] {strides = array<i32>} : memref<32768xf32, #tpu.memory_space<vmem>>, vector<16xf32>,
          tpu.vector_store %swap3A_615[%swap3A_616], %gather3A_354 {strides = array<i32>} : memref<32768xf32, #tpu.memory_space<vmem>>, vector<16xf32>,
          %add3A_618 = arith.constant 16384 : i32
          %add3A_619 = arith.addi %add3A_299, %add3A_618 : i32
          %add3A_620 = arith.constant 256 : i32
          %add3A_621 = arith.addi %add3A_619, %add3A_620 : i32
          %swap3A_622 = arith.constant 0 : i32
          %swap3A_623 = tpu.memref_slice %arg6[%scan3A_123, %swap3A_622] : memref<2x32768xf32, #tpu.memory_space<vmem>> -> memref<1x32768xf32, #tpu.memory_space<vmem>>
          %swap3A_624 = tpu.memref_squeeze %swap3A_623 : memref<1x32768xf32, #tpu.memory_space<vmem>> -> memref<32768xf32, #tpu.memory_space<vmem>>
          %swap3A_625 = arith.index_cast %add3A_621 : i32 to index
          %swap3A_626 = tpu.vector_load %swap3A_624[%swap3A_625] {strides = array<i32>} : memref<32768xf32, #tpu.memory_space<vmem>>, vector<16xf32>,
          tpu.vector_store %swap3A_624[%swap3A_625], %gather3A_359 {strides = array<i32>} : memref<32768xf32, #tpu.memory_space<vmem>>, vector<16xf32>,
          %add3A_627 = arith.constant 16384 : i32
          %add3A_628 = arith.addi %add3A_299, %add3A_627 : i32
          %add3A_629 = arith.constant 384 : i32
          %add3A_630 = arith.addi %add3A_628, %add3A_629 : i32
          %swap3A_631 = arith.constant 0 : i32
          %swap3A_632 = tpu.memref_slice %arg6[%scan3A_123, %swap3A_631] : memref<2x32768xf32, #tpu.memory_space<vmem>> -> memref<1x32768xf32, #tpu.memory_space<vmem>>
          %swap3A_633 = tpu.memref_squeeze %swap3A_632 : memref<1x32768xf32, #tpu.memory_space<vmem>> -> memref<32768xf32, #tpu.memory_space<vmem>>
          %swap3A_634 = arith.index_cast %add3A_630 : i32 to index
          %swap3A_635 = tpu.vector_load %swap3A_633[%swap3A_634] {strides = array<i32>} : memref<32768xf32, #tpu.memory_space<vmem>>, vector<16xf32>,
          tpu.vector_store %swap3A_633[%swap3A_634], %gather3A_364 {strides = array<i32>} : memref<32768xf32, #tpu.memory_space<vmem>>, vector<16xf32>,
          %add3A_636 = arith.constant 16384 : i32
          %add3A_637 = arith.addi %add3A_299, %add3A_636 : i32
          %add3A_638 = arith.constant 512 : i32
          %add3A_639 = arith.addi %add3A_637, %add3A_638 : i32
          %swap3A_640 = arith.constant 0 : i32
          %swap3A_641 = tpu.memref_slice %arg6[%scan3A_123, %swap3A_640] : memref<2x32768xf32, #tpu.memory_space<vmem>> -> memref<1x32768xf32, #tpu.memory_space<vmem>>
          %swap3A_642 = tpu.memref_squeeze %swap3A_641 : memref<1x32768xf32, #tpu.memory_space<vmem>> -> memref<32768xf32, #tpu.memory_space<vmem>>
          %swap3A_643 = arith.index_cast %add3A_639 : i32 to index
          %swap3A_644 = tpu.vector_load %swap3A_642[%swap3A_643] {strides = array<i32>} : memref<32768xf32, #tpu.memory_space<vmem>>, vector<16xf32>,
          tpu.vector_store %swap3A_642[%swap3A_643], %gather3A_369 {strides = array<i32>} : memref<32768xf32, #tpu.memory_space<vmem>>, vector<16xf32>,
          %add3A_645 = arith.constant 16384 : i32
          %add3A_646 = arith.addi %add3A_299, %add3A_645 : i32
          %add3A_647 = arith.constant 640 : i32
          %add3A_648 = arith.addi %add3A_646, %add3A_647 : i32
          %swap3A_649 = arith.constant 0 : i32
          %swap3A_650 = tpu.memref_slice %arg6[%scan3A_123, %swap3A_649] : memref<2x32768xf32, #tpu.memory_space<vmem>> -> memref<1x32768xf32, #tpu.memory_space<vmem>>
          %swap3A_651 = tpu.memref_squeeze %swap3A_650 : memref<1x32768xf32, #tpu.memory_space<vmem>> -> memref<32768xf32, #tpu.memory_space<vmem>>
          %swap3A_652 = arith.index_cast %add3A_648 : i32 to index
          %swap3A_653 = tpu.vector_load %swap3A_651[%swap3A_652] {strides = array<i32>} : memref<32768xf32, #tpu.memory_space<vmem>>, vector<16xf32>,
          tpu.vector_store %swap3A_651[%swap3A_652], %gather3A_374 {strides = array<i32>} : memref<32768xf32, #tpu.memory_space<vmem>>, vector<16xf32>,
          %add3A_654 = arith.constant 16384 : i32
          %add3A_655 = arith.addi %add3A_299, %add3A_654 : i32
          %add3A_656 = arith.constant 768 : i32
          %add3A_657 = arith.addi %add3A_655, %add3A_656 : i32
          %swap3A_658 = arith.constant 0 : i32
          %swap3A_659 = tpu.memref_slice %arg6[%scan3A_123, %swap3A_658] : memref<2x32768xf32, #tpu.memory_space<vmem>> -> memref<1x32768xf32, #tpu.memory_space<vmem>>
          %swap3A_660 = tpu.memref_squeeze %swap3A_659 : memref<1x32768xf32, #tpu.memory_space<vmem>> -> memref<32768xf32, #tpu.memory_space<vmem>>
          %swap3A_661 = arith.index_cast %add3A_657 : i32 to index
          %swap3A_662 = tpu.vector_load %swap3A_660[%swap3A_661] {strides = array<i32>} : memref<32768xf32, #tpu.memory_space<vmem>>, vector<16xf32>,
          tpu.vector_store %swap3A_660[%swap3A_661], %gather3A_379 {strides = array<i32>} : memref<32768xf32, #tpu.memory_space<vmem>>, vector<16xf32>,
          %add3A_663 = arith.constant 16384 : i32
          %add3A_664 = arith.addi %add3A_299, %add3A_663 : i32
          %add3A_665 = arith.constant 896 : i32
          %add3A_666 = arith.addi %add3A_664, %add3A_665 : i32
          %swap3A_667 = arith.constant 0 : i32
          %swap3A_668 = tpu.memref_slice %arg6[%scan3A_123, %swap3A_667] : memref<2x32768xf32, #tpu.memory_space<vmem>> -> memref<1x32768xf32, #tpu.memory_space<vmem>>
          %swap3A_669 = tpu.memref_squeeze %swap3A_668 : memref<1x32768xf32, #tpu.memory_space<vmem>> -> memref<32768xf32, #tpu.memory_space<vmem>>
          %swap3A_670 = arith.index_cast %add3A_666 : i32 to index
          %swap3A_671 = tpu.vector_load %swap3A_669[%swap3A_670] {strides = array<i32>} : memref<32768xf32, #tpu.memory_space<vmem>>, vector<16xf32>,
          tpu.vector_store %swap3A_669[%swap3A_670], %gather3A_384 {strides = array<i32>} : memref<32768xf32, #tpu.memory_space<vmem>>, vector<16xf32>,
        }
        %scan3A_128 = arith.constant 64 : i32
        %mul3A_129 = arith.constant 32768 : i32
        %mul3A_130 = arith.muli %add3A_113, %mul3A_129 : i32
        %multiple_of3A_131 = tpu.assume_multiple %mul3A_130, 32768 : i32
        %dma_start3A_132 = arith.constant 0 : i32
        %dma_start3A_133 = arith.constant 0 : i32
        %dma_start3A_134 = tpu.memref_slice %arg6[%dma_start3A_132, %dma_start3A_133] : memref<2x32768xf32, #tpu.memory_space<vmem>> -> memref<1x32768xf32, #tpu.memory_space<vmem>>
        %dma_start3A_135 = tpu.memref_squeeze %dma_start3A_134 : memref<1x32768xf32, #tpu.memory_space<vmem>> -> memref<32768xf32, #tpu.memory_space<vmem>>
        %dma_start3A_136 = tpu.memref_slice %arg4[%multiple_of3A_131] : memref<67108864xf32, #tpu.memory_space<hbm>> -> memref<32768xf32, #tpu.memory_space<hbm>>
        %dma_start3A_137 = tpu.memref_slice %arg4[%multiple_of3A_131] : memref<67108864xf32, #tpu.memory_space<hbm>> -> memref<32768xf32, #tpu.memory_space<hbm>>
        %dma_start3A_138 = arith.constant 0 : i32
        %dma_start3A_139 = tpu.memref_slice %arg6[%dma_start3A_132, %dma_start3A_138] : memref<2x32768xf32, #tpu.memory_space<vmem>> -> memref<1x32768xf32, #tpu.memory_space<vmem>>
        %dma_start3A_140 = tpu.memref_squeeze %dma_start3A_139 : memref<1x32768xf32, #tpu.memory_space<vmem>> -> memref<32768xf32, #tpu.memory_space<vmem>>
        tpu.enqueue_dma source(%dma_start3A_140 : memref<32768xf32, #tpu.memory_space<vmem>>) target(%dma_start3A_137 : memref<32768xf32, #tpu.memory_space<hbm>>) target_semaphore(%arg10 : memref<!tpu.dma_semaphore, #tpu.memory_space<semaphore_mem>>)
        %mul3A_141 = arith.constant 2 : i32
        %mul3A_142 = arith.muli %scan3A_106, %mul3A_141 : i32
        %add3A_143 = arith.constant 1 : i32
        %add3A_144 = arith.addi %mul3A_142, %add3A_143 : i32
        %mul3A_145 = arith.constant 8 : i32
        %mul3A_146 = arith.muli %add3A_53, %mul3A_145 : i32
        %add3A_147 = arith.addi %mul3A_146, %add3A_144 : i32
        %mul3A_148 = arith.constant 8 : i32
        %mul3A_149 = arith.muli %add3A_52, %mul3A_148 : i32
        %add3A_150 = arith.addi %mul3A_149, %add3A_144 : i32
        %ge3A_151 = arith.constant 2 : i32
        %ge3A_152 = arith.cmpi sge, %add3A_150, %ge3A_151 : i32
        %convert_element_type3A_153 = arith.extui %ge3A_152 : i1 to i32
        %cond3A_154 = arith.constant 0 : i32
        %cond3A_155 = arith.cmpi ne, %convert_element_type3A_153, %cond3A_154 : i32
        scf.if %cond3A_155 {
          %mul3A_176 = arith.constant 32768 : i32
          %mul3A_177 = arith.muli %add3A_147, %mul3A_176 : i32
          %multiple_of3A_178 = tpu.assume_multiple %mul3A_177, 32768 : i32
          %dma_wait3A_179 = arith.constant 1 : i32
          %dma_wait3A_180 = arith.constant 0 : i32
          %dma_wait3A_181 = tpu.memref_slice %arg6[%dma_wait3A_179, %dma_wait3A_180] : memref<2x32768xf32, #tpu.memory_space<vmem>> -> memref<1x32768xf32, #tpu.memory_space<vmem>>
          %dma_wait3A_182 = tpu.memref_squeeze %dma_wait3A_181 : memref<1x32768xf32, #tpu.memory_space<vmem>> -> memref<32768xf32, #tpu.memory_space<vmem>>
          %dma_wait3A_183 = tpu.memref_slice %arg4[%multiple_of3A_178] : memref<67108864xf32, #tpu.memory_space<hbm>> -> memref<32768xf32, #tpu.memory_space<hbm>>
          %dma_wait3A_184 = tpu.memref_slice %arg4[%multiple_of3A_178] : memref<67108864xf32, #tpu.memory_space<hbm>> -> memref<32768xf32, #tpu.memory_space<hbm>>
          %dma_wait3A_185 = arith.constant 0 : i32
          %dma_wait3A_186 = tpu.memref_slice %arg6[%dma_wait3A_179, %dma_wait3A_185] : memref<2x32768xf32, #tpu.memory_space<vmem>> -> memref<1x32768xf32, #tpu.memory_space<vmem>>
          %dma_wait3A_187 = tpu.memref_squeeze %dma_wait3A_186 : memref<1x32768xf32, #tpu.memory_space<vmem>> -> memref<32768xf32, #tpu.memory_space<vmem>>
          tpu.wait_dma2 semaphore(%arg11 : memref<!tpu.dma_semaphore, #tpu.memory_space<semaphore_mem>>) src(%dma_wait3A_187 : memref<32768xf32, #tpu.memory_space<vmem>>) dst(%dma_wait3A_184 : memref<32768xf32, #tpu.memory_space<hbm>>)
        } else {
        }
        %scan3A_156 = arith.constant 0 : i32
        %scan3A_157 = arith.constant 0 : i32
        %scan3A_158 = arith.constant 1 : i32
        %scan3A_159 = arith.constant 0 : i32
        %scan3A_160 = arith.constant 64 : i32
        %scan3A_161 = arith.addi %scan3A_159, %scan3A_160 : i32
        %scan3A_162 = arith.constant 1 : i32
        scf.for %scan3A_176 = %scan3A_159 to %scan3A_161 step %scan3A_162  : i32 {
          %mul3A_177 = arith.constant 2 : i32
          %mul3A_178 = arith.muli %scan3A_176, %mul3A_177 : i32
          %add3A_179 = arith.constant 0 : i32
          %add3A_180 = arith.addi %mul3A_178, %add3A_179 : i32
          %shift_right_arithmetic3A = arith.constant 3 : i32
          %shift_right_arithmetic3A_181 = arith.shrsi %add3A_180, %shift_right_arithmetic3A : i32
          %and3A = arith.constant 7 : i32
          %and3A_182 = arith.andi %add3A_180, %and3A : i32
          %mul3A_183 = arith.constant 1024 : i32
          %mul3A_184 = arith.muli %shift_right_arithmetic3A_181, %mul3A_183 : i32
          %mul3A_185 = arith.constant 128 : i32
          %mul3A_186 = arith.muli %add3A_144, %mul3A_185 : i32
          %add3A_187 = arith.addi %mul3A_184, %mul3A_186 : i32
          %mul3A_188 = arith.constant 16 : i32
          %mul3A_189 = arith.muli %and3A_182, %mul3A_188 : i32
          %add3A_190 = arith.addi %add3A_187, %mul3A_189 : i32
          %mul3A_191 = arith.constant 1024 : i32
          %mul3A_192 = arith.muli %shift_right_arithmetic3A_181, %mul3A_191 : i32
          %mul3A_193 = arith.constant 16 : i32
          %mul3A_194 = arith.muli %and3A_182, %mul3A_193 : i32
          %add3A_195 = arith.addi %mul3A_192, %mul3A_194 : i32
          %get3A = arith.constant 0 : i32
          %get3A_196 = tpu.memref_slice %arg5[%scan3A_157, %get3A] : memref<2x16384xi32, #tpu.memory_space<vmem>> -> memref<1x16384xi32, #tpu.memory_space<vmem>>
          %get3A_197 = tpu.memref_squeeze %get3A_196 : memref<1x16384xi32, #tpu.memory_space<vmem>> -> memref<16384xi32, #tpu.memory_space<vmem>>
          %get3A_198 = arith.index_cast %add3A_190 : i32 to index
          %get3A_199 = tpu.vector_load %get3A_197[%get3A_198] {strides = array<i32>} : memref<16384xi32, #tpu.memory_space<vmem>>, vector<16xi32>,
          %gather3A = arith.constant 0 : i32
          %gather3A_200 = arith.constant 0 : i32
          %gather3A_201 = tpu.memref_slice %arg7[%gather3A, %gather3A_200] : memref<16x129xf32, #tpu.memory_space<vmem>> -> memref<1x129xf32, #tpu.memory_space<vmem>>
          %gather3A_202 = tpu.memref_squeeze %gather3A_201 : memref<1x129xf32, #tpu.memory_space<vmem>> -> memref<129xf32, #tpu.memory_space<vmem>>
          %gather3A_203 = tpu.vector_load_idx %gather3A_202[%get3A_199] : memref<129xf32, #tpu.memory_space<vmem>>[vector<16xi32>], vector<16xf32>,
          %gather3A_204 = arith.constant 1 : i32
          %gather3A_205 = arith.constant 0 : i32
          %gather3A_206 = tpu.memref_slice %arg7[%gather3A_204, %gather3A_205] : memref<16x129xf32, #tpu.memory_space<vmem>> -> memref<1x129xf32, #tpu.memory_space<vmem>>
          %gather3A_207 = tpu.memref_squeeze %gather3A_206 : memref<1x129xf32, #tpu.memory_space<vmem>> -> memref<129xf32, #tpu.memory_space<vmem>>
          %gather3A_208 = tpu.vector_load_idx %gather3A_207[%get3A_199] : memref<129xf32, #tpu.memory_space<vmem>>[vector<16xi32>], vector<16xf32>,
          %gather3A_209 = arith.constant 2 : i32
          %gather3A_210 = arith.constant 0 : i32
          %gather3A_211 = tpu.memref_slice %arg7[%gather3A_209, %gather3A_210] : memref<16x129xf32, #tpu.memory_space<vmem>> -> memref<1x129xf32, #tpu.memory_space<vmem>>
          %gather3A_212 = tpu.memref_squeeze %gather3A_211 : memref<1x129xf32, #tpu.memory_space<vmem>> -> memref<129xf32, #tpu.memory_space<vmem>>
          %gather3A_213 = tpu.vector_load_idx %gather3A_212[%get3A_199] : memref<129xf32, #tpu.memory_space<vmem>>[vector<16xi32>], vector<16xf32>,
          %gather3A_214 = arith.constant 3 : i32
          %gather3A_215 = arith.constant 0 : i32
          %gather3A_216 = tpu.memref_slice %arg7[%gather3A_214, %gather3A_215] : memref<16x129xf32, #tpu.memory_space<vmem>> -> memref<1x129xf32, #tpu.memory_space<vmem>>
          %gather3A_217 = tpu.memref_squeeze %gather3A_216 : memref<1x129xf32, #tpu.memory_space<vmem>> -> memref<129xf32, #tpu.memory_space<vmem>>
          %gather3A_218 = tpu.vector_load_idx %gather3A_217[%get3A_199] : memref<129xf32, #tpu.memory_space<vmem>>[vector<16xi32>], vector<16xf32>,
          %gather3A_219 = arith.constant 4 : i32
          %gather3A_220 = arith.constant 0 : i32
          %gather3A_221 = tpu.memref_slice %arg7[%gather3A_219, %gather3A_220] : memref<16x129xf32, #tpu.memory_space<vmem>> -> memref<1x129xf32, #tpu.memory_space<vmem>>
          %gather3A_222 = tpu.memref_squeeze %gather3A_221 : memref<1x129xf32, #tpu.memory_space<vmem>> -> memref<129xf32, #tpu.memory_space<vmem>>
          %gather3A_223 = tpu.vector_load_idx %gather3A_222[%get3A_199] : memref<129xf32, #tpu.memory_space<vmem>>[vector<16xi32>], vector<16xf32>,
          %gather3A_224 = arith.constant 5 : i32
          %gather3A_225 = arith.constant 0 : i32
          %gather3A_226 = tpu.memref_slice %arg7[%gather3A_224, %gather3A_225] : memref<16x129xf32, #tpu.memory_space<vmem>> -> memref<1x129xf32, #tpu.memory_space<vmem>>
          %gather3A_227 = tpu.memref_squeeze %gather3A_226 : memref<1x129xf32, #tpu.memory_space<vmem>> -> memref<129xf32, #tpu.memory_space<vmem>>
          %gather3A_228 = tpu.vector_load_idx %gather3A_227[%get3A_199] : memref<129xf32, #tpu.memory_space<vmem>>[vector<16xi32>], vector<16xf32>,
          %gather3A_229 = arith.constant 6 : i32
          %gather3A_230 = arith.constant 0 : i32
          %gather3A_231 = tpu.memref_slice %arg7[%gather3A_229, %gather3A_230] : memref<16x129xf32, #tpu.memory_space<vmem>> -> memref<1x129xf32, #tpu.memory_space<vmem>>
          %gather3A_232 = tpu.memref_squeeze %gather3A_231 : memref<1x129xf32, #tpu.memory_space<vmem>> -> memref<129xf32, #tpu.memory_space<vmem>>
          %gather3A_233 = tpu.vector_load_idx %gather3A_232[%get3A_199] : memref<129xf32, #tpu.memory_space<vmem>>[vector<16xi32>], vector<16xf32>,
          %gather3A_234 = arith.constant 7 : i32
          %gather3A_235 = arith.constant 0 : i32
          %gather3A_236 = tpu.memref_slice %arg7[%gather3A_234, %gather3A_235] : memref<16x129xf32, #tpu.memory_space<vmem>> -> memref<1x129xf32, #tpu.memory_space<vmem>>
          %gather3A_237 = tpu.memref_squeeze %gather3A_236 : memref<1x129xf32, #tpu.memory_space<vmem>> -> memref<129xf32, #tpu.memory_space<vmem>>
          %gather3A_238 = tpu.vector_load_idx %gather3A_237[%get3A_199] : memref<129xf32, #tpu.memory_space<vmem>>[vector<16xi32>], vector<16xf32>,
          %gather3A_239 = arith.constant 8 : i32
          %gather3A_240 = arith.constant 0 : i32
          %gather3A_241 = tpu.memref_slice %arg7[%gather3A_239, %gather3A_240] : memref<16x129xf32, #tpu.memory_space<vmem>> -> memref<1x129xf32, #tpu.memory_space<vmem>>
          %gather3A_242 = tpu.memref_squeeze %gather3A_241 : memref<1x129xf32, #tpu.memory_space<vmem>> -> memref<129xf32, #tpu.memory_space<vmem>>
          %gather3A_243 = tpu.vector_load_idx %gather3A_242[%get3A_199] : memref<129xf32, #tpu.memory_space<vmem>>[vector<16xi32>], vector<16xf32>,
          %gather3A_244 = arith.constant 9 : i32
          %gather3A_245 = arith.constant 0 : i32
          %gather3A_246 = tpu.memref_slice %arg7[%gather3A_244, %gather3A_245] : memref<16x129xf32, #tpu.memory_space<vmem>> -> memref<1x129xf32, #tpu.memory_space<vmem>>
          %gather3A_247 = tpu.memref_squeeze %gather3A_246 : memref<1x129xf32, #tpu.memory_space<vmem>> -> memref<129xf32, #tpu.memory_space<vmem>>
          %gather3A_248 = tpu.vector_load_idx %gather3A_247[%get3A_199] : memref<129xf32, #tpu.memory_space<vmem>>[vector<16xi32>], vector<16xf32>,
          %gather3A_249 = arith.constant 10 : i32
          %gather3A_250 = arith.constant 0 : i32
          %gather3A_251 = tpu.memref_slice %arg7[%gather3A_249, %gather3A_250] : memref<16x129xf32, #tpu.memory_space<vmem>> -> memref<1x129xf32, #tpu.memory_space<vmem>>
          %gather3A_252 = tpu.memref_squeeze %gather3A_251 : memref<1x129xf32, #tpu.memory_space<vmem>> -> memref<129xf32, #tpu.memory_space<vmem>>
          %gather3A_253 = tpu.vector_load_idx %gather3A_252[%get3A_199] : memref<129xf32, #tpu.memory_space<vmem>>[vector<16xi32>], vector<16xf32>,
          %gather3A_254 = arith.constant 11 : i32
          %gather3A_255 = arith.constant 0 : i32
          %gather3A_256 = tpu.memref_slice %arg7[%gather3A_254, %gather3A_255] : memref<16x129xf32, #tpu.memory_space<vmem>> -> memref<1x129xf32, #tpu.memory_space<vmem>>
          %gather3A_257 = tpu.memref_squeeze %gather3A_256 : memref<1x129xf32, #tpu.memory_space<vmem>> -> memref<129xf32, #tpu.memory_space<vmem>>
          %gather3A_258 = tpu.vector_load_idx %gather3A_257[%get3A_199] : memref<129xf32, #tpu.memory_space<vmem>>[vector<16xi32>], vector<16xf32>,
          %gather3A_259 = arith.constant 12 : i32
          %gather3A_260 = arith.constant 0 : i32
          %gather3A_261 = tpu.memref_slice %arg7[%gather3A_259, %gather3A_260] : memref<16x129xf32, #tpu.memory_space<vmem>> -> memref<1x129xf32, #tpu.memory_space<vmem>>
          %gather3A_262 = tpu.memref_squeeze %gather3A_261 : memref<1x129xf32, #tpu.memory_space<vmem>> -> memref<129xf32, #tpu.memory_space<vmem>>
          %gather3A_263 = tpu.vector_load_idx %gather3A_262[%get3A_199] : memref<129xf32, #tpu.memory_space<vmem>>[vector<16xi32>], vector<16xf32>,
          %gather3A_264 = arith.constant 13 : i32
          %gather3A_265 = arith.constant 0 : i32
          %gather3A_266 = tpu.memref_slice %arg7[%gather3A_264, %gather3A_265] : memref<16x129xf32, #tpu.memory_space<vmem>> -> memref<1x129xf32, #tpu.memory_space<vmem>>
          %gather3A_267 = tpu.memref_squeeze %gather3A_266 : memref<1x129xf32, #tpu.memory_space<vmem>> -> memref<129xf32, #tpu.memory_space<vmem>>
          %gather3A_268 = tpu.vector_load_idx %gather3A_267[%get3A_199] : memref<129xf32, #tpu.memory_space<vmem>>[vector<16xi32>], vector<16xf32>,
          %gather3A_269 = arith.constant 14 : i32
          %gather3A_270 = arith.constant 0 : i32
          %gather3A_271 = tpu.memref_slice %arg7[%gather3A_269, %gather3A_270] : memref<16x129xf32, #tpu.memory_space<vmem>> -> memref<1x129xf32, #tpu.memory_space<vmem>>
          %gather3A_272 = tpu.memref_squeeze %gather3A_271 : memref<1x129xf32, #tpu.memory_space<vmem>> -> memref<129xf32, #tpu.memory_space<vmem>>
          %gather3A_273 = tpu.vector_load_idx %gather3A_272[%get3A_199] : memref<129xf32, #tpu.memory_space<vmem>>[vector<16xi32>], vector<16xf32>,
          %gather3A_274 = arith.constant 15 : i32
          %gather3A_275 = arith.constant 0 : i32
          %gather3A_276 = tpu.memref_slice %arg7[%gather3A_274, %gather3A_275] : memref<16x129xf32, #tpu.memory_space<vmem>> -> memref<1x129xf32, #tpu.memory_space<vmem>>
          %gather3A_277 = tpu.memref_squeeze %gather3A_276 : memref<1x129xf32, #tpu.memory_space<vmem>> -> memref<129xf32, #tpu.memory_space<vmem>>
          %gather3A_278 = tpu.vector_load_idx %gather3A_277[%get3A_199] : memref<129xf32, #tpu.memory_space<vmem>>[vector<16xi32>], vector<16xf32>,
          %mul3A_279 = arith.constant 2 : i32
          %mul3A_280 = arith.muli %scan3A_176, %mul3A_279 : i32
          %add3A_281 = arith.constant 1 : i32
          %add3A_282 = arith.addi %mul3A_280, %add3A_281 : i32
          %shift_right_arithmetic3A_283 = arith.constant 3 : i32
          %shift_right_arithmetic3A_284 = arith.shrsi %add3A_282, %shift_right_arithmetic3A_283 : i32
          %and3A_285 = arith.constant 7 : i32
          %and3A_286 = arith.andi %add3A_282, %and3A_285 : i32
          %mul3A_287 = arith.constant 1024 : i32
          %mul3A_288 = arith.muli %shift_right_arithmetic3A_284, %mul3A_287 : i32
          %mul3A_289 = arith.constant 128 : i32
          %mul3A_290 = arith.muli %add3A_144, %mul3A_289 : i32
          %add3A_291 = arith.addi %mul3A_288, %mul3A_290 : i32
          %mul3A_292 = arith.constant 16 : i32
          %mul3A_293 = arith.muli %and3A_286, %mul3A_292 : i32
          %add3A_294 = arith.addi %add3A_291, %mul3A_293 : i32
          %mul3A_295 = arith.constant 1024 : i32
          %mul3A_296 = arith.muli %shift_right_arithmetic3A_284, %mul3A_295 : i32
          %mul3A_297 = arith.constant 16 : i32
          %mul3A_298 = arith.muli %and3A_286, %mul3A_297 : i32
          %add3A_299 = arith.addi %mul3A_296, %mul3A_298 : i32
          %get3A_300 = arith.constant 0 : i32
          %get3A_301 = tpu.memref_slice %arg5[%scan3A_157, %get3A_300] : memref<2x16384xi32, #tpu.memory_space<vmem>> -> memref<1x16384xi32, #tpu.memory_space<vmem>>
          %get3A_302 = tpu.memref_squeeze %get3A_301 : memref<1x16384xi32, #tpu.memory_space<vmem>> -> memref<16384xi32, #tpu.memory_space<vmem>>
          %get3A_303 = arith.index_cast %add3A_294 : i32 to index
          %get3A_304 = tpu.vector_load %get3A_302[%get3A_303] {strides = array<i32>} : memref<16384xi32, #tpu.memory_space<vmem>>, vector<16xi32>,
          %gather3A_305 = arith.constant 0 : i32
          %gather3A_306 = arith.constant 0 : i32
          %gather3A_307 = tpu.memref_slice %arg7[%gather3A_305, %gather3A_306] : memref<16x129xf32, #tpu.memory_space<vmem>> -> memref<1x129xf32, #tpu.memory_space<vmem>>
          %gather3A_308 = tpu.memref_squeeze %gather3A_307 : memref<1x129xf32, #tpu.memory_space<vmem>> -> memref<129xf32, #tpu.memory_space<vmem>>
          %gather3A_309 = tpu.vector_load_idx %gather3A_308[%get3A_304] : memref<129xf32, #tpu.memory_space<vmem>>[vector<16xi32>], vector<16xf32>,
          %gather3A_310 = arith.constant 1 : i32
          %gather3A_311 = arith.constant 0 : i32
          %gather3A_312 = tpu.memref_slice %arg7[%gather3A_310, %gather3A_311] : memref<16x129xf32, #tpu.memory_space<vmem>> -> memref<1x129xf32, #tpu.memory_space<vmem>>
          %gather3A_313 = tpu.memref_squeeze %gather3A_312 : memref<1x129xf32, #tpu.memory_space<vmem>> -> memref<129xf32, #tpu.memory_space<vmem>>
          %gather3A_314 = tpu.vector_load_idx %gather3A_313[%get3A_304] : memref<129xf32, #tpu.memory_space<vmem>>[vector<16xi32>], vector<16xf32>,
          %gather3A_315 = arith.constant 2 : i32
          %gather3A_316 = arith.constant 0 : i32
          %gather3A_317 = tpu.memref_slice %arg7[%gather3A_315, %gather3A_316] : memref<16x129xf32, #tpu.memory_space<vmem>> -> memref<1x129xf32, #tpu.memory_space<vmem>>
          %gather3A_318 = tpu.memref_squeeze %gather3A_317 : memref<1x129xf32, #tpu.memory_space<vmem>> -> memref<129xf32, #tpu.memory_space<vmem>>
          %gather3A_319 = tpu.vector_load_idx %gather3A_318[%get3A_304] : memref<129xf32, #tpu.memory_space<vmem>>[vector<16xi32>], vector<16xf32>,
          %gather3A_320 = arith.constant 3 : i32
          %gather3A_321 = arith.constant 0 : i32
          %gather3A_322 = tpu.memref_slice %arg7[%gather3A_320, %gather3A_321] : memref<16x129xf32, #tpu.memory_space<vmem>> -> memref<1x129xf32, #tpu.memory_space<vmem>>
          %gather3A_323 = tpu.memref_squeeze %gather3A_322 : memref<1x129xf32, #tpu.memory_space<vmem>> -> memref<129xf32, #tpu.memory_space<vmem>>
          %gather3A_324 = tpu.vector_load_idx %gather3A_323[%get3A_304] : memref<129xf32, #tpu.memory_space<vmem>>[vector<16xi32>], vector<16xf32>,
          %gather3A_325 = arith.constant 4 : i32
          %gather3A_326 = arith.constant 0 : i32
          %gather3A_327 = tpu.memref_slice %arg7[%gather3A_325, %gather3A_326] : memref<16x129xf32, #tpu.memory_space<vmem>> -> memref<1x129xf32, #tpu.memory_space<vmem>>
          %gather3A_328 = tpu.memref_squeeze %gather3A_327 : memref<1x129xf32, #tpu.memory_space<vmem>> -> memref<129xf32, #tpu.memory_space<vmem>>
          %gather3A_329 = tpu.vector_load_idx %gather3A_328[%get3A_304] : memref<129xf32, #tpu.memory_space<vmem>>[vector<16xi32>], vector<16xf32>,
          %gather3A_330 = arith.constant 5 : i32
          %gather3A_331 = arith.constant 0 : i32
          %gather3A_332 = tpu.memref_slice %arg7[%gather3A_330, %gather3A_331] : memref<16x129xf32, #tpu.memory_space<vmem>> -> memref<1x129xf32, #tpu.memory_space<vmem>>
          %gather3A_333 = tpu.memref_squeeze %gather3A_332 : memref<1x129xf32, #tpu.memory_space<vmem>> -> memref<129xf32, #tpu.memory_space<vmem>>
          %gather3A_334 = tpu.vector_load_idx %gather3A_333[%get3A_304] : memref<129xf32, #tpu.memory_space<vmem>>[vector<16xi32>], vector<16xf32>,
          %gather3A_335 = arith.constant 6 : i32
          %gather3A_336 = arith.constant 0 : i32
          %gather3A_337 = tpu.memref_slice %arg7[%gather3A_335, %gather3A_336] : memref<16x129xf32, #tpu.memory_space<vmem>> -> memref<1x129xf32, #tpu.memory_space<vmem>>
          %gather3A_338 = tpu.memref_squeeze %gather3A_337 : memref<1x129xf32, #tpu.memory_space<vmem>> -> memref<129xf32, #tpu.memory_space<vmem>>
          %gather3A_339 = tpu.vector_load_idx %gather3A_338[%get3A_304] : memref<129xf32, #tpu.memory_space<vmem>>[vector<16xi32>], vector<16xf32>,
          %gather3A_340 = arith.constant 7 : i32
          %gather3A_341 = arith.constant 0 : i32
          %gather3A_342 = tpu.memref_slice %arg7[%gather3A_340, %gather3A_341] : memref<16x129xf32, #tpu.memory_space<vmem>> -> memref<1x129xf32, #tpu.memory_space<vmem>>
          %gather3A_343 = tpu.memref_squeeze %gather3A_342 : memref<1x129xf32, #tpu.memory_space<vmem>> -> memref<129xf32, #tpu.memory_space<vmem>>
          %gather3A_344 = tpu.vector_load_idx %gather3A_343[%get3A_304] : memref<129xf32, #tpu.memory_space<vmem>>[vector<16xi32>], vector<16xf32>,
          %gather3A_345 = arith.constant 8 : i32
          %gather3A_346 = arith.constant 0 : i32
          %gather3A_347 = tpu.memref_slice %arg7[%gather3A_345, %gather3A_346] : memref<16x129xf32, #tpu.memory_space<vmem>> -> memref<1x129xf32, #tpu.memory_space<vmem>>
          %gather3A_348 = tpu.memref_squeeze %gather3A_347 : memref<1x129xf32, #tpu.memory_space<vmem>> -> memref<129xf32, #tpu.memory_space<vmem>>
          %gather3A_349 = tpu.vector_load_idx %gather3A_348[%get3A_304] : memref<129xf32, #tpu.memory_space<vmem>>[vector<16xi32>], vector<16xf32>,
          %gather3A_350 = arith.constant 9 : i32
          %gather3A_351 = arith.constant 0 : i32
          %gather3A_352 = tpu.memref_slice %arg7[%gather3A_350, %gather3A_351] : memref<16x129xf32, #tpu.memory_space<vmem>> -> memref<1x129xf32, #tpu.memory_space<vmem>>
          %gather3A_353 = tpu.memref_squeeze %gather3A_352 : memref<1x129xf32, #tpu.memory_space<vmem>> -> memref<129xf32, #tpu.memory_space<vmem>>
          %gather3A_354 = tpu.vector_load_idx %gather3A_353[%get3A_304] : memref<129xf32, #tpu.memory_space<vmem>>[vector<16xi32>], vector<16xf32>,
          %gather3A_355 = arith.constant 10 : i32
          %gather3A_356 = arith.constant 0 : i32
          %gather3A_357 = tpu.memref_slice %arg7[%gather3A_355, %gather3A_356] : memref<16x129xf32, #tpu.memory_space<vmem>> -> memref<1x129xf32, #tpu.memory_space<vmem>>
          %gather3A_358 = tpu.memref_squeeze %gather3A_357 : memref<1x129xf32, #tpu.memory_space<vmem>> -> memref<129xf32, #tpu.memory_space<vmem>>
          %gather3A_359 = tpu.vector_load_idx %gather3A_358[%get3A_304] : memref<129xf32, #tpu.memory_space<vmem>>[vector<16xi32>], vector<16xf32>,
          %gather3A_360 = arith.constant 11 : i32
          %gather3A_361 = arith.constant 0 : i32
          %gather3A_362 = tpu.memref_slice %arg7[%gather3A_360, %gather3A_361] : memref<16x129xf32, #tpu.memory_space<vmem>> -> memref<1x129xf32, #tpu.memory_space<vmem>>
          %gather3A_363 = tpu.memref_squeeze %gather3A_362 : memref<1x129xf32, #tpu.memory_space<vmem>> -> memref<129xf32, #tpu.memory_space<vmem>>
          %gather3A_364 = tpu.vector_load_idx %gather3A_363[%get3A_304] : memref<129xf32, #tpu.memory_space<vmem>>[vector<16xi32>], vector<16xf32>,
          %gather3A_365 = arith.constant 12 : i32
          %gather3A_366 = arith.constant 0 : i32
          %gather3A_367 = tpu.memref_slice %arg7[%gather3A_365, %gather3A_366] : memref<16x129xf32, #tpu.memory_space<vmem>> -> memref<1x129xf32, #tpu.memory_space<vmem>>
          %gather3A_368 = tpu.memref_squeeze %gather3A_367 : memref<1x129xf32, #tpu.memory_space<vmem>> -> memref<129xf32, #tpu.memory_space<vmem>>
          %gather3A_369 = tpu.vector_load_idx %gather3A_368[%get3A_304] : memref<129xf32, #tpu.memory_space<vmem>>[vector<16xi32>], vector<16xf32>,
          %gather3A_370 = arith.constant 13 : i32
          %gather3A_371 = arith.constant 0 : i32
          %gather3A_372 = tpu.memref_slice %arg7[%gather3A_370, %gather3A_371] : memref<16x129xf32, #tpu.memory_space<vmem>> -> memref<1x129xf32, #tpu.memory_space<vmem>>
          %gather3A_373 = tpu.memref_squeeze %gather3A_372 : memref<1x129xf32, #tpu.memory_space<vmem>> -> memref<129xf32, #tpu.memory_space<vmem>>
          %gather3A_374 = tpu.vector_load_idx %gather3A_373[%get3A_304] : memref<129xf32, #tpu.memory_space<vmem>>[vector<16xi32>], vector<16xf32>,
          %gather3A_375 = arith.constant 14 : i32
          %gather3A_376 = arith.constant 0 : i32
          %gather3A_377 = tpu.memref_slice %arg7[%gather3A_375, %gather3A_376] : memref<16x129xf32, #tpu.memory_space<vmem>> -> memref<1x129xf32, #tpu.memory_space<vmem>>
          %gather3A_378 = tpu.memref_squeeze %gather3A_377 : memref<1x129xf32, #tpu.memory_space<vmem>> -> memref<129xf32, #tpu.memory_space<vmem>>
          %gather3A_379 = tpu.vector_load_idx %gather3A_378[%get3A_304] : memref<129xf32, #tpu.memory_space<vmem>>[vector<16xi32>], vector<16xf32>,
          %gather3A_380 = arith.constant 15 : i32
          %gather3A_381 = arith.constant 0 : i32
          %gather3A_382 = tpu.memref_slice %arg7[%gather3A_380, %gather3A_381] : memref<16x129xf32, #tpu.memory_space<vmem>> -> memref<1x129xf32, #tpu.memory_space<vmem>>
          %gather3A_383 = tpu.memref_squeeze %gather3A_382 : memref<1x129xf32, #tpu.memory_space<vmem>> -> memref<129xf32, #tpu.memory_space<vmem>>
          %gather3A_384 = tpu.vector_load_idx %gather3A_383[%get3A_304] : memref<129xf32, #tpu.memory_space<vmem>>[vector<16xi32>], vector<16xf32>,
          %add3A_385 = arith.constant 0 : i32
          %add3A_386 = arith.addi %add3A_195, %add3A_385 : i32
          %add3A_387 = arith.constant 0 : i32
          %add3A_388 = arith.addi %add3A_386, %add3A_387 : i32
          %swap3A = arith.constant 0 : i32
          %swap3A_389 = tpu.memref_slice %arg6[%scan3A_158, %swap3A] : memref<2x32768xf32, #tpu.memory_space<vmem>> -> memref<1x32768xf32, #tpu.memory_space<vmem>>
          %swap3A_390 = tpu.memref_squeeze %swap3A_389 : memref<1x32768xf32, #tpu.memory_space<vmem>> -> memref<32768xf32, #tpu.memory_space<vmem>>
          %swap3A_391 = arith.index_cast %add3A_388 : i32 to index
          %swap3A_392 = tpu.vector_load %swap3A_390[%swap3A_391] {strides = array<i32>} : memref<32768xf32, #tpu.memory_space<vmem>>, vector<16xf32>,
          tpu.vector_store %swap3A_390[%swap3A_391], %gather3A_203 {strides = array<i32>} : memref<32768xf32, #tpu.memory_space<vmem>>, vector<16xf32>,
          %add3A_393 = arith.constant 0 : i32
          %add3A_394 = arith.addi %add3A_195, %add3A_393 : i32
          %add3A_395 = arith.constant 128 : i32
          %add3A_396 = arith.addi %add3A_394, %add3A_395 : i32
          %swap3A_397 = arith.constant 0 : i32
          %swap3A_398 = tpu.memref_slice %arg6[%scan3A_158, %swap3A_397] : memref<2x32768xf32, #tpu.memory_space<vmem>> -> memref<1x32768xf32, #tpu.memory_space<vmem>>
          %swap3A_399 = tpu.memref_squeeze %swap3A_398 : memref<1x32768xf32, #tpu.memory_space<vmem>> -> memref<32768xf32, #tpu.memory_space<vmem>>
          %swap3A_400 = arith.index_cast %add3A_396 : i32 to index
          %swap3A_401 = tpu.vector_load %swap3A_399[%swap3A_400] {strides = array<i32>} : memref<32768xf32, #tpu.memory_space<vmem>>, vector<16xf32>,
          tpu.vector_store %swap3A_399[%swap3A_400], %gather3A_208 {strides = array<i32>} : memref<32768xf32, #tpu.memory_space<vmem>>, vector<16xf32>,
          %add3A_402 = arith.constant 0 : i32
          %add3A_403 = arith.addi %add3A_195, %add3A_402 : i32
          %add3A_404 = arith.constant 256 : i32
          %add3A_405 = arith.addi %add3A_403, %add3A_404 : i32
          %swap3A_406 = arith.constant 0 : i32
          %swap3A_407 = tpu.memref_slice %arg6[%scan3A_158, %swap3A_406] : memref<2x32768xf32, #tpu.memory_space<vmem>> -> memref<1x32768xf32, #tpu.memory_space<vmem>>
          %swap3A_408 = tpu.memref_squeeze %swap3A_407 : memref<1x32768xf32, #tpu.memory_space<vmem>> -> memref<32768xf32, #tpu.memory_space<vmem>>
          %swap3A_409 = arith.index_cast %add3A_405 : i32 to index
          %swap3A_410 = tpu.vector_load %swap3A_408[%swap3A_409] {strides = array<i32>} : memref<32768xf32, #tpu.memory_space<vmem>>, vector<16xf32>,
          tpu.vector_store %swap3A_408[%swap3A_409], %gather3A_213 {strides = array<i32>} : memref<32768xf32, #tpu.memory_space<vmem>>, vector<16xf32>,
          %add3A_411 = arith.constant 0 : i32
          %add3A_412 = arith.addi %add3A_195, %add3A_411 : i32
          %add3A_413 = arith.constant 384 : i32
          %add3A_414 = arith.addi %add3A_412, %add3A_413 : i32
          %swap3A_415 = arith.constant 0 : i32
          %swap3A_416 = tpu.memref_slice %arg6[%scan3A_158, %swap3A_415] : memref<2x32768xf32, #tpu.memory_space<vmem>> -> memref<1x32768xf32, #tpu.memory_space<vmem>>
          %swap3A_417 = tpu.memref_squeeze %swap3A_416 : memref<1x32768xf32, #tpu.memory_space<vmem>> -> memref<32768xf32, #tpu.memory_space<vmem>>
          %swap3A_418 = arith.index_cast %add3A_414 : i32 to index
          %swap3A_419 = tpu.vector_load %swap3A_417[%swap3A_418] {strides = array<i32>} : memref<32768xf32, #tpu.memory_space<vmem>>, vector<16xf32>,
          tpu.vector_store %swap3A_417[%swap3A_418], %gather3A_218 {strides = array<i32>} : memref<32768xf32, #tpu.memory_space<vmem>>, vector<16xf32>,
          %add3A_420 = arith.constant 0 : i32
          %add3A_421 = arith.addi %add3A_195, %add3A_420 : i32
          %add3A_422 = arith.constant 512 : i32
          %add3A_423 = arith.addi %add3A_421, %add3A_422 : i32
          %swap3A_424 = arith.constant 0 : i32
          %swap3A_425 = tpu.memref_slice %arg6[%scan3A_158, %swap3A_424] : memref<2x32768xf32, #tpu.memory_space<vmem>> -> memref<1x32768xf32, #tpu.memory_space<vmem>>
          %swap3A_426 = tpu.memref_squeeze %swap3A_425 : memref<1x32768xf32, #tpu.memory_space<vmem>> -> memref<32768xf32, #tpu.memory_space<vmem>>
          %swap3A_427 = arith.index_cast %add3A_423 : i32 to index
          %swap3A_428 = tpu.vector_load %swap3A_426[%swap3A_427] {strides = array<i32>} : memref<32768xf32, #tpu.memory_space<vmem>>, vector<16xf32>,
          tpu.vector_store %swap3A_426[%swap3A_427], %gather3A_223 {strides = array<i32>} : memref<32768xf32, #tpu.memory_space<vmem>>, vector<16xf32>,
          %add3A_429 = arith.constant 0 : i32
          %add3A_430 = arith.addi %add3A_195, %add3A_429 : i32
          %add3A_431 = arith.constant 640 : i32
          %add3A_432 = arith.addi %add3A_430, %add3A_431 : i32
          %swap3A_433 = arith.constant 0 : i32
          %swap3A_434 = tpu.memref_slice %arg6[%scan3A_158, %swap3A_433] : memref<2x32768xf32, #tpu.memory_space<vmem>> -> memref<1x32768xf32, #tpu.memory_space<vmem>>
          %swap3A_435 = tpu.memref_squeeze %swap3A_434 : memref<1x32768xf32, #tpu.memory_space<vmem>> -> memref<32768xf32, #tpu.memory_space<vmem>>
          %swap3A_436 = arith.index_cast %add3A_432 : i32 to index
          %swap3A_437 = tpu.vector_load %swap3A_435[%swap3A_436] {strides = array<i32>} : memref<32768xf32, #tpu.memory_space<vmem>>, vector<16xf32>,
          tpu.vector_store %swap3A_435[%swap3A_436], %gather3A_228 {strides = array<i32>} : memref<32768xf32, #tpu.memory_space<vmem>>, vector<16xf32>,
          %add3A_438 = arith.constant 0 : i32
          %add3A_439 = arith.addi %add3A_195, %add3A_438 : i32
          %add3A_440 = arith.constant 768 : i32
          %add3A_441 = arith.addi %add3A_439, %add3A_440 : i32
          %swap3A_442 = arith.constant 0 : i32
          %swap3A_443 = tpu.memref_slice %arg6[%scan3A_158, %swap3A_442] : memref<2x32768xf32, #tpu.memory_space<vmem>> -> memref<1x32768xf32, #tpu.memory_space<vmem>>
          %swap3A_444 = tpu.memref_squeeze %swap3A_443 : memref<1x32768xf32, #tpu.memory_space<vmem>> -> memref<32768xf32, #tpu.memory_space<vmem>>
          %swap3A_445 = arith.index_cast %add3A_441 : i32 to index
          %swap3A_446 = tpu.vector_load %swap3A_444[%swap3A_445] {strides = array<i32>} : memref<32768xf32, #tpu.memory_space<vmem>>, vector<16xf32>,
          tpu.vector_store %swap3A_444[%swap3A_445], %gather3A_233 {strides = array<i32>} : memref<32768xf32, #tpu.memory_space<vmem>>, vector<16xf32>,
          %add3A_447 = arith.constant 0 : i32
          %add3A_448 = arith.addi %add3A_195, %add3A_447 : i32
          %add3A_449 = arith.constant 896 : i32
          %add3A_450 = arith.addi %add3A_448, %add3A_449 : i32
          %swap3A_451 = arith.constant 0 : i32
          %swap3A_452 = tpu.memref_slice %arg6[%scan3A_158, %swap3A_451] : memref<2x32768xf32, #tpu.memory_space<vmem>> -> memref<1x32768xf32, #tpu.memory_space<vmem>>
          %swap3A_453 = tpu.memref_squeeze %swap3A_452 : memref<1x32768xf32, #tpu.memory_space<vmem>> -> memref<32768xf32, #tpu.memory_space<vmem>>
          %swap3A_454 = arith.index_cast %add3A_450 : i32 to index
          %swap3A_455 = tpu.vector_load %swap3A_453[%swap3A_454] {strides = array<i32>} : memref<32768xf32, #tpu.memory_space<vmem>>, vector<16xf32>,
          tpu.vector_store %swap3A_453[%swap3A_454], %gather3A_238 {strides = array<i32>} : memref<32768xf32, #tpu.memory_space<vmem>>, vector<16xf32>,
          %add3A_456 = arith.constant 16384 : i32
          %add3A_457 = arith.addi %add3A_195, %add3A_456 : i32
          %add3A_458 = arith.constant 0 : i32
          %add3A_459 = arith.addi %add3A_457, %add3A_458 : i32
          %swap3A_460 = arith.constant 0 : i32
          %swap3A_461 = tpu.memref_slice %arg6[%scan3A_158, %swap3A_460] : memref<2x32768xf32, #tpu.memory_space<vmem>> -> memref<1x32768xf32, #tpu.memory_space<vmem>>
          %swap3A_462 = tpu.memref_squeeze %swap3A_461 : memref<1x32768xf32, #tpu.memory_space<vmem>> -> memref<32768xf32, #tpu.memory_space<vmem>>
          %swap3A_463 = arith.index_cast %add3A_459 : i32 to index
          %swap3A_464 = tpu.vector_load %swap3A_462[%swap3A_463] {strides = array<i32>} : memref<32768xf32, #tpu.memory_space<vmem>>, vector<16xf32>,
          tpu.vector_store %swap3A_462[%swap3A_463], %gather3A_243 {strides = array<i32>} : memref<32768xf32, #tpu.memory_space<vmem>>, vector<16xf32>,
          %add3A_465 = arith.constant 16384 : i32
          %add3A_466 = arith.addi %add3A_195, %add3A_465 : i32
          %add3A_467 = arith.constant 128 : i32
          %add3A_468 = arith.addi %add3A_466, %add3A_467 : i32
          %swap3A_469 = arith.constant 0 : i32
          %swap3A_470 = tpu.memref_slice %arg6[%scan3A_158, %swap3A_469] : memref<2x32768xf32, #tpu.memory_space<vmem>> -> memref<1x32768xf32, #tpu.memory_space<vmem>>
          %swap3A_471 = tpu.memref_squeeze %swap3A_470 : memref<1x32768xf32, #tpu.memory_space<vmem>> -> memref<32768xf32, #tpu.memory_space<vmem>>
          %swap3A_472 = arith.index_cast %add3A_468 : i32 to index
          %swap3A_473 = tpu.vector_load %swap3A_471[%swap3A_472] {strides = array<i32>} : memref<32768xf32, #tpu.memory_space<vmem>>, vector<16xf32>,
          tpu.vector_store %swap3A_471[%swap3A_472], %gather3A_248 {strides = array<i32>} : memref<32768xf32, #tpu.memory_space<vmem>>, vector<16xf32>,
          %add3A_474 = arith.constant 16384 : i32
          %add3A_475 = arith.addi %add3A_195, %add3A_474 : i32
          %add3A_476 = arith.constant 256 : i32
          %add3A_477 = arith.addi %add3A_475, %add3A_476 : i32
          %swap3A_478 = arith.constant 0 : i32
          %swap3A_479 = tpu.memref_slice %arg6[%scan3A_158, %swap3A_478] : memref<2x32768xf32, #tpu.memory_space<vmem>> -> memref<1x32768xf32, #tpu.memory_space<vmem>>
          %swap3A_480 = tpu.memref_squeeze %swap3A_479 : memref<1x32768xf32, #tpu.memory_space<vmem>> -> memref<32768xf32, #tpu.memory_space<vmem>>
          %swap3A_481 = arith.index_cast %add3A_477 : i32 to index
          %swap3A_482 = tpu.vector_load %swap3A_480[%swap3A_481] {strides = array<i32>} : memref<32768xf32, #tpu.memory_space<vmem>>, vector<16xf32>,
          tpu.vector_store %swap3A_480[%swap3A_481], %gather3A_253 {strides = array<i32>} : memref<32768xf32, #tpu.memory_space<vmem>>, vector<16xf32>,
          %add3A_483 = arith.constant 16384 : i32
          %add3A_484 = arith.addi %add3A_195, %add3A_483 : i32
          %add3A_485 = arith.constant 384 : i32
          %add3A_486 = arith.addi %add3A_484, %add3A_485 : i32
          %swap3A_487 = arith.constant 0 : i32
          %swap3A_488 = tpu.memref_slice %arg6[%scan3A_158, %swap3A_487] : memref<2x32768xf32, #tpu.memory_space<vmem>> -> memref<1x32768xf32, #tpu.memory_space<vmem>>
          %swap3A_489 = tpu.memref_squeeze %swap3A_488 : memref<1x32768xf32, #tpu.memory_space<vmem>> -> memref<32768xf32, #tpu.memory_space<vmem>>
          %swap3A_490 = arith.index_cast %add3A_486 : i32 to index
          %swap3A_491 = tpu.vector_load %swap3A_489[%swap3A_490] {strides = array<i32>} : memref<32768xf32, #tpu.memory_space<vmem>>, vector<16xf32>,
          tpu.vector_store %swap3A_489[%swap3A_490], %gather3A_258 {strides = array<i32>} : memref<32768xf32, #tpu.memory_space<vmem>>, vector<16xf32>,
          %add3A_492 = arith.constant 16384 : i32
          %add3A_493 = arith.addi %add3A_195, %add3A_492 : i32
          %add3A_494 = arith.constant 512 : i32
          %add3A_495 = arith.addi %add3A_493, %add3A_494 : i32
          %swap3A_496 = arith.constant 0 : i32
          %swap3A_497 = tpu.memref_slice %arg6[%scan3A_158, %swap3A_496] : memref<2x32768xf32, #tpu.memory_space<vmem>> -> memref<1x32768xf32, #tpu.memory_space<vmem>>
          %swap3A_498 = tpu.memref_squeeze %swap3A_497 : memref<1x32768xf32, #tpu.memory_space<vmem>> -> memref<32768xf32, #tpu.memory_space<vmem>>
          %swap3A_499 = arith.index_cast %add3A_495 : i32 to index
          %swap3A_500 = tpu.vector_load %swap3A_498[%swap3A_499] {strides = array<i32>} : memref<32768xf32, #tpu.memory_space<vmem>>, vector<16xf32>,
          tpu.vector_store %swap3A_498[%swap3A_499], %gather3A_263 {strides = array<i32>} : memref<32768xf32, #tpu.memory_space<vmem>>, vector<16xf32>,
          %add3A_501 = arith.constant 16384 : i32
          %add3A_502 = arith.addi %add3A_195, %add3A_501 : i32
          %add3A_503 = arith.constant 640 : i32
          %add3A_504 = arith.addi %add3A_502, %add3A_503 : i32
          %swap3A_505 = arith.constant 0 : i32
          %swap3A_506 = tpu.memref_slice %arg6[%scan3A_158, %swap3A_505] : memref<2x32768xf32, #tpu.memory_space<vmem>> -> memref<1x32768xf32, #tpu.memory_space<vmem>>
          %swap3A_507 = tpu.memref_squeeze %swap3A_506 : memref<1x32768xf32, #tpu.memory_space<vmem>> -> memref<32768xf32, #tpu.memory_space<vmem>>
          %swap3A_508 = arith.index_cast %add3A_504 : i32 to index
          %swap3A_509 = tpu.vector_load %swap3A_507[%swap3A_508] {strides = array<i32>} : memref<32768xf32, #tpu.memory_space<vmem>>, vector<16xf32>,
          tpu.vector_store %swap3A_507[%swap3A_508], %gather3A_268 {strides = array<i32>} : memref<32768xf32, #tpu.memory_space<vmem>>, vector<16xf32>,
          %add3A_510 = arith.constant 16384 : i32
          %add3A_511 = arith.addi %add3A_195, %add3A_510 : i32
          %add3A_512 = arith.constant 768 : i32
          %add3A_513 = arith.addi %add3A_511, %add3A_512 : i32
          %swap3A_514 = arith.constant 0 : i32
          %swap3A_515 = tpu.memref_slice %arg6[%scan3A_158, %swap3A_514] : memref<2x32768xf32, #tpu.memory_space<vmem>> -> memref<1x32768xf32, #tpu.memory_space<vmem>>
          %swap3A_516 = tpu.memref_squeeze %swap3A_515 : memref<1x32768xf32, #tpu.memory_space<vmem>> -> memref<32768xf32, #tpu.memory_space<vmem>>
          %swap3A_517 = arith.index_cast %add3A_513 : i32 to index
          %swap3A_518 = tpu.vector_load %swap3A_516[%swap3A_517] {strides = array<i32>} : memref<32768xf32, #tpu.memory_space<vmem>>, vector<16xf32>,
          tpu.vector_store %swap3A_516[%swap3A_517], %gather3A_273 {strides = array<i32>} : memref<32768xf32, #tpu.memory_space<vmem>>, vector<16xf32>,
          %add3A_519 = arith.constant 16384 : i32
          %add3A_520 = arith.addi %add3A_195, %add3A_519 : i32
          %add3A_521 = arith.constant 896 : i32
          %add3A_522 = arith.addi %add3A_520, %add3A_521 : i32
          %swap3A_523 = arith.constant 0 : i32
          %swap3A_524 = tpu.memref_slice %arg6[%scan3A_158, %swap3A_523] : memref<2x32768xf32, #tpu.memory_space<vmem>> -> memref<1x32768xf32, #tpu.memory_space<vmem>>
          %swap3A_525 = tpu.memref_squeeze %swap3A_524 : memref<1x32768xf32, #tpu.memory_space<vmem>> -> memref<32768xf32, #tpu.memory_space<vmem>>
          %swap3A_526 = arith.index_cast %add3A_522 : i32 to index
          %swap3A_527 = tpu.vector_load %swap3A_525[%swap3A_526] {strides = array<i32>} : memref<32768xf32, #tpu.memory_space<vmem>>, vector<16xf32>,
          tpu.vector_store %swap3A_525[%swap3A_526], %gather3A_278 {strides = array<i32>} : memref<32768xf32, #tpu.memory_space<vmem>>, vector<16xf32>,
          %add3A_528 = arith.constant 0 : i32
          %add3A_529 = arith.addi %add3A_299, %add3A_528 : i32
          %add3A_530 = arith.constant 0 : i32
          %add3A_531 = arith.addi %add3A_529, %add3A_530 : i32
          %swap3A_532 = arith.constant 0 : i32
          %swap3A_533 = tpu.memref_slice %arg6[%scan3A_158, %swap3A_532] : memref<2x32768xf32, #tpu.memory_space<vmem>> -> memref<1x32768xf32, #tpu.memory_space<vmem>>
          %swap3A_534 = tpu.memref_squeeze %swap3A_533 : memref<1x32768xf32, #tpu.memory_space<vmem>> -> memref<32768xf32, #tpu.memory_space<vmem>>
          %swap3A_535 = arith.index_cast %add3A_531 : i32 to index
          %swap3A_536 = tpu.vector_load %swap3A_534[%swap3A_535] {strides = array<i32>} : memref<32768xf32, #tpu.memory_space<vmem>>, vector<16xf32>,
          tpu.vector_store %swap3A_534[%swap3A_535], %gather3A_309 {strides = array<i32>} : memref<32768xf32, #tpu.memory_space<vmem>>, vector<16xf32>,
          %add3A_537 = arith.constant 0 : i32
          %add3A_538 = arith.addi %add3A_299, %add3A_537 : i32
          %add3A_539 = arith.constant 128 : i32
          %add3A_540 = arith.addi %add3A_538, %add3A_539 : i32
          %swap3A_541 = arith.constant 0 : i32
          %swap3A_542 = tpu.memref_slice %arg6[%scan3A_158, %swap3A_541] : memref<2x32768xf32, #tpu.memory_space<vmem>> -> memref<1x32768xf32, #tpu.memory_space<vmem>>
          %swap3A_543 = tpu.memref_squeeze %swap3A_542 : memref<1x32768xf32, #tpu.memory_space<vmem>> -> memref<32768xf32, #tpu.memory_space<vmem>>
          %swap3A_544 = arith.index_cast %add3A_540 : i32 to index
          %swap3A_545 = tpu.vector_load %swap3A_543[%swap3A_544] {strides = array<i32>} : memref<32768xf32, #tpu.memory_space<vmem>>, vector<16xf32>,
          tpu.vector_store %swap3A_543[%swap3A_544], %gather3A_314 {strides = array<i32>} : memref<32768xf32, #tpu.memory_space<vmem>>, vector<16xf32>,
          %add3A_546 = arith.constant 0 : i32
          %add3A_547 = arith.addi %add3A_299, %add3A_546 : i32
          %add3A_548 = arith.constant 256 : i32
          %add3A_549 = arith.addi %add3A_547, %add3A_548 : i32
          %swap3A_550 = arith.constant 0 : i32
          %swap3A_551 = tpu.memref_slice %arg6[%scan3A_158, %swap3A_550] : memref<2x32768xf32, #tpu.memory_space<vmem>> -> memref<1x32768xf32, #tpu.memory_space<vmem>>
          %swap3A_552 = tpu.memref_squeeze %swap3A_551 : memref<1x32768xf32, #tpu.memory_space<vmem>> -> memref<32768xf32, #tpu.memory_space<vmem>>
          %swap3A_553 = arith.index_cast %add3A_549 : i32 to index
          %swap3A_554 = tpu.vector_load %swap3A_552[%swap3A_553] {strides = array<i32>} : memref<32768xf32, #tpu.memory_space<vmem>>, vector<16xf32>,
          tpu.vector_store %swap3A_552[%swap3A_553], %gather3A_319 {strides = array<i32>} : memref<32768xf32, #tpu.memory_space<vmem>>, vector<16xf32>,
          %add3A_555 = arith.constant 0 : i32
          %add3A_556 = arith.addi %add3A_299, %add3A_555 : i32
          %add3A_557 = arith.constant 384 : i32
          %add3A_558 = arith.addi %add3A_556, %add3A_557 : i32
          %swap3A_559 = arith.constant 0 : i32
          %swap3A_560 = tpu.memref_slice %arg6[%scan3A_158, %swap3A_559] : memref<2x32768xf32, #tpu.memory_space<vmem>> -> memref<1x32768xf32, #tpu.memory_space<vmem>>
          %swap3A_561 = tpu.memref_squeeze %swap3A_560 : memref<1x32768xf32, #tpu.memory_space<vmem>> -> memref<32768xf32, #tpu.memory_space<vmem>>
          %swap3A_562 = arith.index_cast %add3A_558 : i32 to index
          %swap3A_563 = tpu.vector_load %swap3A_561[%swap3A_562] {strides = array<i32>} : memref<32768xf32, #tpu.memory_space<vmem>>, vector<16xf32>,
          tpu.vector_store %swap3A_561[%swap3A_562], %gather3A_324 {strides = array<i32>} : memref<32768xf32, #tpu.memory_space<vmem>>, vector<16xf32>,
          %add3A_564 = arith.constant 0 : i32
          %add3A_565 = arith.addi %add3A_299, %add3A_564 : i32
          %add3A_566 = arith.constant 512 : i32
          %add3A_567 = arith.addi %add3A_565, %add3A_566 : i32
          %swap3A_568 = arith.constant 0 : i32
          %swap3A_569 = tpu.memref_slice %arg6[%scan3A_158, %swap3A_568] : memref<2x32768xf32, #tpu.memory_space<vmem>> -> memref<1x32768xf32, #tpu.memory_space<vmem>>
          %swap3A_570 = tpu.memref_squeeze %swap3A_569 : memref<1x32768xf32, #tpu.memory_space<vmem>> -> memref<32768xf32, #tpu.memory_space<vmem>>
          %swap3A_571 = arith.index_cast %add3A_567 : i32 to index
          %swap3A_572 = tpu.vector_load %swap3A_570[%swap3A_571] {strides = array<i32>} : memref<32768xf32, #tpu.memory_space<vmem>>, vector<16xf32>,
          tpu.vector_store %swap3A_570[%swap3A_571], %gather3A_329 {strides = array<i32>} : memref<32768xf32, #tpu.memory_space<vmem>>, vector<16xf32>,
          %add3A_573 = arith.constant 0 : i32
          %add3A_574 = arith.addi %add3A_299, %add3A_573 : i32
          %add3A_575 = arith.constant 640 : i32
          %add3A_576 = arith.addi %add3A_574, %add3A_575 : i32
          %swap3A_577 = arith.constant 0 : i32
          %swap3A_578 = tpu.memref_slice %arg6[%scan3A_158, %swap3A_577] : memref<2x32768xf32, #tpu.memory_space<vmem>> -> memref<1x32768xf32, #tpu.memory_space<vmem>>
          %swap3A_579 = tpu.memref_squeeze %swap3A_578 : memref<1x32768xf32, #tpu.memory_space<vmem>> -> memref<32768xf32, #tpu.memory_space<vmem>>
          %swap3A_580 = arith.index_cast %add3A_576 : i32 to index
          %swap3A_581 = tpu.vector_load %swap3A_579[%swap3A_580] {strides = array<i32>} : memref<32768xf32, #tpu.memory_space<vmem>>, vector<16xf32>,
          tpu.vector_store %swap3A_579[%swap3A_580], %gather3A_334 {strides = array<i32>} : memref<32768xf32, #tpu.memory_space<vmem>>, vector<16xf32>,
          %add3A_582 = arith.constant 0 : i32
          %add3A_583 = arith.addi %add3A_299, %add3A_582 : i32
          %add3A_584 = arith.constant 768 : i32
          %add3A_585 = arith.addi %add3A_583, %add3A_584 : i32
          %swap3A_586 = arith.constant 0 : i32
          %swap3A_587 = tpu.memref_slice %arg6[%scan3A_158, %swap3A_586] : memref<2x32768xf32, #tpu.memory_space<vmem>> -> memref<1x32768xf32, #tpu.memory_space<vmem>>
          %swap3A_588 = tpu.memref_squeeze %swap3A_587 : memref<1x32768xf32, #tpu.memory_space<vmem>> -> memref<32768xf32, #tpu.memory_space<vmem>>
          %swap3A_589 = arith.index_cast %add3A_585 : i32 to index
          %swap3A_590 = tpu.vector_load %swap3A_588[%swap3A_589] {strides = array<i32>} : memref<32768xf32, #tpu.memory_space<vmem>>, vector<16xf32>,
          tpu.vector_store %swap3A_588[%swap3A_589], %gather3A_339 {strides = array<i32>} : memref<32768xf32, #tpu.memory_space<vmem>>, vector<16xf32>,
          %add3A_591 = arith.constant 0 : i32
          %add3A_592 = arith.addi %add3A_299, %add3A_591 : i32
          %add3A_593 = arith.constant 896 : i32
          %add3A_594 = arith.addi %add3A_592, %add3A_593 : i32
          %swap3A_595 = arith.constant 0 : i32
          %swap3A_596 = tpu.memref_slice %arg6[%scan3A_158, %swap3A_595] : memref<2x32768xf32, #tpu.memory_space<vmem>> -> memref<1x32768xf32, #tpu.memory_space<vmem>>
          %swap3A_597 = tpu.memref_squeeze %swap3A_596 : memref<1x32768xf32, #tpu.memory_space<vmem>> -> memref<32768xf32, #tpu.memory_space<vmem>>
          %swap3A_598 = arith.index_cast %add3A_594 : i32 to index
          %swap3A_599 = tpu.vector_load %swap3A_597[%swap3A_598] {strides = array<i32>} : memref<32768xf32, #tpu.memory_space<vmem>>, vector<16xf32>,
          tpu.vector_store %swap3A_597[%swap3A_598], %gather3A_344 {strides = array<i32>} : memref<32768xf32, #tpu.memory_space<vmem>>, vector<16xf32>,
          %add3A_600 = arith.constant 16384 : i32
          %add3A_601 = arith.addi %add3A_299, %add3A_600 : i32
          %add3A_602 = arith.constant 0 : i32
          %add3A_603 = arith.addi %add3A_601, %add3A_602 : i32
          %swap3A_604 = arith.constant 0 : i32
          %swap3A_605 = tpu.memref_slice %arg6[%scan3A_158, %swap3A_604] : memref<2x32768xf32, #tpu.memory_space<vmem>> -> memref<1x32768xf32, #tpu.memory_space<vmem>>
          %swap3A_606 = tpu.memref_squeeze %swap3A_605 : memref<1x32768xf32, #tpu.memory_space<vmem>> -> memref<32768xf32, #tpu.memory_space<vmem>>
          %swap3A_607 = arith.index_cast %add3A_603 : i32 to index
          %swap3A_608 = tpu.vector_load %swap3A_606[%swap3A_607] {strides = array<i32>} : memref<32768xf32, #tpu.memory_space<vmem>>, vector<16xf32>,
          tpu.vector_store %swap3A_606[%swap3A_607], %gather3A_349 {strides = array<i32>} : memref<32768xf32, #tpu.memory_space<vmem>>, vector<16xf32>,
          %add3A_609 = arith.constant 16384 : i32
          %add3A_610 = arith.addi %add3A_299, %add3A_609 : i32
          %add3A_611 = arith.constant 128 : i32
          %add3A_612 = arith.addi %add3A_610, %add3A_611 : i32
          %swap3A_613 = arith.constant 0 : i32
          %swap3A_614 = tpu.memref_slice %arg6[%scan3A_158, %swap3A_613] : memref<2x32768xf32, #tpu.memory_space<vmem>> -> memref<1x32768xf32, #tpu.memory_space<vmem>>
          %swap3A_615 = tpu.memref_squeeze %swap3A_614 : memref<1x32768xf32, #tpu.memory_space<vmem>> -> memref<32768xf32, #tpu.memory_space<vmem>>
          %swap3A_616 = arith.index_cast %add3A_612 : i32 to index
          %swap3A_617 = tpu.vector_load %swap3A_615[%swap3A_616] {strides = array<i32>} : memref<32768xf32, #tpu.memory_space<vmem>>, vector<16xf32>,
          tpu.vector_store %swap3A_615[%swap3A_616], %gather3A_354 {strides = array<i32>} : memref<32768xf32, #tpu.memory_space<vmem>>, vector<16xf32>,
          %add3A_618 = arith.constant 16384 : i32
          %add3A_619 = arith.addi %add3A_299, %add3A_618 : i32
          %add3A_620 = arith.constant 256 : i32
          %add3A_621 = arith.addi %add3A_619, %add3A_620 : i32
          %swap3A_622 = arith.constant 0 : i32
          %swap3A_623 = tpu.memref_slice %arg6[%scan3A_158, %swap3A_622] : memref<2x32768xf32, #tpu.memory_space<vmem>> -> memref<1x32768xf32, #tpu.memory_space<vmem>>
          %swap3A_624 = tpu.memref_squeeze %swap3A_623 : memref<1x32768xf32, #tpu.memory_space<vmem>> -> memref<32768xf32, #tpu.memory_space<vmem>>
          %swap3A_625 = arith.index_cast %add3A_621 : i32 to index
          %swap3A_626 = tpu.vector_load %swap3A_624[%swap3A_625] {strides = array<i32>} : memref<32768xf32, #tpu.memory_space<vmem>>, vector<16xf32>,
          tpu.vector_store %swap3A_624[%swap3A_625], %gather3A_359 {strides = array<i32>} : memref<32768xf32, #tpu.memory_space<vmem>>, vector<16xf32>,
          %add3A_627 = arith.constant 16384 : i32
          %add3A_628 = arith.addi %add3A_299, %add3A_627 : i32
          %add3A_629 = arith.constant 384 : i32
          %add3A_630 = arith.addi %add3A_628, %add3A_629 : i32
          %swap3A_631 = arith.constant 0 : i32
          %swap3A_632 = tpu.memref_slice %arg6[%scan3A_158, %swap3A_631] : memref<2x32768xf32, #tpu.memory_space<vmem>> -> memref<1x32768xf32, #tpu.memory_space<vmem>>
          %swap3A_633 = tpu.memref_squeeze %swap3A_632 : memref<1x32768xf32, #tpu.memory_space<vmem>> -> memref<32768xf32, #tpu.memory_space<vmem>>
          %swap3A_634 = arith.index_cast %add3A_630 : i32 to index
          %swap3A_635 = tpu.vector_load %swap3A_633[%swap3A_634] {strides = array<i32>} : memref<32768xf32, #tpu.memory_space<vmem>>, vector<16xf32>,
          tpu.vector_store %swap3A_633[%swap3A_634], %gather3A_364 {strides = array<i32>} : memref<32768xf32, #tpu.memory_space<vmem>>, vector<16xf32>,
          %add3A_636 = arith.constant 16384 : i32
          %add3A_637 = arith.addi %add3A_299, %add3A_636 : i32
          %add3A_638 = arith.constant 512 : i32
          %add3A_639 = arith.addi %add3A_637, %add3A_638 : i32
          %swap3A_640 = arith.constant 0 : i32
          %swap3A_641 = tpu.memref_slice %arg6[%scan3A_158, %swap3A_640] : memref<2x32768xf32, #tpu.memory_space<vmem>> -> memref<1x32768xf32, #tpu.memory_space<vmem>>
          %swap3A_642 = tpu.memref_squeeze %swap3A_641 : memref<1x32768xf32, #tpu.memory_space<vmem>> -> memref<32768xf32, #tpu.memory_space<vmem>>
          %swap3A_643 = arith.index_cast %add3A_639 : i32 to index
          %swap3A_644 = tpu.vector_load %swap3A_642[%swap3A_643] {strides = array<i32>} : memref<32768xf32, #tpu.memory_space<vmem>>, vector<16xf32>,
          tpu.vector_store %swap3A_642[%swap3A_643], %gather3A_369 {strides = array<i32>} : memref<32768xf32, #tpu.memory_space<vmem>>, vector<16xf32>,
          %add3A_645 = arith.constant 16384 : i32
          %add3A_646 = arith.addi %add3A_299, %add3A_645 : i32
          %add3A_647 = arith.constant 640 : i32
          %add3A_648 = arith.addi %add3A_646, %add3A_647 : i32
          %swap3A_649 = arith.constant 0 : i32
          %swap3A_650 = tpu.memref_slice %arg6[%scan3A_158, %swap3A_649] : memref<2x32768xf32, #tpu.memory_space<vmem>> -> memref<1x32768xf32, #tpu.memory_space<vmem>>
          %swap3A_651 = tpu.memref_squeeze %swap3A_650 : memref<1x32768xf32, #tpu.memory_space<vmem>> -> memref<32768xf32, #tpu.memory_space<vmem>>
          %swap3A_652 = arith.index_cast %add3A_648 : i32 to index
          %swap3A_653 = tpu.vector_load %swap3A_651[%swap3A_652] {strides = array<i32>} : memref<32768xf32, #tpu.memory_space<vmem>>, vector<16xf32>,
          tpu.vector_store %swap3A_651[%swap3A_652], %gather3A_374 {strides = array<i32>} : memref<32768xf32, #tpu.memory_space<vmem>>, vector<16xf32>,
          %add3A_654 = arith.constant 16384 : i32
          %add3A_655 = arith.addi %add3A_299, %add3A_654 : i32
          %add3A_656 = arith.constant 768 : i32
          %add3A_657 = arith.addi %add3A_655, %add3A_656 : i32
          %swap3A_658 = arith.constant 0 : i32
          %swap3A_659 = tpu.memref_slice %arg6[%scan3A_158, %swap3A_658] : memref<2x32768xf32, #tpu.memory_space<vmem>> -> memref<1x32768xf32, #tpu.memory_space<vmem>>
          %swap3A_660 = tpu.memref_squeeze %swap3A_659 : memref<1x32768xf32, #tpu.memory_space<vmem>> -> memref<32768xf32, #tpu.memory_space<vmem>>
          %swap3A_661 = arith.index_cast %add3A_657 : i32 to index
          %swap3A_662 = tpu.vector_load %swap3A_660[%swap3A_661] {strides = array<i32>} : memref<32768xf32, #tpu.memory_space<vmem>>, vector<16xf32>,
          tpu.vector_store %swap3A_660[%swap3A_661], %gather3A_379 {strides = array<i32>} : memref<32768xf32, #tpu.memory_space<vmem>>, vector<16xf32>,
          %add3A_663 = arith.constant 16384 : i32
          %add3A_664 = arith.addi %add3A_299, %add3A_663 : i32
          %add3A_665 = arith.constant 896 : i32
          %add3A_666 = arith.addi %add3A_664, %add3A_665 : i32
          %swap3A_667 = arith.constant 0 : i32
          %swap3A_668 = tpu.memref_slice %arg6[%scan3A_158, %swap3A_667] : memref<2x32768xf32, #tpu.memory_space<vmem>> -> memref<1x32768xf32, #tpu.memory_space<vmem>>
          %swap3A_669 = tpu.memref_squeeze %swap3A_668 : memref<1x32768xf32, #tpu.memory_space<vmem>> -> memref<32768xf32, #tpu.memory_space<vmem>>
          %swap3A_670 = arith.index_cast %add3A_666 : i32 to index
          %swap3A_671 = tpu.vector_load %swap3A_669[%swap3A_670] {strides = array<i32>} : memref<32768xf32, #tpu.memory_space<vmem>>, vector<16xf32>,
          tpu.vector_store %swap3A_669[%swap3A_670], %gather3A_384 {strides = array<i32>} : memref<32768xf32, #tpu.memory_space<vmem>>, vector<16xf32>,
        }
        %scan3A_163 = arith.constant 64 : i32
        %mul3A_164 = arith.constant 32768 : i32
        %mul3A_165 = arith.muli %add3A_147, %mul3A_164 : i32
        %multiple_of3A_166 = tpu.assume_multiple %mul3A_165, 32768 : i32
        %dma_start3A_167 = arith.constant 1 : i32
        %dma_start3A_168 = arith.constant 0 : i32
        %dma_start3A_169 = tpu.memref_slice %arg6[%dma_start3A_167, %dma_start3A_168] : memref<2x32768xf32, #tpu.memory_space<vmem>> -> memref<1x32768xf32, #tpu.memory_space<vmem>>
        %dma_start3A_170 = tpu.memref_squeeze %dma_start3A_169 : memref<1x32768xf32, #tpu.memory_space<vmem>> -> memref<32768xf32, #tpu.memory_space<vmem>>
        %dma_start3A_171 = tpu.memref_slice %arg4[%multiple_of3A_166] : memref<67108864xf32, #tpu.memory_space<hbm>> -> memref<32768xf32, #tpu.memory_space<hbm>>
        %dma_start3A_172 = tpu.memref_slice %arg4[%multiple_of3A_166] : memref<67108864xf32, #tpu.memory_space<hbm>> -> memref<32768xf32, #tpu.memory_space<hbm>>
        %dma_start3A_173 = arith.constant 0 : i32
        %dma_start3A_174 = tpu.memref_slice %arg6[%dma_start3A_167, %dma_start3A_173] : memref<2x32768xf32, #tpu.memory_space<vmem>> -> memref<1x32768xf32, #tpu.memory_space<vmem>>
        %dma_start3A_175 = tpu.memref_squeeze %dma_start3A_174 : memref<1x32768xf32, #tpu.memory_space<vmem>> -> memref<32768xf32, #tpu.memory_space<vmem>>
        tpu.enqueue_dma source(%dma_start3A_175 : memref<32768xf32, #tpu.memory_space<vmem>>) target(%dma_start3A_172 : memref<32768xf32, #tpu.memory_space<hbm>>) target_semaphore(%arg11 : memref<!tpu.dma_semaphore, #tpu.memory_space<semaphore_mem>>)
      }
      %scan3A_75 = arith.constant 4 : i32
      %mul3A_76 = arith.constant 2 : i32
      %mul3A_77 = arith.muli %scan3A_48, %mul3A_76 : i32
      %add3A_78 = arith.constant 1 : i32
      %add3A_79 = arith.addi %mul3A_77, %add3A_78 : i32
      %add3A_80 = arith.addi %mul3A_2, %add3A_79 : i32
      %add3A_81 = arith.constant 1 : i32
      %add3A_82 = arith.addi %add3A_79, %add3A_81 : i32
      %lt3A_83 = arith.constant 8 : i32
      %lt3A_84 = arith.cmpi slt, %add3A_82, %lt3A_83 : i32
      %convert_element_type3A_85 = arith.extui %lt3A_84 : i1 to i32
      %cond3A_86 = arith.constant 0 : i32
      %cond3A_87 = arith.cmpi ne, %convert_element_type3A_85, %cond3A_86 : i32
      scf.if %cond3A_87 {
        %add3A_106 = arith.constant 1 : i32
        %add3A_107 = arith.addi %add3A_80, %add3A_106 : i32
        %mul3A_108 = arith.constant 16384 : i32
        %mul3A_109 = arith.muli %add3A_107, %mul3A_108 : i32
        %multiple_of3A_110 = tpu.assume_multiple %mul3A_109, 16384 : i32
        %dma_start3A_111 = arith.constant 0 : i32
        %dma_start3A_112 = arith.constant 0 : i32
        %dma_start3A_113 = tpu.memref_slice %arg5[%dma_start3A_111, %dma_start3A_112] : memref<2x16384xi32, #tpu.memory_space<vmem>> -> memref<1x16384xi32, #tpu.memory_space<vmem>>
        %dma_start3A_114 = tpu.memref_squeeze %dma_start3A_113 : memref<1x16384xi32, #tpu.memory_space<vmem>> -> memref<16384xi32, #tpu.memory_space<vmem>>
        %dma_start3A_115 = tpu.memref_slice %arg2[%multiple_of3A_110] : memref<4194304xi32, #tpu.memory_space<hbm>> -> memref<16384xi32, #tpu.memory_space<hbm>>
        %dma_start3A_116 = arith.constant 0 : i32
        %dma_start3A_117 = tpu.memref_slice %arg5[%dma_start3A_111, %dma_start3A_116] : memref<2x16384xi32, #tpu.memory_space<vmem>> -> memref<1x16384xi32, #tpu.memory_space<vmem>>
        %dma_start3A_118 = tpu.memref_squeeze %dma_start3A_117 : memref<1x16384xi32, #tpu.memory_space<vmem>> -> memref<16384xi32, #tpu.memory_space<vmem>>
        %dma_start3A_119 = tpu.memref_slice %arg2[%multiple_of3A_110] : memref<4194304xi32, #tpu.memory_space<hbm>> -> memref<16384xi32, #tpu.memory_space<hbm>>
        tpu.enqueue_dma source(%dma_start3A_119 : memref<16384xi32, #tpu.memory_space<hbm>>) target(%dma_start3A_118 : memref<16384xi32, #tpu.memory_space<vmem>>) target_semaphore(%arg8 : memref<!tpu.dma_semaphore, #tpu.memory_space<semaphore_mem>>)
      } else {
      }
      %mul3A_88 = arith.constant 16384 : i32
      %mul3A_89 = arith.muli %add3A_80, %mul3A_88 : i32
      %multiple_of3A_90 = tpu.assume_multiple %mul3A_89, 16384 : i32
      %dma_wait3A_91 = arith.constant 1 : i32
      %dma_wait3A_92 = arith.constant 0 : i32
      %dma_wait3A_93 = tpu.memref_slice %arg5[%dma_wait3A_91, %dma_wait3A_92] : memref<2x16384xi32, #tpu.memory_space<vmem>> -> memref<1x16384xi32, #tpu.memory_space<vmem>>
      %dma_wait3A_94 = tpu.memref_squeeze %dma_wait3A_93 : memref<1x16384xi32, #tpu.memory_space<vmem>> -> memref<16384xi32, #tpu.memory_space<vmem>>
      %dma_wait3A_95 = tpu.memref_slice %arg2[%multiple_of3A_90] : memref<4194304xi32, #tpu.memory_space<hbm>> -> memref<16384xi32, #tpu.memory_space<hbm>>
      %dma_wait3A_96 = arith.constant 0 : i32
      %dma_wait3A_97 = tpu.memref_slice %arg5[%dma_wait3A_91, %dma_wait3A_96] : memref<2x16384xi32, #tpu.memory_space<vmem>> -> memref<1x16384xi32, #tpu.memory_space<vmem>>
      %dma_wait3A_98 = tpu.memref_squeeze %dma_wait3A_97 : memref<1x16384xi32, #tpu.memory_space<vmem>> -> memref<16384xi32, #tpu.memory_space<vmem>>
      %dma_wait3A_99 = tpu.memref_slice %arg2[%multiple_of3A_90] : memref<4194304xi32, #tpu.memory_space<hbm>> -> memref<16384xi32, #tpu.memory_space<hbm>>
      tpu.wait_dma2 semaphore(%arg9 : memref<!tpu.dma_semaphore, #tpu.memory_space<semaphore_mem>>) src(%dma_wait3A_99 : memref<16384xi32, #tpu.memory_space<hbm>>) dst(%dma_wait3A_98 : memref<16384xi32, #tpu.memory_space<vmem>>)
      %scan3A_100 = arith.constant 0 : i32
      %scan3A_101 = arith.constant 0 : i32
      %scan3A_102 = arith.constant 4 : i32
      %scan3A_103 = arith.addi %scan3A_101, %scan3A_102 : i32
      %scan3A_104 = arith.constant 1 : i32
      scf.for %scan3A_106 = %scan3A_101 to %scan3A_103 step %scan3A_104  : i32 {
        %mul3A_107 = arith.constant 2 : i32
        %mul3A_108 = arith.muli %scan3A_106, %mul3A_107 : i32
        %add3A_109 = arith.constant 0 : i32
        %add3A_110 = arith.addi %mul3A_108, %add3A_109 : i32
        %mul3A_111 = arith.constant 8 : i32
        %mul3A_112 = arith.muli %add3A_80, %mul3A_111 : i32
        %add3A_113 = arith.addi %mul3A_112, %add3A_110 : i32
        %mul3A_114 = arith.constant 8 : i32
        %mul3A_115 = arith.muli %add3A_79, %mul3A_114 : i32
        %add3A_116 = arith.addi %mul3A_115, %add3A_110 : i32
        %ge3A = arith.constant 2 : i32
        %ge3A_117 = arith.cmpi sge, %add3A_116, %ge3A : i32
        %convert_element_type3A_118 = arith.extui %ge3A_117 : i1 to i32
        %cond3A_119 = arith.constant 0 : i32
        %cond3A_120 = arith.cmpi ne, %convert_element_type3A_118, %cond3A_119 : i32
        scf.if %cond3A_120 {
          %mul3A_176 = arith.constant 32768 : i32
          %mul3A_177 = arith.muli %add3A_113, %mul3A_176 : i32
          %multiple_of3A_178 = tpu.assume_multiple %mul3A_177, 32768 : i32
          %dma_wait3A_179 = arith.constant 0 : i32
          %dma_wait3A_180 = arith.constant 0 : i32
          %dma_wait3A_181 = tpu.memref_slice %arg6[%dma_wait3A_179, %dma_wait3A_180] : memref<2x32768xf32, #tpu.memory_space<vmem>> -> memref<1x32768xf32, #tpu.memory_space<vmem>>
          %dma_wait3A_182 = tpu.memref_squeeze %dma_wait3A_181 : memref<1x32768xf32, #tpu.memory_space<vmem>> -> memref<32768xf32, #tpu.memory_space<vmem>>
          %dma_wait3A_183 = tpu.memref_slice %arg4[%multiple_of3A_178] : memref<67108864xf32, #tpu.memory_space<hbm>> -> memref<32768xf32, #tpu.memory_space<hbm>>
          %dma_wait3A_184 = tpu.memref_slice %arg4[%multiple_of3A_178] : memref<67108864xf32, #tpu.memory_space<hbm>> -> memref<32768xf32, #tpu.memory_space<hbm>>
          %dma_wait3A_185 = arith.constant 0 : i32
          %dma_wait3A_186 = tpu.memref_slice %arg6[%dma_wait3A_179, %dma_wait3A_185] : memref<2x32768xf32, #tpu.memory_space<vmem>> -> memref<1x32768xf32, #tpu.memory_space<vmem>>
          %dma_wait3A_187 = tpu.memref_squeeze %dma_wait3A_186 : memref<1x32768xf32, #tpu.memory_space<vmem>> -> memref<32768xf32, #tpu.memory_space<vmem>>
          tpu.wait_dma2 semaphore(%arg10 : memref<!tpu.dma_semaphore, #tpu.memory_space<semaphore_mem>>) src(%dma_wait3A_187 : memref<32768xf32, #tpu.memory_space<vmem>>) dst(%dma_wait3A_184 : memref<32768xf32, #tpu.memory_space<hbm>>)
        } else {
        }
        %scan3A_121 = arith.constant 0 : i32
        %scan3A_122 = arith.constant 1 : i32
        %scan3A_123 = arith.constant 0 : i32
        %scan3A_124 = arith.constant 0 : i32
        %scan3A_125 = arith.constant 64 : i32
        %scan3A_126 = arith.addi %scan3A_124, %scan3A_125 : i32
        %scan3A_127 = arith.constant 1 : i32
        scf.for %scan3A_176 = %scan3A_124 to %scan3A_126 step %scan3A_127  : i32 {
          %mul3A_177 = arith.constant 2 : i32
          %mul3A_178 = arith.muli %scan3A_176, %mul3A_177 : i32
          %add3A_179 = arith.constant 0 : i32
          %add3A_180 = arith.addi %mul3A_178, %add3A_179 : i32
          %shift_right_arithmetic3A = arith.constant 3 : i32
          %shift_right_arithmetic3A_181 = arith.shrsi %add3A_180, %shift_right_arithmetic3A : i32
          %and3A = arith.constant 7 : i32
          %and3A_182 = arith.andi %add3A_180, %and3A : i32
          %mul3A_183 = arith.constant 1024 : i32
          %mul3A_184 = arith.muli %shift_right_arithmetic3A_181, %mul3A_183 : i32
          %mul3A_185 = arith.constant 128 : i32
          %mul3A_186 = arith.muli %add3A_110, %mul3A_185 : i32
          %add3A_187 = arith.addi %mul3A_184, %mul3A_186 : i32
          %mul3A_188 = arith.constant 16 : i32
          %mul3A_189 = arith.muli %and3A_182, %mul3A_188 : i32
          %add3A_190 = arith.addi %add3A_187, %mul3A_189 : i32
          %mul3A_191 = arith.constant 1024 : i32
          %mul3A_192 = arith.muli %shift_right_arithmetic3A_181, %mul3A_191 : i32
          %mul3A_193 = arith.constant 16 : i32
          %mul3A_194 = arith.muli %and3A_182, %mul3A_193 : i32
          %add3A_195 = arith.addi %mul3A_192, %mul3A_194 : i32
          %get3A = arith.constant 0 : i32
          %get3A_196 = tpu.memref_slice %arg5[%scan3A_122, %get3A] : memref<2x16384xi32, #tpu.memory_space<vmem>> -> memref<1x16384xi32, #tpu.memory_space<vmem>>
          %get3A_197 = tpu.memref_squeeze %get3A_196 : memref<1x16384xi32, #tpu.memory_space<vmem>> -> memref<16384xi32, #tpu.memory_space<vmem>>
          %get3A_198 = arith.index_cast %add3A_190 : i32 to index
          %get3A_199 = tpu.vector_load %get3A_197[%get3A_198] {strides = array<i32>} : memref<16384xi32, #tpu.memory_space<vmem>>, vector<16xi32>,
          %gather3A = arith.constant 0 : i32
          %gather3A_200 = arith.constant 0 : i32
          %gather3A_201 = tpu.memref_slice %arg7[%gather3A, %gather3A_200] : memref<16x129xf32, #tpu.memory_space<vmem>> -> memref<1x129xf32, #tpu.memory_space<vmem>>
          %gather3A_202 = tpu.memref_squeeze %gather3A_201 : memref<1x129xf32, #tpu.memory_space<vmem>> -> memref<129xf32, #tpu.memory_space<vmem>>
          %gather3A_203 = tpu.vector_load_idx %gather3A_202[%get3A_199] : memref<129xf32, #tpu.memory_space<vmem>>[vector<16xi32>], vector<16xf32>,
          %gather3A_204 = arith.constant 1 : i32
          %gather3A_205 = arith.constant 0 : i32
          %gather3A_206 = tpu.memref_slice %arg7[%gather3A_204, %gather3A_205] : memref<16x129xf32, #tpu.memory_space<vmem>> -> memref<1x129xf32, #tpu.memory_space<vmem>>
          %gather3A_207 = tpu.memref_squeeze %gather3A_206 : memref<1x129xf32, #tpu.memory_space<vmem>> -> memref<129xf32, #tpu.memory_space<vmem>>
          %gather3A_208 = tpu.vector_load_idx %gather3A_207[%get3A_199] : memref<129xf32, #tpu.memory_space<vmem>>[vector<16xi32>], vector<16xf32>,
          %gather3A_209 = arith.constant 2 : i32
          %gather3A_210 = arith.constant 0 : i32
          %gather3A_211 = tpu.memref_slice %arg7[%gather3A_209, %gather3A_210] : memref<16x129xf32, #tpu.memory_space<vmem>> -> memref<1x129xf32, #tpu.memory_space<vmem>>
          %gather3A_212 = tpu.memref_squeeze %gather3A_211 : memref<1x129xf32, #tpu.memory_space<vmem>> -> memref<129xf32, #tpu.memory_space<vmem>>
          %gather3A_213 = tpu.vector_load_idx %gather3A_212[%get3A_199] : memref<129xf32, #tpu.memory_space<vmem>>[vector<16xi32>], vector<16xf32>,
          %gather3A_214 = arith.constant 3 : i32
          %gather3A_215 = arith.constant 0 : i32
          %gather3A_216 = tpu.memref_slice %arg7[%gather3A_214, %gather3A_215] : memref<16x129xf32, #tpu.memory_space<vmem>> -> memref<1x129xf32, #tpu.memory_space<vmem>>
          %gather3A_217 = tpu.memref_squeeze %gather3A_216 : memref<1x129xf32, #tpu.memory_space<vmem>> -> memref<129xf32, #tpu.memory_space<vmem>>
          %gather3A_218 = tpu.vector_load_idx %gather3A_217[%get3A_199] : memref<129xf32, #tpu.memory_space<vmem>>[vector<16xi32>], vector<16xf32>,
          %gather3A_219 = arith.constant 4 : i32
          %gather3A_220 = arith.constant 0 : i32
          %gather3A_221 = tpu.memref_slice %arg7[%gather3A_219, %gather3A_220] : memref<16x129xf32, #tpu.memory_space<vmem>> -> memref<1x129xf32, #tpu.memory_space<vmem>>
          %gather3A_222 = tpu.memref_squeeze %gather3A_221 : memref<1x129xf32, #tpu.memory_space<vmem>> -> memref<129xf32, #tpu.memory_space<vmem>>
          %gather3A_223 = tpu.vector_load_idx %gather3A_222[%get3A_199] : memref<129xf32, #tpu.memory_space<vmem>>[vector<16xi32>], vector<16xf32>,
          %gather3A_224 = arith.constant 5 : i32
          %gather3A_225 = arith.constant 0 : i32
          %gather3A_226 = tpu.memref_slice %arg7[%gather3A_224, %gather3A_225] : memref<16x129xf32, #tpu.memory_space<vmem>> -> memref<1x129xf32, #tpu.memory_space<vmem>>
          %gather3A_227 = tpu.memref_squeeze %gather3A_226 : memref<1x129xf32, #tpu.memory_space<vmem>> -> memref<129xf32, #tpu.memory_space<vmem>>
          %gather3A_228 = tpu.vector_load_idx %gather3A_227[%get3A_199] : memref<129xf32, #tpu.memory_space<vmem>>[vector<16xi32>], vector<16xf32>,
          %gather3A_229 = arith.constant 6 : i32
          %gather3A_230 = arith.constant 0 : i32
          %gather3A_231 = tpu.memref_slice %arg7[%gather3A_229, %gather3A_230] : memref<16x129xf32, #tpu.memory_space<vmem>> -> memref<1x129xf32, #tpu.memory_space<vmem>>
          %gather3A_232 = tpu.memref_squeeze %gather3A_231 : memref<1x129xf32, #tpu.memory_space<vmem>> -> memref<129xf32, #tpu.memory_space<vmem>>
          %gather3A_233 = tpu.vector_load_idx %gather3A_232[%get3A_199] : memref<129xf32, #tpu.memory_space<vmem>>[vector<16xi32>], vector<16xf32>,
          %gather3A_234 = arith.constant 7 : i32
          %gather3A_235 = arith.constant 0 : i32
          %gather3A_236 = tpu.memref_slice %arg7[%gather3A_234, %gather3A_235] : memref<16x129xf32, #tpu.memory_space<vmem>> -> memref<1x129xf32, #tpu.memory_space<vmem>>
          %gather3A_237 = tpu.memref_squeeze %gather3A_236 : memref<1x129xf32, #tpu.memory_space<vmem>> -> memref<129xf32, #tpu.memory_space<vmem>>
          %gather3A_238 = tpu.vector_load_idx %gather3A_237[%get3A_199] : memref<129xf32, #tpu.memory_space<vmem>>[vector<16xi32>], vector<16xf32>,
          %gather3A_239 = arith.constant 8 : i32
          %gather3A_240 = arith.constant 0 : i32
          %gather3A_241 = tpu.memref_slice %arg7[%gather3A_239, %gather3A_240] : memref<16x129xf32, #tpu.memory_space<vmem>> -> memref<1x129xf32, #tpu.memory_space<vmem>>
          %gather3A_242 = tpu.memref_squeeze %gather3A_241 : memref<1x129xf32, #tpu.memory_space<vmem>> -> memref<129xf32, #tpu.memory_space<vmem>>
          %gather3A_243 = tpu.vector_load_idx %gather3A_242[%get3A_199] : memref<129xf32, #tpu.memory_space<vmem>>[vector<16xi32>], vector<16xf32>,
          %gather3A_244 = arith.constant 9 : i32
          %gather3A_245 = arith.constant 0 : i32
          %gather3A_246 = tpu.memref_slice %arg7[%gather3A_244, %gather3A_245] : memref<16x129xf32, #tpu.memory_space<vmem>> -> memref<1x129xf32, #tpu.memory_space<vmem>>
          %gather3A_247 = tpu.memref_squeeze %gather3A_246 : memref<1x129xf32, #tpu.memory_space<vmem>> -> memref<129xf32, #tpu.memory_space<vmem>>
          %gather3A_248 = tpu.vector_load_idx %gather3A_247[%get3A_199] : memref<129xf32, #tpu.memory_space<vmem>>[vector<16xi32>], vector<16xf32>,
          %gather3A_249 = arith.constant 10 : i32
          %gather3A_250 = arith.constant 0 : i32
          %gather3A_251 = tpu.memref_slice %arg7[%gather3A_249, %gather3A_250] : memref<16x129xf32, #tpu.memory_space<vmem>> -> memref<1x129xf32, #tpu.memory_space<vmem>>
          %gather3A_252 = tpu.memref_squeeze %gather3A_251 : memref<1x129xf32, #tpu.memory_space<vmem>> -> memref<129xf32, #tpu.memory_space<vmem>>
          %gather3A_253 = tpu.vector_load_idx %gather3A_252[%get3A_199] : memref<129xf32, #tpu.memory_space<vmem>>[vector<16xi32>], vector<16xf32>,
          %gather3A_254 = arith.constant 11 : i32
          %gather3A_255 = arith.constant 0 : i32
          %gather3A_256 = tpu.memref_slice %arg7[%gather3A_254, %gather3A_255] : memref<16x129xf32, #tpu.memory_space<vmem>> -> memref<1x129xf32, #tpu.memory_space<vmem>>
          %gather3A_257 = tpu.memref_squeeze %gather3A_256 : memref<1x129xf32, #tpu.memory_space<vmem>> -> memref<129xf32, #tpu.memory_space<vmem>>
          %gather3A_258 = tpu.vector_load_idx %gather3A_257[%get3A_199] : memref<129xf32, #tpu.memory_space<vmem>>[vector<16xi32>], vector<16xf32>,
          %gather3A_259 = arith.constant 12 : i32
          %gather3A_260 = arith.constant 0 : i32
          %gather3A_261 = tpu.memref_slice %arg7[%gather3A_259, %gather3A_260] : memref<16x129xf32, #tpu.memory_space<vmem>> -> memref<1x129xf32, #tpu.memory_space<vmem>>
          %gather3A_262 = tpu.memref_squeeze %gather3A_261 : memref<1x129xf32, #tpu.memory_space<vmem>> -> memref<129xf32, #tpu.memory_space<vmem>>
          %gather3A_263 = tpu.vector_load_idx %gather3A_262[%get3A_199] : memref<129xf32, #tpu.memory_space<vmem>>[vector<16xi32>], vector<16xf32>,
          %gather3A_264 = arith.constant 13 : i32
          %gather3A_265 = arith.constant 0 : i32
          %gather3A_266 = tpu.memref_slice %arg7[%gather3A_264, %gather3A_265] : memref<16x129xf32, #tpu.memory_space<vmem>> -> memref<1x129xf32, #tpu.memory_space<vmem>>
          %gather3A_267 = tpu.memref_squeeze %gather3A_266 : memref<1x129xf32, #tpu.memory_space<vmem>> -> memref<129xf32, #tpu.memory_space<vmem>>
          %gather3A_268 = tpu.vector_load_idx %gather3A_267[%get3A_199] : memref<129xf32, #tpu.memory_space<vmem>>[vector<16xi32>], vector<16xf32>,
          %gather3A_269 = arith.constant 14 : i32
          %gather3A_270 = arith.constant 0 : i32
          %gather3A_271 = tpu.memref_slice %arg7[%gather3A_269, %gather3A_270] : memref<16x129xf32, #tpu.memory_space<vmem>> -> memref<1x129xf32, #tpu.memory_space<vmem>>
          %gather3A_272 = tpu.memref_squeeze %gather3A_271 : memref<1x129xf32, #tpu.memory_space<vmem>> -> memref<129xf32, #tpu.memory_space<vmem>>
          %gather3A_273 = tpu.vector_load_idx %gather3A_272[%get3A_199] : memref<129xf32, #tpu.memory_space<vmem>>[vector<16xi32>], vector<16xf32>,
          %gather3A_274 = arith.constant 15 : i32
          %gather3A_275 = arith.constant 0 : i32
          %gather3A_276 = tpu.memref_slice %arg7[%gather3A_274, %gather3A_275] : memref<16x129xf32, #tpu.memory_space<vmem>> -> memref<1x129xf32, #tpu.memory_space<vmem>>
          %gather3A_277 = tpu.memref_squeeze %gather3A_276 : memref<1x129xf32, #tpu.memory_space<vmem>> -> memref<129xf32, #tpu.memory_space<vmem>>
          %gather3A_278 = tpu.vector_load_idx %gather3A_277[%get3A_199] : memref<129xf32, #tpu.memory_space<vmem>>[vector<16xi32>], vector<16xf32>,
          %mul3A_279 = arith.constant 2 : i32
          %mul3A_280 = arith.muli %scan3A_176, %mul3A_279 : i32
          %add3A_281 = arith.constant 1 : i32
          %add3A_282 = arith.addi %mul3A_280, %add3A_281 : i32
          %shift_right_arithmetic3A_283 = arith.constant 3 : i32
          %shift_right_arithmetic3A_284 = arith.shrsi %add3A_282, %shift_right_arithmetic3A_283 : i32
          %and3A_285 = arith.constant 7 : i32
          %and3A_286 = arith.andi %add3A_282, %and3A_285 : i32
          %mul3A_287 = arith.constant 1024 : i32
          %mul3A_288 = arith.muli %shift_right_arithmetic3A_284, %mul3A_287 : i32
          %mul3A_289 = arith.constant 128 : i32
          %mul3A_290 = arith.muli %add3A_110, %mul3A_289 : i32
          %add3A_291 = arith.addi %mul3A_288, %mul3A_290 : i32
          %mul3A_292 = arith.constant 16 : i32
          %mul3A_293 = arith.muli %and3A_286, %mul3A_292 : i32
          %add3A_294 = arith.addi %add3A_291, %mul3A_293 : i32
          %mul3A_295 = arith.constant 1024 : i32
          %mul3A_296 = arith.muli %shift_right_arithmetic3A_284, %mul3A_295 : i32
          %mul3A_297 = arith.constant 16 : i32
          %mul3A_298 = arith.muli %and3A_286, %mul3A_297 : i32
          %add3A_299 = arith.addi %mul3A_296, %mul3A_298 : i32
          %get3A_300 = arith.constant 0 : i32
          %get3A_301 = tpu.memref_slice %arg5[%scan3A_122, %get3A_300] : memref<2x16384xi32, #tpu.memory_space<vmem>> -> memref<1x16384xi32, #tpu.memory_space<vmem>>
          %get3A_302 = tpu.memref_squeeze %get3A_301 : memref<1x16384xi32, #tpu.memory_space<vmem>> -> memref<16384xi32, #tpu.memory_space<vmem>>
          %get3A_303 = arith.index_cast %add3A_294 : i32 to index
          %get3A_304 = tpu.vector_load %get3A_302[%get3A_303] {strides = array<i32>} : memref<16384xi32, #tpu.memory_space<vmem>>, vector<16xi32>,
          %gather3A_305 = arith.constant 0 : i32
          %gather3A_306 = arith.constant 0 : i32
          %gather3A_307 = tpu.memref_slice %arg7[%gather3A_305, %gather3A_306] : memref<16x129xf32, #tpu.memory_space<vmem>> -> memref<1x129xf32, #tpu.memory_space<vmem>>
          %gather3A_308 = tpu.memref_squeeze %gather3A_307 : memref<1x129xf32, #tpu.memory_space<vmem>> -> memref<129xf32, #tpu.memory_space<vmem>>
          %gather3A_309 = tpu.vector_load_idx %gather3A_308[%get3A_304] : memref<129xf32, #tpu.memory_space<vmem>>[vector<16xi32>], vector<16xf32>,
          %gather3A_310 = arith.constant 1 : i32
          %gather3A_311 = arith.constant 0 : i32
          %gather3A_312 = tpu.memref_slice %arg7[%gather3A_310, %gather3A_311] : memref<16x129xf32, #tpu.memory_space<vmem>> -> memref<1x129xf32, #tpu.memory_space<vmem>>
          %gather3A_313 = tpu.memref_squeeze %gather3A_312 : memref<1x129xf32, #tpu.memory_space<vmem>> -> memref<129xf32, #tpu.memory_space<vmem>>
          %gather3A_314 = tpu.vector_load_idx %gather3A_313[%get3A_304] : memref<129xf32, #tpu.memory_space<vmem>>[vector<16xi32>], vector<16xf32>,
          %gather3A_315 = arith.constant 2 : i32
          %gather3A_316 = arith.constant 0 : i32
          %gather3A_317 = tpu.memref_slice %arg7[%gather3A_315, %gather3A_316] : memref<16x129xf32, #tpu.memory_space<vmem>> -> memref<1x129xf32, #tpu.memory_space<vmem>>
          %gather3A_318 = tpu.memref_squeeze %gather3A_317 : memref<1x129xf32, #tpu.memory_space<vmem>> -> memref<129xf32, #tpu.memory_space<vmem>>
          %gather3A_319 = tpu.vector_load_idx %gather3A_318[%get3A_304] : memref<129xf32, #tpu.memory_space<vmem>>[vector<16xi32>], vector<16xf32>,
          %gather3A_320 = arith.constant 3 : i32
          %gather3A_321 = arith.constant 0 : i32
          %gather3A_322 = tpu.memref_slice %arg7[%gather3A_320, %gather3A_321] : memref<16x129xf32, #tpu.memory_space<vmem>> -> memref<1x129xf32, #tpu.memory_space<vmem>>
          %gather3A_323 = tpu.memref_squeeze %gather3A_322 : memref<1x129xf32, #tpu.memory_space<vmem>> -> memref<129xf32, #tpu.memory_space<vmem>>
          %gather3A_324 = tpu.vector_load_idx %gather3A_323[%get3A_304] : memref<129xf32, #tpu.memory_space<vmem>>[vector<16xi32>], vector<16xf32>,
          %gather3A_325 = arith.constant 4 : i32
          %gather3A_326 = arith.constant 0 : i32
          %gather3A_327 = tpu.memref_slice %arg7[%gather3A_325, %gather3A_326] : memref<16x129xf32, #tpu.memory_space<vmem>> -> memref<1x129xf32, #tpu.memory_space<vmem>>
          %gather3A_328 = tpu.memref_squeeze %gather3A_327 : memref<1x129xf32, #tpu.memory_space<vmem>> -> memref<129xf32, #tpu.memory_space<vmem>>
          %gather3A_329 = tpu.vector_load_idx %gather3A_328[%get3A_304] : memref<129xf32, #tpu.memory_space<vmem>>[vector<16xi32>], vector<16xf32>,
          %gather3A_330 = arith.constant 5 : i32
          %gather3A_331 = arith.constant 0 : i32
          %gather3A_332 = tpu.memref_slice %arg7[%gather3A_330, %gather3A_331] : memref<16x129xf32, #tpu.memory_space<vmem>> -> memref<1x129xf32, #tpu.memory_space<vmem>>
          %gather3A_333 = tpu.memref_squeeze %gather3A_332 : memref<1x129xf32, #tpu.memory_space<vmem>> -> memref<129xf32, #tpu.memory_space<vmem>>
          %gather3A_334 = tpu.vector_load_idx %gather3A_333[%get3A_304] : memref<129xf32, #tpu.memory_space<vmem>>[vector<16xi32>], vector<16xf32>,
          %gather3A_335 = arith.constant 6 : i32
          %gather3A_336 = arith.constant 0 : i32
          %gather3A_337 = tpu.memref_slice %arg7[%gather3A_335, %gather3A_336] : memref<16x129xf32, #tpu.memory_space<vmem>> -> memref<1x129xf32, #tpu.memory_space<vmem>>
          %gather3A_338 = tpu.memref_squeeze %gather3A_337 : memref<1x129xf32, #tpu.memory_space<vmem>> -> memref<129xf32, #tpu.memory_space<vmem>>
          %gather3A_339 = tpu.vector_load_idx %gather3A_338[%get3A_304] : memref<129xf32, #tpu.memory_space<vmem>>[vector<16xi32>], vector<16xf32>,
          %gather3A_340 = arith.constant 7 : i32
          %gather3A_341 = arith.constant 0 : i32
          %gather3A_342 = tpu.memref_slice %arg7[%gather3A_340, %gather3A_341] : memref<16x129xf32, #tpu.memory_space<vmem>> -> memref<1x129xf32, #tpu.memory_space<vmem>>
          %gather3A_343 = tpu.memref_squeeze %gather3A_342 : memref<1x129xf32, #tpu.memory_space<vmem>> -> memref<129xf32, #tpu.memory_space<vmem>>
          %gather3A_344 = tpu.vector_load_idx %gather3A_343[%get3A_304] : memref<129xf32, #tpu.memory_space<vmem>>[vector<16xi32>], vector<16xf32>,
          %gather3A_345 = arith.constant 8 : i32
          %gather3A_346 = arith.constant 0 : i32
          %gather3A_347 = tpu.memref_slice %arg7[%gather3A_345, %gather3A_346] : memref<16x129xf32, #tpu.memory_space<vmem>> -> memref<1x129xf32, #tpu.memory_space<vmem>>
          %gather3A_348 = tpu.memref_squeeze %gather3A_347 : memref<1x129xf32, #tpu.memory_space<vmem>> -> memref<129xf32, #tpu.memory_space<vmem>>
          %gather3A_349 = tpu.vector_load_idx %gather3A_348[%get3A_304] : memref<129xf32, #tpu.memory_space<vmem>>[vector<16xi32>], vector<16xf32>,
          %gather3A_350 = arith.constant 9 : i32
          %gather3A_351 = arith.constant 0 : i32
          %gather3A_352 = tpu.memref_slice %arg7[%gather3A_350, %gather3A_351] : memref<16x129xf32, #tpu.memory_space<vmem>> -> memref<1x129xf32, #tpu.memory_space<vmem>>
          %gather3A_353 = tpu.memref_squeeze %gather3A_352 : memref<1x129xf32, #tpu.memory_space<vmem>> -> memref<129xf32, #tpu.memory_space<vmem>>
          %gather3A_354 = tpu.vector_load_idx %gather3A_353[%get3A_304] : memref<129xf32, #tpu.memory_space<vmem>>[vector<16xi32>], vector<16xf32>,
          %gather3A_355 = arith.constant 10 : i32
          %gather3A_356 = arith.constant 0 : i32
          %gather3A_357 = tpu.memref_slice %arg7[%gather3A_355, %gather3A_356] : memref<16x129xf32, #tpu.memory_space<vmem>> -> memref<1x129xf32, #tpu.memory_space<vmem>>
          %gather3A_358 = tpu.memref_squeeze %gather3A_357 : memref<1x129xf32, #tpu.memory_space<vmem>> -> memref<129xf32, #tpu.memory_space<vmem>>
          %gather3A_359 = tpu.vector_load_idx %gather3A_358[%get3A_304] : memref<129xf32, #tpu.memory_space<vmem>>[vector<16xi32>], vector<16xf32>,
          %gather3A_360 = arith.constant 11 : i32
          %gather3A_361 = arith.constant 0 : i32
          %gather3A_362 = tpu.memref_slice %arg7[%gather3A_360, %gather3A_361] : memref<16x129xf32, #tpu.memory_space<vmem>> -> memref<1x129xf32, #tpu.memory_space<vmem>>
          %gather3A_363 = tpu.memref_squeeze %gather3A_362 : memref<1x129xf32, #tpu.memory_space<vmem>> -> memref<129xf32, #tpu.memory_space<vmem>>
          %gather3A_364 = tpu.vector_load_idx %gather3A_363[%get3A_304] : memref<129xf32, #tpu.memory_space<vmem>>[vector<16xi32>], vector<16xf32>,
          %gather3A_365 = arith.constant 12 : i32
          %gather3A_366 = arith.constant 0 : i32
          %gather3A_367 = tpu.memref_slice %arg7[%gather3A_365, %gather3A_366] : memref<16x129xf32, #tpu.memory_space<vmem>> -> memref<1x129xf32, #tpu.memory_space<vmem>>
          %gather3A_368 = tpu.memref_squeeze %gather3A_367 : memref<1x129xf32, #tpu.memory_space<vmem>> -> memref<129xf32, #tpu.memory_space<vmem>>
          %gather3A_369 = tpu.vector_load_idx %gather3A_368[%get3A_304] : memref<129xf32, #tpu.memory_space<vmem>>[vector<16xi32>], vector<16xf32>,
          %gather3A_370 = arith.constant 13 : i32
          %gather3A_371 = arith.constant 0 : i32
          %gather3A_372 = tpu.memref_slice %arg7[%gather3A_370, %gather3A_371] : memref<16x129xf32, #tpu.memory_space<vmem>> -> memref<1x129xf32, #tpu.memory_space<vmem>>
          %gather3A_373 = tpu.memref_squeeze %gather3A_372 : memref<1x129xf32, #tpu.memory_space<vmem>> -> memref<129xf32, #tpu.memory_space<vmem>>
          %gather3A_374 = tpu.vector_load_idx %gather3A_373[%get3A_304] : memref<129xf32, #tpu.memory_space<vmem>>[vector<16xi32>], vector<16xf32>,
          %gather3A_375 = arith.constant 14 : i32
          %gather3A_376 = arith.constant 0 : i32
          %gather3A_377 = tpu.memref_slice %arg7[%gather3A_375, %gather3A_376] : memref<16x129xf32, #tpu.memory_space<vmem>> -> memref<1x129xf32, #tpu.memory_space<vmem>>
          %gather3A_378 = tpu.memref_squeeze %gather3A_377 : memref<1x129xf32, #tpu.memory_space<vmem>> -> memref<129xf32, #tpu.memory_space<vmem>>
          %gather3A_379 = tpu.vector_load_idx %gather3A_378[%get3A_304] : memref<129xf32, #tpu.memory_space<vmem>>[vector<16xi32>], vector<16xf32>,
          %gather3A_380 = arith.constant 15 : i32
          %gather3A_381 = arith.constant 0 : i32
          %gather3A_382 = tpu.memref_slice %arg7[%gather3A_380, %gather3A_381] : memref<16x129xf32, #tpu.memory_space<vmem>> -> memref<1x129xf32, #tpu.memory_space<vmem>>
          %gather3A_383 = tpu.memref_squeeze %gather3A_382 : memref<1x129xf32, #tpu.memory_space<vmem>> -> memref<129xf32, #tpu.memory_space<vmem>>
          %gather3A_384 = tpu.vector_load_idx %gather3A_383[%get3A_304] : memref<129xf32, #tpu.memory_space<vmem>>[vector<16xi32>], vector<16xf32>,
          %add3A_385 = arith.constant 0 : i32
          %add3A_386 = arith.addi %add3A_195, %add3A_385 : i32
          %add3A_387 = arith.constant 0 : i32
          %add3A_388 = arith.addi %add3A_386, %add3A_387 : i32
          %swap3A = arith.constant 0 : i32
          %swap3A_389 = tpu.memref_slice %arg6[%scan3A_123, %swap3A] : memref<2x32768xf32, #tpu.memory_space<vmem>> -> memref<1x32768xf32, #tpu.memory_space<vmem>>
          %swap3A_390 = tpu.memref_squeeze %swap3A_389 : memref<1x32768xf32, #tpu.memory_space<vmem>> -> memref<32768xf32, #tpu.memory_space<vmem>>
          %swap3A_391 = arith.index_cast %add3A_388 : i32 to index
          %swap3A_392 = tpu.vector_load %swap3A_390[%swap3A_391] {strides = array<i32>} : memref<32768xf32, #tpu.memory_space<vmem>>, vector<16xf32>,
          tpu.vector_store %swap3A_390[%swap3A_391], %gather3A_203 {strides = array<i32>} : memref<32768xf32, #tpu.memory_space<vmem>>, vector<16xf32>,
          %add3A_393 = arith.constant 0 : i32
          %add3A_394 = arith.addi %add3A_195, %add3A_393 : i32
          %add3A_395 = arith.constant 128 : i32
          %add3A_396 = arith.addi %add3A_394, %add3A_395 : i32
          %swap3A_397 = arith.constant 0 : i32
          %swap3A_398 = tpu.memref_slice %arg6[%scan3A_123, %swap3A_397] : memref<2x32768xf32, #tpu.memory_space<vmem>> -> memref<1x32768xf32, #tpu.memory_space<vmem>>
          %swap3A_399 = tpu.memref_squeeze %swap3A_398 : memref<1x32768xf32, #tpu.memory_space<vmem>> -> memref<32768xf32, #tpu.memory_space<vmem>>
          %swap3A_400 = arith.index_cast %add3A_396 : i32 to index
          %swap3A_401 = tpu.vector_load %swap3A_399[%swap3A_400] {strides = array<i32>} : memref<32768xf32, #tpu.memory_space<vmem>>, vector<16xf32>,
          tpu.vector_store %swap3A_399[%swap3A_400], %gather3A_208 {strides = array<i32>} : memref<32768xf32, #tpu.memory_space<vmem>>, vector<16xf32>,
          %add3A_402 = arith.constant 0 : i32
          %add3A_403 = arith.addi %add3A_195, %add3A_402 : i32
          %add3A_404 = arith.constant 256 : i32
          %add3A_405 = arith.addi %add3A_403, %add3A_404 : i32
          %swap3A_406 = arith.constant 0 : i32
          %swap3A_407 = tpu.memref_slice %arg6[%scan3A_123, %swap3A_406] : memref<2x32768xf32, #tpu.memory_space<vmem>> -> memref<1x32768xf32, #tpu.memory_space<vmem>>
          %swap3A_408 = tpu.memref_squeeze %swap3A_407 : memref<1x32768xf32, #tpu.memory_space<vmem>> -> memref<32768xf32, #tpu.memory_space<vmem>>
          %swap3A_409 = arith.index_cast %add3A_405 : i32 to index
          %swap3A_410 = tpu.vector_load %swap3A_408[%swap3A_409] {strides = array<i32>} : memref<32768xf32, #tpu.memory_space<vmem>>, vector<16xf32>,
          tpu.vector_store %swap3A_408[%swap3A_409], %gather3A_213 {strides = array<i32>} : memref<32768xf32, #tpu.memory_space<vmem>>, vector<16xf32>,
          %add3A_411 = arith.constant 0 : i32
          %add3A_412 = arith.addi %add3A_195, %add3A_411 : i32
          %add3A_413 = arith.constant 384 : i32
          %add3A_414 = arith.addi %add3A_412, %add3A_413 : i32
          %swap3A_415 = arith.constant 0 : i32
          %swap3A_416 = tpu.memref_slice %arg6[%scan3A_123, %swap3A_415] : memref<2x32768xf32, #tpu.memory_space<vmem>> -> memref<1x32768xf32, #tpu.memory_space<vmem>>
          %swap3A_417 = tpu.memref_squeeze %swap3A_416 : memref<1x32768xf32, #tpu.memory_space<vmem>> -> memref<32768xf32, #tpu.memory_space<vmem>>
          %swap3A_418 = arith.index_cast %add3A_414 : i32 to index
          %swap3A_419 = tpu.vector_load %swap3A_417[%swap3A_418] {strides = array<i32>} : memref<32768xf32, #tpu.memory_space<vmem>>, vector<16xf32>,
          tpu.vector_store %swap3A_417[%swap3A_418], %gather3A_218 {strides = array<i32>} : memref<32768xf32, #tpu.memory_space<vmem>>, vector<16xf32>,
          %add3A_420 = arith.constant 0 : i32
          %add3A_421 = arith.addi %add3A_195, %add3A_420 : i32
          %add3A_422 = arith.constant 512 : i32
          %add3A_423 = arith.addi %add3A_421, %add3A_422 : i32
          %swap3A_424 = arith.constant 0 : i32
          %swap3A_425 = tpu.memref_slice %arg6[%scan3A_123, %swap3A_424] : memref<2x32768xf32, #tpu.memory_space<vmem>> -> memref<1x32768xf32, #tpu.memory_space<vmem>>
          %swap3A_426 = tpu.memref_squeeze %swap3A_425 : memref<1x32768xf32, #tpu.memory_space<vmem>> -> memref<32768xf32, #tpu.memory_space<vmem>>
          %swap3A_427 = arith.index_cast %add3A_423 : i32 to index
          %swap3A_428 = tpu.vector_load %swap3A_426[%swap3A_427] {strides = array<i32>} : memref<32768xf32, #tpu.memory_space<vmem>>, vector<16xf32>,
          tpu.vector_store %swap3A_426[%swap3A_427], %gather3A_223 {strides = array<i32>} : memref<32768xf32, #tpu.memory_space<vmem>>, vector<16xf32>,
          %add3A_429 = arith.constant 0 : i32
          %add3A_430 = arith.addi %add3A_195, %add3A_429 : i32
          %add3A_431 = arith.constant 640 : i32
          %add3A_432 = arith.addi %add3A_430, %add3A_431 : i32
          %swap3A_433 = arith.constant 0 : i32
          %swap3A_434 = tpu.memref_slice %arg6[%scan3A_123, %swap3A_433] : memref<2x32768xf32, #tpu.memory_space<vmem>> -> memref<1x32768xf32, #tpu.memory_space<vmem>>
          %swap3A_435 = tpu.memref_squeeze %swap3A_434 : memref<1x32768xf32, #tpu.memory_space<vmem>> -> memref<32768xf32, #tpu.memory_space<vmem>>
          %swap3A_436 = arith.index_cast %add3A_432 : i32 to index
          %swap3A_437 = tpu.vector_load %swap3A_435[%swap3A_436] {strides = array<i32>} : memref<32768xf32, #tpu.memory_space<vmem>>, vector<16xf32>,
          tpu.vector_store %swap3A_435[%swap3A_436], %gather3A_228 {strides = array<i32>} : memref<32768xf32, #tpu.memory_space<vmem>>, vector<16xf32>,
          %add3A_438 = arith.constant 0 : i32
          %add3A_439 = arith.addi %add3A_195, %add3A_438 : i32
          %add3A_440 = arith.constant 768 : i32
          %add3A_441 = arith.addi %add3A_439, %add3A_440 : i32
          %swap3A_442 = arith.constant 0 : i32
          %swap3A_443 = tpu.memref_slice %arg6[%scan3A_123, %swap3A_442] : memref<2x32768xf32, #tpu.memory_space<vmem>> -> memref<1x32768xf32, #tpu.memory_space<vmem>>
          %swap3A_444 = tpu.memref_squeeze %swap3A_443 : memref<1x32768xf32, #tpu.memory_space<vmem>> -> memref<32768xf32, #tpu.memory_space<vmem>>
          %swap3A_445 = arith.index_cast %add3A_441 : i32 to index
          %swap3A_446 = tpu.vector_load %swap3A_444[%swap3A_445] {strides = array<i32>} : memref<32768xf32, #tpu.memory_space<vmem>>, vector<16xf32>,
          tpu.vector_store %swap3A_444[%swap3A_445], %gather3A_233 {strides = array<i32>} : memref<32768xf32, #tpu.memory_space<vmem>>, vector<16xf32>,
          %add3A_447 = arith.constant 0 : i32
          %add3A_448 = arith.addi %add3A_195, %add3A_447 : i32
          %add3A_449 = arith.constant 896 : i32
          %add3A_450 = arith.addi %add3A_448, %add3A_449 : i32
          %swap3A_451 = arith.constant 0 : i32
          %swap3A_452 = tpu.memref_slice %arg6[%scan3A_123, %swap3A_451] : memref<2x32768xf32, #tpu.memory_space<vmem>> -> memref<1x32768xf32, #tpu.memory_space<vmem>>
          %swap3A_453 = tpu.memref_squeeze %swap3A_452 : memref<1x32768xf32, #tpu.memory_space<vmem>> -> memref<32768xf32, #tpu.memory_space<vmem>>
          %swap3A_454 = arith.index_cast %add3A_450 : i32 to index
          %swap3A_455 = tpu.vector_load %swap3A_453[%swap3A_454] {strides = array<i32>} : memref<32768xf32, #tpu.memory_space<vmem>>, vector<16xf32>,
          tpu.vector_store %swap3A_453[%swap3A_454], %gather3A_238 {strides = array<i32>} : memref<32768xf32, #tpu.memory_space<vmem>>, vector<16xf32>,
          %add3A_456 = arith.constant 16384 : i32
          %add3A_457 = arith.addi %add3A_195, %add3A_456 : i32
          %add3A_458 = arith.constant 0 : i32
          %add3A_459 = arith.addi %add3A_457, %add3A_458 : i32
          %swap3A_460 = arith.constant 0 : i32
          %swap3A_461 = tpu.memref_slice %arg6[%scan3A_123, %swap3A_460] : memref<2x32768xf32, #tpu.memory_space<vmem>> -> memref<1x32768xf32, #tpu.memory_space<vmem>>
          %swap3A_462 = tpu.memref_squeeze %swap3A_461 : memref<1x32768xf32, #tpu.memory_space<vmem>> -> memref<32768xf32, #tpu.memory_space<vmem>>
          %swap3A_463 = arith.index_cast %add3A_459 : i32 to index
          %swap3A_464 = tpu.vector_load %swap3A_462[%swap3A_463] {strides = array<i32>} : memref<32768xf32, #tpu.memory_space<vmem>>, vector<16xf32>,
          tpu.vector_store %swap3A_462[%swap3A_463], %gather3A_243 {strides = array<i32>} : memref<32768xf32, #tpu.memory_space<vmem>>, vector<16xf32>,
          %add3A_465 = arith.constant 16384 : i32
          %add3A_466 = arith.addi %add3A_195, %add3A_465 : i32
          %add3A_467 = arith.constant 128 : i32
          %add3A_468 = arith.addi %add3A_466, %add3A_467 : i32
          %swap3A_469 = arith.constant 0 : i32
          %swap3A_470 = tpu.memref_slice %arg6[%scan3A_123, %swap3A_469] : memref<2x32768xf32, #tpu.memory_space<vmem>> -> memref<1x32768xf32, #tpu.memory_space<vmem>>
          %swap3A_471 = tpu.memref_squeeze %swap3A_470 : memref<1x32768xf32, #tpu.memory_space<vmem>> -> memref<32768xf32, #tpu.memory_space<vmem>>
          %swap3A_472 = arith.index_cast %add3A_468 : i32 to index
          %swap3A_473 = tpu.vector_load %swap3A_471[%swap3A_472] {strides = array<i32>} : memref<32768xf32, #tpu.memory_space<vmem>>, vector<16xf32>,
          tpu.vector_store %swap3A_471[%swap3A_472], %gather3A_248 {strides = array<i32>} : memref<32768xf32, #tpu.memory_space<vmem>>, vector<16xf32>,
          %add3A_474 = arith.constant 16384 : i32
          %add3A_475 = arith.addi %add3A_195, %add3A_474 : i32
          %add3A_476 = arith.constant 256 : i32
          %add3A_477 = arith.addi %add3A_475, %add3A_476 : i32
          %swap3A_478 = arith.constant 0 : i32
          %swap3A_479 = tpu.memref_slice %arg6[%scan3A_123, %swap3A_478] : memref<2x32768xf32, #tpu.memory_space<vmem>> -> memref<1x32768xf32, #tpu.memory_space<vmem>>
          %swap3A_480 = tpu.memref_squeeze %swap3A_479 : memref<1x32768xf32, #tpu.memory_space<vmem>> -> memref<32768xf32, #tpu.memory_space<vmem>>
          %swap3A_481 = arith.index_cast %add3A_477 : i32 to index
          %swap3A_482 = tpu.vector_load %swap3A_480[%swap3A_481] {strides = array<i32>} : memref<32768xf32, #tpu.memory_space<vmem>>, vector<16xf32>,
          tpu.vector_store %swap3A_480[%swap3A_481], %gather3A_253 {strides = array<i32>} : memref<32768xf32, #tpu.memory_space<vmem>>, vector<16xf32>,
          %add3A_483 = arith.constant 16384 : i32
          %add3A_484 = arith.addi %add3A_195, %add3A_483 : i32
          %add3A_485 = arith.constant 384 : i32
          %add3A_486 = arith.addi %add3A_484, %add3A_485 : i32
          %swap3A_487 = arith.constant 0 : i32
          %swap3A_488 = tpu.memref_slice %arg6[%scan3A_123, %swap3A_487] : memref<2x32768xf32, #tpu.memory_space<vmem>> -> memref<1x32768xf32, #tpu.memory_space<vmem>>
          %swap3A_489 = tpu.memref_squeeze %swap3A_488 : memref<1x32768xf32, #tpu.memory_space<vmem>> -> memref<32768xf32, #tpu.memory_space<vmem>>
          %swap3A_490 = arith.index_cast %add3A_486 : i32 to index
          %swap3A_491 = tpu.vector_load %swap3A_489[%swap3A_490] {strides = array<i32>} : memref<32768xf32, #tpu.memory_space<vmem>>, vector<16xf32>,
          tpu.vector_store %swap3A_489[%swap3A_490], %gather3A_258 {strides = array<i32>} : memref<32768xf32, #tpu.memory_space<vmem>>, vector<16xf32>,
          %add3A_492 = arith.constant 16384 : i32
          %add3A_493 = arith.addi %add3A_195, %add3A_492 : i32
          %add3A_494 = arith.constant 512 : i32
          %add3A_495 = arith.addi %add3A_493, %add3A_494 : i32
          %swap3A_496 = arith.constant 0 : i32
          %swap3A_497 = tpu.memref_slice %arg6[%scan3A_123, %swap3A_496] : memref<2x32768xf32, #tpu.memory_space<vmem>> -> memref<1x32768xf32, #tpu.memory_space<vmem>>
          %swap3A_498 = tpu.memref_squeeze %swap3A_497 : memref<1x32768xf32, #tpu.memory_space<vmem>> -> memref<32768xf32, #tpu.memory_space<vmem>>
          %swap3A_499 = arith.index_cast %add3A_495 : i32 to index
          %swap3A_500 = tpu.vector_load %swap3A_498[%swap3A_499] {strides = array<i32>} : memref<32768xf32, #tpu.memory_space<vmem>>, vector<16xf32>,
          tpu.vector_store %swap3A_498[%swap3A_499], %gather3A_263 {strides = array<i32>} : memref<32768xf32, #tpu.memory_space<vmem>>, vector<16xf32>,
          %add3A_501 = arith.constant 16384 : i32
          %add3A_502 = arith.addi %add3A_195, %add3A_501 : i32
          %add3A_503 = arith.constant 640 : i32
          %add3A_504 = arith.addi %add3A_502, %add3A_503 : i32
          %swap3A_505 = arith.constant 0 : i32
          %swap3A_506 = tpu.memref_slice %arg6[%scan3A_123, %swap3A_505] : memref<2x32768xf32, #tpu.memory_space<vmem>> -> memref<1x32768xf32, #tpu.memory_space<vmem>>
          %swap3A_507 = tpu.memref_squeeze %swap3A_506 : memref<1x32768xf32, #tpu.memory_space<vmem>> -> memref<32768xf32, #tpu.memory_space<vmem>>
          %swap3A_508 = arith.index_cast %add3A_504 : i32 to index
          %swap3A_509 = tpu.vector_load %swap3A_507[%swap3A_508] {strides = array<i32>} : memref<32768xf32, #tpu.memory_space<vmem>>, vector<16xf32>,
          tpu.vector_store %swap3A_507[%swap3A_508], %gather3A_268 {strides = array<i32>} : memref<32768xf32, #tpu.memory_space<vmem>>, vector<16xf32>,
          %add3A_510 = arith.constant 16384 : i32
          %add3A_511 = arith.addi %add3A_195, %add3A_510 : i32
          %add3A_512 = arith.constant 768 : i32
          %add3A_513 = arith.addi %add3A_511, %add3A_512 : i32
          %swap3A_514 = arith.constant 0 : i32
          %swap3A_515 = tpu.memref_slice %arg6[%scan3A_123, %swap3A_514] : memref<2x32768xf32, #tpu.memory_space<vmem>> -> memref<1x32768xf32, #tpu.memory_space<vmem>>
          %swap3A_516 = tpu.memref_squeeze %swap3A_515 : memref<1x32768xf32, #tpu.memory_space<vmem>> -> memref<32768xf32, #tpu.memory_space<vmem>>
          %swap3A_517 = arith.index_cast %add3A_513 : i32 to index
          %swap3A_518 = tpu.vector_load %swap3A_516[%swap3A_517] {strides = array<i32>} : memref<32768xf32, #tpu.memory_space<vmem>>, vector<16xf32>,
          tpu.vector_store %swap3A_516[%swap3A_517], %gather3A_273 {strides = array<i32>} : memref<32768xf32, #tpu.memory_space<vmem>>, vector<16xf32>,
          %add3A_519 = arith.constant 16384 : i32
          %add3A_520 = arith.addi %add3A_195, %add3A_519 : i32
          %add3A_521 = arith.constant 896 : i32
          %add3A_522 = arith.addi %add3A_520, %add3A_521 : i32
          %swap3A_523 = arith.constant 0 : i32
          %swap3A_524 = tpu.memref_slice %arg6[%scan3A_123, %swap3A_523] : memref<2x32768xf32, #tpu.memory_space<vmem>> -> memref<1x32768xf32, #tpu.memory_space<vmem>>
          %swap3A_525 = tpu.memref_squeeze %swap3A_524 : memref<1x32768xf32, #tpu.memory_space<vmem>> -> memref<32768xf32, #tpu.memory_space<vmem>>
          %swap3A_526 = arith.index_cast %add3A_522 : i32 to index
          %swap3A_527 = tpu.vector_load %swap3A_525[%swap3A_526] {strides = array<i32>} : memref<32768xf32, #tpu.memory_space<vmem>>, vector<16xf32>,
          tpu.vector_store %swap3A_525[%swap3A_526], %gather3A_278 {strides = array<i32>} : memref<32768xf32, #tpu.memory_space<vmem>>, vector<16xf32>,
          %add3A_528 = arith.constant 0 : i32
          %add3A_529 = arith.addi %add3A_299, %add3A_528 : i32
          %add3A_530 = arith.constant 0 : i32
          %add3A_531 = arith.addi %add3A_529, %add3A_530 : i32
          %swap3A_532 = arith.constant 0 : i32
          %swap3A_533 = tpu.memref_slice %arg6[%scan3A_123, %swap3A_532] : memref<2x32768xf32, #tpu.memory_space<vmem>> -> memref<1x32768xf32, #tpu.memory_space<vmem>>
          %swap3A_534 = tpu.memref_squeeze %swap3A_533 : memref<1x32768xf32, #tpu.memory_space<vmem>> -> memref<32768xf32, #tpu.memory_space<vmem>>
          %swap3A_535 = arith.index_cast %add3A_531 : i32 to index
          %swap3A_536 = tpu.vector_load %swap3A_534[%swap3A_535] {strides = array<i32>} : memref<32768xf32, #tpu.memory_space<vmem>>, vector<16xf32>,
          tpu.vector_store %swap3A_534[%swap3A_535], %gather3A_309 {strides = array<i32>} : memref<32768xf32, #tpu.memory_space<vmem>>, vector<16xf32>,
          %add3A_537 = arith.constant 0 : i32
          %add3A_538 = arith.addi %add3A_299, %add3A_537 : i32
          %add3A_539 = arith.constant 128 : i32
          %add3A_540 = arith.addi %add3A_538, %add3A_539 : i32
          %swap3A_541 = arith.constant 0 : i32
          %swap3A_542 = tpu.memref_slice %arg6[%scan3A_123, %swap3A_541] : memref<2x32768xf32, #tpu.memory_space<vmem>> -> memref<1x32768xf32, #tpu.memory_space<vmem>>
          %swap3A_543 = tpu.memref_squeeze %swap3A_542 : memref<1x32768xf32, #tpu.memory_space<vmem>> -> memref<32768xf32, #tpu.memory_space<vmem>>
          %swap3A_544 = arith.index_cast %add3A_540 : i32 to index
          %swap3A_545 = tpu.vector_load %swap3A_543[%swap3A_544] {strides = array<i32>} : memref<32768xf32, #tpu.memory_space<vmem>>, vector<16xf32>,
          tpu.vector_store %swap3A_543[%swap3A_544], %gather3A_314 {strides = array<i32>} : memref<32768xf32, #tpu.memory_space<vmem>>, vector<16xf32>,
          %add3A_546 = arith.constant 0 : i32
          %add3A_547 = arith.addi %add3A_299, %add3A_546 : i32
          %add3A_548 = arith.constant 256 : i32
          %add3A_549 = arith.addi %add3A_547, %add3A_548 : i32
          %swap3A_550 = arith.constant 0 : i32
          %swap3A_551 = tpu.memref_slice %arg6[%scan3A_123, %swap3A_550] : memref<2x32768xf32, #tpu.memory_space<vmem>> -> memref<1x32768xf32, #tpu.memory_space<vmem>>
          %swap3A_552 = tpu.memref_squeeze %swap3A_551 : memref<1x32768xf32, #tpu.memory_space<vmem>> -> memref<32768xf32, #tpu.memory_space<vmem>>
          %swap3A_553 = arith.index_cast %add3A_549 : i32 to index
          %swap3A_554 = tpu.vector_load %swap3A_552[%swap3A_553] {strides = array<i32>} : memref<32768xf32, #tpu.memory_space<vmem>>, vector<16xf32>,
          tpu.vector_store %swap3A_552[%swap3A_553], %gather3A_319 {strides = array<i32>} : memref<32768xf32, #tpu.memory_space<vmem>>, vector<16xf32>,
          %add3A_555 = arith.constant 0 : i32
          %add3A_556 = arith.addi %add3A_299, %add3A_555 : i32
          %add3A_557 = arith.constant 384 : i32
          %add3A_558 = arith.addi %add3A_556, %add3A_557 : i32
          %swap3A_559 = arith.constant 0 : i32
          %swap3A_560 = tpu.memref_slice %arg6[%scan3A_123, %swap3A_559] : memref<2x32768xf32, #tpu.memory_space<vmem>> -> memref<1x32768xf32, #tpu.memory_space<vmem>>
          %swap3A_561 = tpu.memref_squeeze %swap3A_560 : memref<1x32768xf32, #tpu.memory_space<vmem>> -> memref<32768xf32, #tpu.memory_space<vmem>>
          %swap3A_562 = arith.index_cast %add3A_558 : i32 to index
          %swap3A_563 = tpu.vector_load %swap3A_561[%swap3A_562] {strides = array<i32>} : memref<32768xf32, #tpu.memory_space<vmem>>, vector<16xf32>,
          tpu.vector_store %swap3A_561[%swap3A_562], %gather3A_324 {strides = array<i32>} : memref<32768xf32, #tpu.memory_space<vmem>>, vector<16xf32>,
          %add3A_564 = arith.constant 0 : i32
          %add3A_565 = arith.addi %add3A_299, %add3A_564 : i32
          %add3A_566 = arith.constant 512 : i32
          %add3A_567 = arith.addi %add3A_565, %add3A_566 : i32
          %swap3A_568 = arith.constant 0 : i32
          %swap3A_569 = tpu.memref_slice %arg6[%scan3A_123, %swap3A_568] : memref<2x32768xf32, #tpu.memory_space<vmem>> -> memref<1x32768xf32, #tpu.memory_space<vmem>>
          %swap3A_570 = tpu.memref_squeeze %swap3A_569 : memref<1x32768xf32, #tpu.memory_space<vmem>> -> memref<32768xf32, #tpu.memory_space<vmem>>
          %swap3A_571 = arith.index_cast %add3A_567 : i32 to index
          %swap3A_572 = tpu.vector_load %swap3A_570[%swap3A_571] {strides = array<i32>} : memref<32768xf32, #tpu.memory_space<vmem>>, vector<16xf32>,
          tpu.vector_store %swap3A_570[%swap3A_571], %gather3A_329 {strides = array<i32>} : memref<32768xf32, #tpu.memory_space<vmem>>, vector<16xf32>,
          %add3A_573 = arith.constant 0 : i32
          %add3A_574 = arith.addi %add3A_299, %add3A_573 : i32
          %add3A_575 = arith.constant 640 : i32
          %add3A_576 = arith.addi %add3A_574, %add3A_575 : i32
          %swap3A_577 = arith.constant 0 : i32
          %swap3A_578 = tpu.memref_slice %arg6[%scan3A_123, %swap3A_577] : memref<2x32768xf32, #tpu.memory_space<vmem>> -> memref<1x32768xf32, #tpu.memory_space<vmem>>
          %swap3A_579 = tpu.memref_squeeze %swap3A_578 : memref<1x32768xf32, #tpu.memory_space<vmem>> -> memref<32768xf32, #tpu.memory_space<vmem>>
          %swap3A_580 = arith.index_cast %add3A_576 : i32 to index
          %swap3A_581 = tpu.vector_load %swap3A_579[%swap3A_580] {strides = array<i32>} : memref<32768xf32, #tpu.memory_space<vmem>>, vector<16xf32>,
          tpu.vector_store %swap3A_579[%swap3A_580], %gather3A_334 {strides = array<i32>} : memref<32768xf32, #tpu.memory_space<vmem>>, vector<16xf32>,
          %add3A_582 = arith.constant 0 : i32
          %add3A_583 = arith.addi %add3A_299, %add3A_582 : i32
          %add3A_584 = arith.constant 768 : i32
          %add3A_585 = arith.addi %add3A_583, %add3A_584 : i32
          %swap3A_586 = arith.constant 0 : i32
          %swap3A_587 = tpu.memref_slice %arg6[%scan3A_123, %swap3A_586] : memref<2x32768xf32, #tpu.memory_space<vmem>> -> memref<1x32768xf32, #tpu.memory_space<vmem>>
          %swap3A_588 = tpu.memref_squeeze %swap3A_587 : memref<1x32768xf32, #tpu.memory_space<vmem>> -> memref<32768xf32, #tpu.memory_space<vmem>>
          %swap3A_589 = arith.index_cast %add3A_585 : i32 to index
          %swap3A_590 = tpu.vector_load %swap3A_588[%swap3A_589] {strides = array<i32>} : memref<32768xf32, #tpu.memory_space<vmem>>, vector<16xf32>,
          tpu.vector_store %swap3A_588[%swap3A_589], %gather3A_339 {strides = array<i32>} : memref<32768xf32, #tpu.memory_space<vmem>>, vector<16xf32>,
          %add3A_591 = arith.constant 0 : i32
          %add3A_592 = arith.addi %add3A_299, %add3A_591 : i32
          %add3A_593 = arith.constant 896 : i32
          %add3A_594 = arith.addi %add3A_592, %add3A_593 : i32
          %swap3A_595 = arith.constant 0 : i32
          %swap3A_596 = tpu.memref_slice %arg6[%scan3A_123, %swap3A_595] : memref<2x32768xf32, #tpu.memory_space<vmem>> -> memref<1x32768xf32, #tpu.memory_space<vmem>>
          %swap3A_597 = tpu.memref_squeeze %swap3A_596 : memref<1x32768xf32, #tpu.memory_space<vmem>> -> memref<32768xf32, #tpu.memory_space<vmem>>
          %swap3A_598 = arith.index_cast %add3A_594 : i32 to index
          %swap3A_599 = tpu.vector_load %swap3A_597[%swap3A_598] {strides = array<i32>} : memref<32768xf32, #tpu.memory_space<vmem>>, vector<16xf32>,
          tpu.vector_store %swap3A_597[%swap3A_598], %gather3A_344 {strides = array<i32>} : memref<32768xf32, #tpu.memory_space<vmem>>, vector<16xf32>,
          %add3A_600 = arith.constant 16384 : i32
          %add3A_601 = arith.addi %add3A_299, %add3A_600 : i32
          %add3A_602 = arith.constant 0 : i32
          %add3A_603 = arith.addi %add3A_601, %add3A_602 : i32
          %swap3A_604 = arith.constant 0 : i32
          %swap3A_605 = tpu.memref_slice %arg6[%scan3A_123, %swap3A_604] : memref<2x32768xf32, #tpu.memory_space<vmem>> -> memref<1x32768xf32, #tpu.memory_space<vmem>>
          %swap3A_606 = tpu.memref_squeeze %swap3A_605 : memref<1x32768xf32, #tpu.memory_space<vmem>> -> memref<32768xf32, #tpu.memory_space<vmem>>
          %swap3A_607 = arith.index_cast %add3A_603 : i32 to index
          %swap3A_608 = tpu.vector_load %swap3A_606[%swap3A_607] {strides = array<i32>} : memref<32768xf32, #tpu.memory_space<vmem>>, vector<16xf32>,
          tpu.vector_store %swap3A_606[%swap3A_607], %gather3A_349 {strides = array<i32>} : memref<32768xf32, #tpu.memory_space<vmem>>, vector<16xf32>,
          %add3A_609 = arith.constant 16384 : i32
          %add3A_610 = arith.addi %add3A_299, %add3A_609 : i32
          %add3A_611 = arith.constant 128 : i32
          %add3A_612 = arith.addi %add3A_610, %add3A_611 : i32
          %swap3A_613 = arith.constant 0 : i32
          %swap3A_614 = tpu.memref_slice %arg6[%scan3A_123, %swap3A_613] : memref<2x32768xf32, #tpu.memory_space<vmem>> -> memref<1x32768xf32, #tpu.memory_space<vmem>>
          %swap3A_615 = tpu.memref_squeeze %swap3A_614 : memref<1x32768xf32, #tpu.memory_space<vmem>> -> memref<32768xf32, #tpu.memory_space<vmem>>
          %swap3A_616 = arith.index_cast %add3A_612 : i32 to index
          %swap3A_617 = tpu.vector_load %swap3A_615[%swap3A_616] {strides = array<i32>} : memref<32768xf32, #tpu.memory_space<vmem>>, vector<16xf32>,
          tpu.vector_store %swap3A_615[%swap3A_616], %gather3A_354 {strides = array<i32>} : memref<32768xf32, #tpu.memory_space<vmem>>, vector<16xf32>,
          %add3A_618 = arith.constant 16384 : i32
          %add3A_619 = arith.addi %add3A_299, %add3A_618 : i32
          %add3A_620 = arith.constant 256 : i32
          %add3A_621 = arith.addi %add3A_619, %add3A_620 : i32
          %swap3A_622 = arith.constant 0 : i32
          %swap3A_623 = tpu.memref_slice %arg6[%scan3A_123, %swap3A_622] : memref<2x32768xf32, #tpu.memory_space<vmem>> -> memref<1x32768xf32, #tpu.memory_space<vmem>>
          %swap3A_624 = tpu.memref_squeeze %swap3A_623 : memref<1x32768xf32, #tpu.memory_space<vmem>> -> memref<32768xf32, #tpu.memory_space<vmem>>
          %swap3A_625 = arith.index_cast %add3A_621 : i32 to index
          %swap3A_626 = tpu.vector_load %swap3A_624[%swap3A_625] {strides = array<i32>} : memref<32768xf32, #tpu.memory_space<vmem>>, vector<16xf32>,
          tpu.vector_store %swap3A_624[%swap3A_625], %gather3A_359 {strides = array<i32>} : memref<32768xf32, #tpu.memory_space<vmem>>, vector<16xf32>,
          %add3A_627 = arith.constant 16384 : i32
          %add3A_628 = arith.addi %add3A_299, %add3A_627 : i32
          %add3A_629 = arith.constant 384 : i32
          %add3A_630 = arith.addi %add3A_628, %add3A_629 : i32
          %swap3A_631 = arith.constant 0 : i32
          %swap3A_632 = tpu.memref_slice %arg6[%scan3A_123, %swap3A_631] : memref<2x32768xf32, #tpu.memory_space<vmem>> -> memref<1x32768xf32, #tpu.memory_space<vmem>>
          %swap3A_633 = tpu.memref_squeeze %swap3A_632 : memref<1x32768xf32, #tpu.memory_space<vmem>> -> memref<32768xf32, #tpu.memory_space<vmem>>
          %swap3A_634 = arith.index_cast %add3A_630 : i32 to index
          %swap3A_635 = tpu.vector_load %swap3A_633[%swap3A_634] {strides = array<i32>} : memref<32768xf32, #tpu.memory_space<vmem>>, vector<16xf32>,
          tpu.vector_store %swap3A_633[%swap3A_634], %gather3A_364 {strides = array<i32>} : memref<32768xf32, #tpu.memory_space<vmem>>, vector<16xf32>,
          %add3A_636 = arith.constant 16384 : i32
          %add3A_637 = arith.addi %add3A_299, %add3A_636 : i32
          %add3A_638 = arith.constant 512 : i32
          %add3A_639 = arith.addi %add3A_637, %add3A_638 : i32
          %swap3A_640 = arith.constant 0 : i32
          %swap3A_641 = tpu.memref_slice %arg6[%scan3A_123, %swap3A_640] : memref<2x32768xf32, #tpu.memory_space<vmem>> -> memref<1x32768xf32, #tpu.memory_space<vmem>>
          %swap3A_642 = tpu.memref_squeeze %swap3A_641 : memref<1x32768xf32, #tpu.memory_space<vmem>> -> memref<32768xf32, #tpu.memory_space<vmem>>
          %swap3A_643 = arith.index_cast %add3A_639 : i32 to index
          %swap3A_644 = tpu.vector_load %swap3A_642[%swap3A_643] {strides = array<i32>} : memref<32768xf32, #tpu.memory_space<vmem>>, vector<16xf32>,
          tpu.vector_store %swap3A_642[%swap3A_643], %gather3A_369 {strides = array<i32>} : memref<32768xf32, #tpu.memory_space<vmem>>, vector<16xf32>,
          %add3A_645 = arith.constant 16384 : i32
          %add3A_646 = arith.addi %add3A_299, %add3A_645 : i32
          %add3A_647 = arith.constant 640 : i32
          %add3A_648 = arith.addi %add3A_646, %add3A_647 : i32
          %swap3A_649 = arith.constant 0 : i32
          %swap3A_650 = tpu.memref_slice %arg6[%scan3A_123, %swap3A_649] : memref<2x32768xf32, #tpu.memory_space<vmem>> -> memref<1x32768xf32, #tpu.memory_space<vmem>>
          %swap3A_651 = tpu.memref_squeeze %swap3A_650 : memref<1x32768xf32, #tpu.memory_space<vmem>> -> memref<32768xf32, #tpu.memory_space<vmem>>
          %swap3A_652 = arith.index_cast %add3A_648 : i32 to index
          %swap3A_653 = tpu.vector_load %swap3A_651[%swap3A_652] {strides = array<i32>} : memref<32768xf32, #tpu.memory_space<vmem>>, vector<16xf32>,
          tpu.vector_store %swap3A_651[%swap3A_652], %gather3A_374 {strides = array<i32>} : memref<32768xf32, #tpu.memory_space<vmem>>, vector<16xf32>,
          %add3A_654 = arith.constant 16384 : i32
          %add3A_655 = arith.addi %add3A_299, %add3A_654 : i32
          %add3A_656 = arith.constant 768 : i32
          %add3A_657 = arith.addi %add3A_655, %add3A_656 : i32
          %swap3A_658 = arith.constant 0 : i32
          %swap3A_659 = tpu.memref_slice %arg6[%scan3A_123, %swap3A_658] : memref<2x32768xf32, #tpu.memory_space<vmem>> -> memref<1x32768xf32, #tpu.memory_space<vmem>>
          %swap3A_660 = tpu.memref_squeeze %swap3A_659 : memref<1x32768xf32, #tpu.memory_space<vmem>> -> memref<32768xf32, #tpu.memory_space<vmem>>
          %swap3A_661 = arith.index_cast %add3A_657 : i32 to index
          %swap3A_662 = tpu.vector_load %swap3A_660[%swap3A_661] {strides = array<i32>} : memref<32768xf32, #tpu.memory_space<vmem>>, vector<16xf32>,
          tpu.vector_store %swap3A_660[%swap3A_661], %gather3A_379 {strides = array<i32>} : memref<32768xf32, #tpu.memory_space<vmem>>, vector<16xf32>,
          %add3A_663 = arith.constant 16384 : i32
          %add3A_664 = arith.addi %add3A_299, %add3A_663 : i32
          %add3A_665 = arith.constant 896 : i32
          %add3A_666 = arith.addi %add3A_664, %add3A_665 : i32
          %swap3A_667 = arith.constant 0 : i32
          %swap3A_668 = tpu.memref_slice %arg6[%scan3A_123, %swap3A_667] : memref<2x32768xf32, #tpu.memory_space<vmem>> -> memref<1x32768xf32, #tpu.memory_space<vmem>>
          %swap3A_669 = tpu.memref_squeeze %swap3A_668 : memref<1x32768xf32, #tpu.memory_space<vmem>> -> memref<32768xf32, #tpu.memory_space<vmem>>
          %swap3A_670 = arith.index_cast %add3A_666 : i32 to index
          %swap3A_671 = tpu.vector_load %swap3A_669[%swap3A_670] {strides = array<i32>} : memref<32768xf32, #tpu.memory_space<vmem>>, vector<16xf32>,
          tpu.vector_store %swap3A_669[%swap3A_670], %gather3A_384 {strides = array<i32>} : memref<32768xf32, #tpu.memory_space<vmem>>, vector<16xf32>,
        }
        %scan3A_128 = arith.constant 64 : i32
        %mul3A_129 = arith.constant 32768 : i32
        %mul3A_130 = arith.muli %add3A_113, %mul3A_129 : i32
        %multiple_of3A_131 = tpu.assume_multiple %mul3A_130, 32768 : i32
        %dma_start3A_132 = arith.constant 0 : i32
        %dma_start3A_133 = arith.constant 0 : i32
        %dma_start3A_134 = tpu.memref_slice %arg6[%dma_start3A_132, %dma_start3A_133] : memref<2x32768xf32, #tpu.memory_space<vmem>> -> memref<1x32768xf32, #tpu.memory_space<vmem>>
        %dma_start3A_135 = tpu.memref_squeeze %dma_start3A_134 : memref<1x32768xf32, #tpu.memory_space<vmem>> -> memref<32768xf32, #tpu.memory_space<vmem>>
        %dma_start3A_136 = tpu.memref_slice %arg4[%multiple_of3A_131] : memref<67108864xf32, #tpu.memory_space<hbm>> -> memref<32768xf32, #tpu.memory_space<hbm>>
        %dma_start3A_137 = tpu.memref_slice %arg4[%multiple_of3A_131] : memref<67108864xf32, #tpu.memory_space<hbm>> -> memref<32768xf32, #tpu.memory_space<hbm>>
        %dma_start3A_138 = arith.constant 0 : i32
        %dma_start3A_139 = tpu.memref_slice %arg6[%dma_start3A_132, %dma_start3A_138] : memref<2x32768xf32, #tpu.memory_space<vmem>> -> memref<1x32768xf32, #tpu.memory_space<vmem>>
        %dma_start3A_140 = tpu.memref_squeeze %dma_start3A_139 : memref<1x32768xf32, #tpu.memory_space<vmem>> -> memref<32768xf32, #tpu.memory_space<vmem>>
        tpu.enqueue_dma source(%dma_start3A_140 : memref<32768xf32, #tpu.memory_space<vmem>>) target(%dma_start3A_137 : memref<32768xf32, #tpu.memory_space<hbm>>) target_semaphore(%arg10 : memref<!tpu.dma_semaphore, #tpu.memory_space<semaphore_mem>>)
        %mul3A_141 = arith.constant 2 : i32
        %mul3A_142 = arith.muli %scan3A_106, %mul3A_141 : i32
        %add3A_143 = arith.constant 1 : i32
        %add3A_144 = arith.addi %mul3A_142, %add3A_143 : i32
        %mul3A_145 = arith.constant 8 : i32
        %mul3A_146 = arith.muli %add3A_80, %mul3A_145 : i32
        %add3A_147 = arith.addi %mul3A_146, %add3A_144 : i32
        %mul3A_148 = arith.constant 8 : i32
        %mul3A_149 = arith.muli %add3A_79, %mul3A_148 : i32
        %add3A_150 = arith.addi %mul3A_149, %add3A_144 : i32
        %ge3A_151 = arith.constant 2 : i32
        %ge3A_152 = arith.cmpi sge, %add3A_150, %ge3A_151 : i32
        %convert_element_type3A_153 = arith.extui %ge3A_152 : i1 to i32
        %cond3A_154 = arith.constant 0 : i32
        %cond3A_155 = arith.cmpi ne, %convert_element_type3A_153, %cond3A_154 : i32
        scf.if %cond3A_155 {
          %mul3A_176 = arith.constant 32768 : i32
          %mul3A_177 = arith.muli %add3A_147, %mul3A_176 : i32
          %multiple_of3A_178 = tpu.assume_multiple %mul3A_177, 32768 : i32
          %dma_wait3A_179 = arith.constant 1 : i32
          %dma_wait3A_180 = arith.constant 0 : i32
          %dma_wait3A_181 = tpu.memref_slice %arg6[%dma_wait3A_179, %dma_wait3A_180] : memref<2x32768xf32, #tpu.memory_space<vmem>> -> memref<1x32768xf32, #tpu.memory_space<vmem>>
          %dma_wait3A_182 = tpu.memref_squeeze %dma_wait3A_181 : memref<1x32768xf32, #tpu.memory_space<vmem>> -> memref<32768xf32, #tpu.memory_space<vmem>>
          %dma_wait3A_183 = tpu.memref_slice %arg4[%multiple_of3A_178] : memref<67108864xf32, #tpu.memory_space<hbm>> -> memref<32768xf32, #tpu.memory_space<hbm>>
          %dma_wait3A_184 = tpu.memref_slice %arg4[%multiple_of3A_178] : memref<67108864xf32, #tpu.memory_space<hbm>> -> memref<32768xf32, #tpu.memory_space<hbm>>
          %dma_wait3A_185 = arith.constant 0 : i32
          %dma_wait3A_186 = tpu.memref_slice %arg6[%dma_wait3A_179, %dma_wait3A_185] : memref<2x32768xf32, #tpu.memory_space<vmem>> -> memref<1x32768xf32, #tpu.memory_space<vmem>>
          %dma_wait3A_187 = tpu.memref_squeeze %dma_wait3A_186 : memref<1x32768xf32, #tpu.memory_space<vmem>> -> memref<32768xf32, #tpu.memory_space<vmem>>
          tpu.wait_dma2 semaphore(%arg11 : memref<!tpu.dma_semaphore, #tpu.memory_space<semaphore_mem>>) src(%dma_wait3A_187 : memref<32768xf32, #tpu.memory_space<vmem>>) dst(%dma_wait3A_184 : memref<32768xf32, #tpu.memory_space<hbm>>)
        } else {
        }
        %scan3A_156 = arith.constant 0 : i32
        %scan3A_157 = arith.constant 1 : i32
        %scan3A_158 = arith.constant 1 : i32
        %scan3A_159 = arith.constant 0 : i32
        %scan3A_160 = arith.constant 64 : i32
        %scan3A_161 = arith.addi %scan3A_159, %scan3A_160 : i32
        %scan3A_162 = arith.constant 1 : i32
        scf.for %scan3A_176 = %scan3A_159 to %scan3A_161 step %scan3A_162  : i32 {
          %mul3A_177 = arith.constant 2 : i32
          %mul3A_178 = arith.muli %scan3A_176, %mul3A_177 : i32
          %add3A_179 = arith.constant 0 : i32
          %add3A_180 = arith.addi %mul3A_178, %add3A_179 : i32
          %shift_right_arithmetic3A = arith.constant 3 : i32
          %shift_right_arithmetic3A_181 = arith.shrsi %add3A_180, %shift_right_arithmetic3A : i32
          %and3A = arith.constant 7 : i32
          %and3A_182 = arith.andi %add3A_180, %and3A : i32
          %mul3A_183 = arith.constant 1024 : i32
          %mul3A_184 = arith.muli %shift_right_arithmetic3A_181, %mul3A_183 : i32
          %mul3A_185 = arith.constant 128 : i32
          %mul3A_186 = arith.muli %add3A_144, %mul3A_185 : i32
          %add3A_187 = arith.addi %mul3A_184, %mul3A_186 : i32
          %mul3A_188 = arith.constant 16 : i32
          %mul3A_189 = arith.muli %and3A_182, %mul3A_188 : i32
          %add3A_190 = arith.addi %add3A_187, %mul3A_189 : i32
          %mul3A_191 = arith.constant 1024 : i32
          %mul3A_192 = arith.muli %shift_right_arithmetic3A_181, %mul3A_191 : i32
          %mul3A_193 = arith.constant 16 : i32
          %mul3A_194 = arith.muli %and3A_182, %mul3A_193 : i32
          %add3A_195 = arith.addi %mul3A_192, %mul3A_194 : i32
          %get3A = arith.constant 0 : i32
          %get3A_196 = tpu.memref_slice %arg5[%scan3A_157, %get3A] : memref<2x16384xi32, #tpu.memory_space<vmem>> -> memref<1x16384xi32, #tpu.memory_space<vmem>>
          %get3A_197 = tpu.memref_squeeze %get3A_196 : memref<1x16384xi32, #tpu.memory_space<vmem>> -> memref<16384xi32, #tpu.memory_space<vmem>>
          %get3A_198 = arith.index_cast %add3A_190 : i32 to index
          %get3A_199 = tpu.vector_load %get3A_197[%get3A_198] {strides = array<i32>} : memref<16384xi32, #tpu.memory_space<vmem>>, vector<16xi32>,
          %gather3A = arith.constant 0 : i32
          %gather3A_200 = arith.constant 0 : i32
          %gather3A_201 = tpu.memref_slice %arg7[%gather3A, %gather3A_200] : memref<16x129xf32, #tpu.memory_space<vmem>> -> memref<1x129xf32, #tpu.memory_space<vmem>>
          %gather3A_202 = tpu.memref_squeeze %gather3A_201 : memref<1x129xf32, #tpu.memory_space<vmem>> -> memref<129xf32, #tpu.memory_space<vmem>>
          %gather3A_203 = tpu.vector_load_idx %gather3A_202[%get3A_199] : memref<129xf32, #tpu.memory_space<vmem>>[vector<16xi32>], vector<16xf32>,
          %gather3A_204 = arith.constant 1 : i32
          %gather3A_205 = arith.constant 0 : i32
          %gather3A_206 = tpu.memref_slice %arg7[%gather3A_204, %gather3A_205] : memref<16x129xf32, #tpu.memory_space<vmem>> -> memref<1x129xf32, #tpu.memory_space<vmem>>
          %gather3A_207 = tpu.memref_squeeze %gather3A_206 : memref<1x129xf32, #tpu.memory_space<vmem>> -> memref<129xf32, #tpu.memory_space<vmem>>
          %gather3A_208 = tpu.vector_load_idx %gather3A_207[%get3A_199] : memref<129xf32, #tpu.memory_space<vmem>>[vector<16xi32>], vector<16xf32>,
          %gather3A_209 = arith.constant 2 : i32
          %gather3A_210 = arith.constant 0 : i32
          %gather3A_211 = tpu.memref_slice %arg7[%gather3A_209, %gather3A_210] : memref<16x129xf32, #tpu.memory_space<vmem>> -> memref<1x129xf32, #tpu.memory_space<vmem>>
          %gather3A_212 = tpu.memref_squeeze %gather3A_211 : memref<1x129xf32, #tpu.memory_space<vmem>> -> memref<129xf32, #tpu.memory_space<vmem>>
          %gather3A_213 = tpu.vector_load_idx %gather3A_212[%get3A_199] : memref<129xf32, #tpu.memory_space<vmem>>[vector<16xi32>], vector<16xf32>,
          %gather3A_214 = arith.constant 3 : i32
          %gather3A_215 = arith.constant 0 : i32
          %gather3A_216 = tpu.memref_slice %arg7[%gather3A_214, %gather3A_215] : memref<16x129xf32, #tpu.memory_space<vmem>> -> memref<1x129xf32, #tpu.memory_space<vmem>>
          %gather3A_217 = tpu.memref_squeeze %gather3A_216 : memref<1x129xf32, #tpu.memory_space<vmem>> -> memref<129xf32, #tpu.memory_space<vmem>>
          %gather3A_218 = tpu.vector_load_idx %gather3A_217[%get3A_199] : memref<129xf32, #tpu.memory_space<vmem>>[vector<16xi32>], vector<16xf32>,
          %gather3A_219 = arith.constant 4 : i32
          %gather3A_220 = arith.constant 0 : i32
          %gather3A_221 = tpu.memref_slice %arg7[%gather3A_219, %gather3A_220] : memref<16x129xf32, #tpu.memory_space<vmem>> -> memref<1x129xf32, #tpu.memory_space<vmem>>
          %gather3A_222 = tpu.memref_squeeze %gather3A_221 : memref<1x129xf32, #tpu.memory_space<vmem>> -> memref<129xf32, #tpu.memory_space<vmem>>
          %gather3A_223 = tpu.vector_load_idx %gather3A_222[%get3A_199] : memref<129xf32, #tpu.memory_space<vmem>>[vector<16xi32>], vector<16xf32>,
          %gather3A_224 = arith.constant 5 : i32
          %gather3A_225 = arith.constant 0 : i32
          %gather3A_226 = tpu.memref_slice %arg7[%gather3A_224, %gather3A_225] : memref<16x129xf32, #tpu.memory_space<vmem>> -> memref<1x129xf32, #tpu.memory_space<vmem>>
          %gather3A_227 = tpu.memref_squeeze %gather3A_226 : memref<1x129xf32, #tpu.memory_space<vmem>> -> memref<129xf32, #tpu.memory_space<vmem>>
          %gather3A_228 = tpu.vector_load_idx %gather3A_227[%get3A_199] : memref<129xf32, #tpu.memory_space<vmem>>[vector<16xi32>], vector<16xf32>,
          %gather3A_229 = arith.constant 6 : i32
          %gather3A_230 = arith.constant 0 : i32
          %gather3A_231 = tpu.memref_slice %arg7[%gather3A_229, %gather3A_230] : memref<16x129xf32, #tpu.memory_space<vmem>> -> memref<1x129xf32, #tpu.memory_space<vmem>>
          %gather3A_232 = tpu.memref_squeeze %gather3A_231 : memref<1x129xf32, #tpu.memory_space<vmem>> -> memref<129xf32, #tpu.memory_space<vmem>>
          %gather3A_233 = tpu.vector_load_idx %gather3A_232[%get3A_199] : memref<129xf32, #tpu.memory_space<vmem>>[vector<16xi32>], vector<16xf32>,
          %gather3A_234 = arith.constant 7 : i32
          %gather3A_235 = arith.constant 0 : i32
          %gather3A_236 = tpu.memref_slice %arg7[%gather3A_234, %gather3A_235] : memref<16x129xf32, #tpu.memory_space<vmem>> -> memref<1x129xf32, #tpu.memory_space<vmem>>
          %gather3A_237 = tpu.memref_squeeze %gather3A_236 : memref<1x129xf32, #tpu.memory_space<vmem>> -> memref<129xf32, #tpu.memory_space<vmem>>
          %gather3A_238 = tpu.vector_load_idx %gather3A_237[%get3A_199] : memref<129xf32, #tpu.memory_space<vmem>>[vector<16xi32>], vector<16xf32>,
          %gather3A_239 = arith.constant 8 : i32
          %gather3A_240 = arith.constant 0 : i32
          %gather3A_241 = tpu.memref_slice %arg7[%gather3A_239, %gather3A_240] : memref<16x129xf32, #tpu.memory_space<vmem>> -> memref<1x129xf32, #tpu.memory_space<vmem>>
          %gather3A_242 = tpu.memref_squeeze %gather3A_241 : memref<1x129xf32, #tpu.memory_space<vmem>> -> memref<129xf32, #tpu.memory_space<vmem>>
          %gather3A_243 = tpu.vector_load_idx %gather3A_242[%get3A_199] : memref<129xf32, #tpu.memory_space<vmem>>[vector<16xi32>], vector<16xf32>,
          %gather3A_244 = arith.constant 9 : i32
          %gather3A_245 = arith.constant 0 : i32
          %gather3A_246 = tpu.memref_slice %arg7[%gather3A_244, %gather3A_245] : memref<16x129xf32, #tpu.memory_space<vmem>> -> memref<1x129xf32, #tpu.memory_space<vmem>>
          %gather3A_247 = tpu.memref_squeeze %gather3A_246 : memref<1x129xf32, #tpu.memory_space<vmem>> -> memref<129xf32, #tpu.memory_space<vmem>>
          %gather3A_248 = tpu.vector_load_idx %gather3A_247[%get3A_199] : memref<129xf32, #tpu.memory_space<vmem>>[vector<16xi32>], vector<16xf32>,
          %gather3A_249 = arith.constant 10 : i32
          %gather3A_250 = arith.constant 0 : i32
          %gather3A_251 = tpu.memref_slice %arg7[%gather3A_249, %gather3A_250] : memref<16x129xf32, #tpu.memory_space<vmem>> -> memref<1x129xf32, #tpu.memory_space<vmem>>
          %gather3A_252 = tpu.memref_squeeze %gather3A_251 : memref<1x129xf32, #tpu.memory_space<vmem>> -> memref<129xf32, #tpu.memory_space<vmem>>
          %gather3A_253 = tpu.vector_load_idx %gather3A_252[%get3A_199] : memref<129xf32, #tpu.memory_space<vmem>>[vector<16xi32>], vector<16xf32>,
          %gather3A_254 = arith.constant 11 : i32
          %gather3A_255 = arith.constant 0 : i32
          %gather3A_256 = tpu.memref_slice %arg7[%gather3A_254, %gather3A_255] : memref<16x129xf32, #tpu.memory_space<vmem>> -> memref<1x129xf32, #tpu.memory_space<vmem>>
          %gather3A_257 = tpu.memref_squeeze %gather3A_256 : memref<1x129xf32, #tpu.memory_space<vmem>> -> memref<129xf32, #tpu.memory_space<vmem>>
          %gather3A_258 = tpu.vector_load_idx %gather3A_257[%get3A_199] : memref<129xf32, #tpu.memory_space<vmem>>[vector<16xi32>], vector<16xf32>,
          %gather3A_259 = arith.constant 12 : i32
          %gather3A_260 = arith.constant 0 : i32
          %gather3A_261 = tpu.memref_slice %arg7[%gather3A_259, %gather3A_260] : memref<16x129xf32, #tpu.memory_space<vmem>> -> memref<1x129xf32, #tpu.memory_space<vmem>>
          %gather3A_262 = tpu.memref_squeeze %gather3A_261 : memref<1x129xf32, #tpu.memory_space<vmem>> -> memref<129xf32, #tpu.memory_space<vmem>>
          %gather3A_263 = tpu.vector_load_idx %gather3A_262[%get3A_199] : memref<129xf32, #tpu.memory_space<vmem>>[vector<16xi32>], vector<16xf32>,
          %gather3A_264 = arith.constant 13 : i32
          %gather3A_265 = arith.constant 0 : i32
          %gather3A_266 = tpu.memref_slice %arg7[%gather3A_264, %gather3A_265] : memref<16x129xf32, #tpu.memory_space<vmem>> -> memref<1x129xf32, #tpu.memory_space<vmem>>
          %gather3A_267 = tpu.memref_squeeze %gather3A_266 : memref<1x129xf32, #tpu.memory_space<vmem>> -> memref<129xf32, #tpu.memory_space<vmem>>
          %gather3A_268 = tpu.vector_load_idx %gather3A_267[%get3A_199] : memref<129xf32, #tpu.memory_space<vmem>>[vector<16xi32>], vector<16xf32>,
          %gather3A_269 = arith.constant 14 : i32
          %gather3A_270 = arith.constant 0 : i32
          %gather3A_271 = tpu.memref_slice %arg7[%gather3A_269, %gather3A_270] : memref<16x129xf32, #tpu.memory_space<vmem>> -> memref<1x129xf32, #tpu.memory_space<vmem>>
          %gather3A_272 = tpu.memref_squeeze %gather3A_271 : memref<1x129xf32, #tpu.memory_space<vmem>> -> memref<129xf32, #tpu.memory_space<vmem>>
          %gather3A_273 = tpu.vector_load_idx %gather3A_272[%get3A_199] : memref<129xf32, #tpu.memory_space<vmem>>[vector<16xi32>], vector<16xf32>,
          %gather3A_274 = arith.constant 15 : i32
          %gather3A_275 = arith.constant 0 : i32
          %gather3A_276 = tpu.memref_slice %arg7[%gather3A_274, %gather3A_275] : memref<16x129xf32, #tpu.memory_space<vmem>> -> memref<1x129xf32, #tpu.memory_space<vmem>>
          %gather3A_277 = tpu.memref_squeeze %gather3A_276 : memref<1x129xf32, #tpu.memory_space<vmem>> -> memref<129xf32, #tpu.memory_space<vmem>>
          %gather3A_278 = tpu.vector_load_idx %gather3A_277[%get3A_199] : memref<129xf32, #tpu.memory_space<vmem>>[vector<16xi32>], vector<16xf32>,
          %mul3A_279 = arith.constant 2 : i32
          %mul3A_280 = arith.muli %scan3A_176, %mul3A_279 : i32
          %add3A_281 = arith.constant 1 : i32
          %add3A_282 = arith.addi %mul3A_280, %add3A_281 : i32
          %shift_right_arithmetic3A_283 = arith.constant 3 : i32
          %shift_right_arithmetic3A_284 = arith.shrsi %add3A_282, %shift_right_arithmetic3A_283 : i32
          %and3A_285 = arith.constant 7 : i32
          %and3A_286 = arith.andi %add3A_282, %and3A_285 : i32
          %mul3A_287 = arith.constant 1024 : i32
          %mul3A_288 = arith.muli %shift_right_arithmetic3A_284, %mul3A_287 : i32
          %mul3A_289 = arith.constant 128 : i32
          %mul3A_290 = arith.muli %add3A_144, %mul3A_289 : i32
          %add3A_291 = arith.addi %mul3A_288, %mul3A_290 : i32
          %mul3A_292 = arith.constant 16 : i32
          %mul3A_293 = arith.muli %and3A_286, %mul3A_292 : i32
          %add3A_294 = arith.addi %add3A_291, %mul3A_293 : i32
          %mul3A_295 = arith.constant 1024 : i32
          %mul3A_296 = arith.muli %shift_right_arithmetic3A_284, %mul3A_295 : i32
          %mul3A_297 = arith.constant 16 : i32
          %mul3A_298 = arith.muli %and3A_286, %mul3A_297 : i32
          %add3A_299 = arith.addi %mul3A_296, %mul3A_298 : i32
          %get3A_300 = arith.constant 0 : i32
          %get3A_301 = tpu.memref_slice %arg5[%scan3A_157, %get3A_300] : memref<2x16384xi32, #tpu.memory_space<vmem>> -> memref<1x16384xi32, #tpu.memory_space<vmem>>
          %get3A_302 = tpu.memref_squeeze %get3A_301 : memref<1x16384xi32, #tpu.memory_space<vmem>> -> memref<16384xi32, #tpu.memory_space<vmem>>
          %get3A_303 = arith.index_cast %add3A_294 : i32 to index
          %get3A_304 = tpu.vector_load %get3A_302[%get3A_303] {strides = array<i32>} : memref<16384xi32, #tpu.memory_space<vmem>>, vector<16xi32>,
          %gather3A_305 = arith.constant 0 : i32
          %gather3A_306 = arith.constant 0 : i32
          %gather3A_307 = tpu.memref_slice %arg7[%gather3A_305, %gather3A_306] : memref<16x129xf32, #tpu.memory_space<vmem>> -> memref<1x129xf32, #tpu.memory_space<vmem>>
          %gather3A_308 = tpu.memref_squeeze %gather3A_307 : memref<1x129xf32, #tpu.memory_space<vmem>> -> memref<129xf32, #tpu.memory_space<vmem>>
          %gather3A_309 = tpu.vector_load_idx %gather3A_308[%get3A_304] : memref<129xf32, #tpu.memory_space<vmem>>[vector<16xi32>], vector<16xf32>,
          %gather3A_310 = arith.constant 1 : i32
          %gather3A_311 = arith.constant 0 : i32
          %gather3A_312 = tpu.memref_slice %arg7[%gather3A_310, %gather3A_311] : memref<16x129xf32, #tpu.memory_space<vmem>> -> memref<1x129xf32, #tpu.memory_space<vmem>>
          %gather3A_313 = tpu.memref_squeeze %gather3A_312 : memref<1x129xf32, #tpu.memory_space<vmem>> -> memref<129xf32, #tpu.memory_space<vmem>>
          %gather3A_314 = tpu.vector_load_idx %gather3A_313[%get3A_304] : memref<129xf32, #tpu.memory_space<vmem>>[vector<16xi32>], vector<16xf32>,
          %gather3A_315 = arith.constant 2 : i32
          %gather3A_316 = arith.constant 0 : i32
          %gather3A_317 = tpu.memref_slice %arg7[%gather3A_315, %gather3A_316] : memref<16x129xf32, #tpu.memory_space<vmem>> -> memref<1x129xf32, #tpu.memory_space<vmem>>
          %gather3A_318 = tpu.memref_squeeze %gather3A_317 : memref<1x129xf32, #tpu.memory_space<vmem>> -> memref<129xf32, #tpu.memory_space<vmem>>
          %gather3A_319 = tpu.vector_load_idx %gather3A_318[%get3A_304] : memref<129xf32, #tpu.memory_space<vmem>>[vector<16xi32>], vector<16xf32>,
          %gather3A_320 = arith.constant 3 : i32
          %gather3A_321 = arith.constant 0 : i32
          %gather3A_322 = tpu.memref_slice %arg7[%gather3A_320, %gather3A_321] : memref<16x129xf32, #tpu.memory_space<vmem>> -> memref<1x129xf32, #tpu.memory_space<vmem>>
          %gather3A_323 = tpu.memref_squeeze %gather3A_322 : memref<1x129xf32, #tpu.memory_space<vmem>> -> memref<129xf32, #tpu.memory_space<vmem>>
          %gather3A_324 = tpu.vector_load_idx %gather3A_323[%get3A_304] : memref<129xf32, #tpu.memory_space<vmem>>[vector<16xi32>], vector<16xf32>,
          %gather3A_325 = arith.constant 4 : i32
          %gather3A_326 = arith.constant 0 : i32
          %gather3A_327 = tpu.memref_slice %arg7[%gather3A_325, %gather3A_326] : memref<16x129xf32, #tpu.memory_space<vmem>> -> memref<1x129xf32, #tpu.memory_space<vmem>>
          %gather3A_328 = tpu.memref_squeeze %gather3A_327 : memref<1x129xf32, #tpu.memory_space<vmem>> -> memref<129xf32, #tpu.memory_space<vmem>>
          %gather3A_329 = tpu.vector_load_idx %gather3A_328[%get3A_304] : memref<129xf32, #tpu.memory_space<vmem>>[vector<16xi32>], vector<16xf32>,
          %gather3A_330 = arith.constant 5 : i32
          %gather3A_331 = arith.constant 0 : i32
          %gather3A_332 = tpu.memref_slice %arg7[%gather3A_330, %gather3A_331] : memref<16x129xf32, #tpu.memory_space<vmem>> -> memref<1x129xf32, #tpu.memory_space<vmem>>
          %gather3A_333 = tpu.memref_squeeze %gather3A_332 : memref<1x129xf32, #tpu.memory_space<vmem>> -> memref<129xf32, #tpu.memory_space<vmem>>
          %gather3A_334 = tpu.vector_load_idx %gather3A_333[%get3A_304] : memref<129xf32, #tpu.memory_space<vmem>>[vector<16xi32>], vector<16xf32>,
          %gather3A_335 = arith.constant 6 : i32
          %gather3A_336 = arith.constant 0 : i32
          %gather3A_337 = tpu.memref_slice %arg7[%gather3A_335, %gather3A_336] : memref<16x129xf32, #tpu.memory_space<vmem>> -> memref<1x129xf32, #tpu.memory_space<vmem>>
          %gather3A_338 = tpu.memref_squeeze %gather3A_337 : memref<1x129xf32, #tpu.memory_space<vmem>> -> memref<129xf32, #tpu.memory_space<vmem>>
          %gather3A_339 = tpu.vector_load_idx %gather3A_338[%get3A_304] : memref<129xf32, #tpu.memory_space<vmem>>[vector<16xi32>], vector<16xf32>,
          %gather3A_340 = arith.constant 7 : i32
          %gather3A_341 = arith.constant 0 : i32
          %gather3A_342 = tpu.memref_slice %arg7[%gather3A_340, %gather3A_341] : memref<16x129xf32, #tpu.memory_space<vmem>> -> memref<1x129xf32, #tpu.memory_space<vmem>>
          %gather3A_343 = tpu.memref_squeeze %gather3A_342 : memref<1x129xf32, #tpu.memory_space<vmem>> -> memref<129xf32, #tpu.memory_space<vmem>>
          %gather3A_344 = tpu.vector_load_idx %gather3A_343[%get3A_304] : memref<129xf32, #tpu.memory_space<vmem>>[vector<16xi32>], vector<16xf32>,
          %gather3A_345 = arith.constant 8 : i32
          %gather3A_346 = arith.constant 0 : i32
          %gather3A_347 = tpu.memref_slice %arg7[%gather3A_345, %gather3A_346] : memref<16x129xf32, #tpu.memory_space<vmem>> -> memref<1x129xf32, #tpu.memory_space<vmem>>
          %gather3A_348 = tpu.memref_squeeze %gather3A_347 : memref<1x129xf32, #tpu.memory_space<vmem>> -> memref<129xf32, #tpu.memory_space<vmem>>
          %gather3A_349 = tpu.vector_load_idx %gather3A_348[%get3A_304] : memref<129xf32, #tpu.memory_space<vmem>>[vector<16xi32>], vector<16xf32>,
          %gather3A_350 = arith.constant 9 : i32
          %gather3A_351 = arith.constant 0 : i32
          %gather3A_352 = tpu.memref_slice %arg7[%gather3A_350, %gather3A_351] : memref<16x129xf32, #tpu.memory_space<vmem>> -> memref<1x129xf32, #tpu.memory_space<vmem>>
          %gather3A_353 = tpu.memref_squeeze %gather3A_352 : memref<1x129xf32, #tpu.memory_space<vmem>> -> memref<129xf32, #tpu.memory_space<vmem>>
          %gather3A_354 = tpu.vector_load_idx %gather3A_353[%get3A_304] : memref<129xf32, #tpu.memory_space<vmem>>[vector<16xi32>], vector<16xf32>,
          %gather3A_355 = arith.constant 10 : i32
          %gather3A_356 = arith.constant 0 : i32
          %gather3A_357 = tpu.memref_slice %arg7[%gather3A_355, %gather3A_356] : memref<16x129xf32, #tpu.memory_space<vmem>> -> memref<1x129xf32, #tpu.memory_space<vmem>>
          %gather3A_358 = tpu.memref_squeeze %gather3A_357 : memref<1x129xf32, #tpu.memory_space<vmem>> -> memref<129xf32, #tpu.memory_space<vmem>>
          %gather3A_359 = tpu.vector_load_idx %gather3A_358[%get3A_304] : memref<129xf32, #tpu.memory_space<vmem>>[vector<16xi32>], vector<16xf32>,
          %gather3A_360 = arith.constant 11 : i32
          %gather3A_361 = arith.constant 0 : i32
          %gather3A_362 = tpu.memref_slice %arg7[%gather3A_360, %gather3A_361] : memref<16x129xf32, #tpu.memory_space<vmem>> -> memref<1x129xf32, #tpu.memory_space<vmem>>
          %gather3A_363 = tpu.memref_squeeze %gather3A_362 : memref<1x129xf32, #tpu.memory_space<vmem>> -> memref<129xf32, #tpu.memory_space<vmem>>
          %gather3A_364 = tpu.vector_load_idx %gather3A_363[%get3A_304] : memref<129xf32, #tpu.memory_space<vmem>>[vector<16xi32>], vector<16xf32>,
          %gather3A_365 = arith.constant 12 : i32
          %gather3A_366 = arith.constant 0 : i32
          %gather3A_367 = tpu.memref_slice %arg7[%gather3A_365, %gather3A_366] : memref<16x129xf32, #tpu.memory_space<vmem>> -> memref<1x129xf32, #tpu.memory_space<vmem>>
          %gather3A_368 = tpu.memref_squeeze %gather3A_367 : memref<1x129xf32, #tpu.memory_space<vmem>> -> memref<129xf32, #tpu.memory_space<vmem>>
          %gather3A_369 = tpu.vector_load_idx %gather3A_368[%get3A_304] : memref<129xf32, #tpu.memory_space<vmem>>[vector<16xi32>], vector<16xf32>,
          %gather3A_370 = arith.constant 13 : i32
          %gather3A_371 = arith.constant 0 : i32
          %gather3A_372 = tpu.memref_slice %arg7[%gather3A_370, %gather3A_371] : memref<16x129xf32, #tpu.memory_space<vmem>> -> memref<1x129xf32, #tpu.memory_space<vmem>>
          %gather3A_373 = tpu.memref_squeeze %gather3A_372 : memref<1x129xf32, #tpu.memory_space<vmem>> -> memref<129xf32, #tpu.memory_space<vmem>>
          %gather3A_374 = tpu.vector_load_idx %gather3A_373[%get3A_304] : memref<129xf32, #tpu.memory_space<vmem>>[vector<16xi32>], vector<16xf32>,
          %gather3A_375 = arith.constant 14 : i32
          %gather3A_376 = arith.constant 0 : i32
          %gather3A_377 = tpu.memref_slice %arg7[%gather3A_375, %gather3A_376] : memref<16x129xf32, #tpu.memory_space<vmem>> -> memref<1x129xf32, #tpu.memory_space<vmem>>
          %gather3A_378 = tpu.memref_squeeze %gather3A_377 : memref<1x129xf32, #tpu.memory_space<vmem>> -> memref<129xf32, #tpu.memory_space<vmem>>
          %gather3A_379 = tpu.vector_load_idx %gather3A_378[%get3A_304] : memref<129xf32, #tpu.memory_space<vmem>>[vector<16xi32>], vector<16xf32>,
          %gather3A_380 = arith.constant 15 : i32
          %gather3A_381 = arith.constant 0 : i32
          %gather3A_382 = tpu.memref_slice %arg7[%gather3A_380, %gather3A_381] : memref<16x129xf32, #tpu.memory_space<vmem>> -> memref<1x129xf32, #tpu.memory_space<vmem>>
          %gather3A_383 = tpu.memref_squeeze %gather3A_382 : memref<1x129xf32, #tpu.memory_space<vmem>> -> memref<129xf32, #tpu.memory_space<vmem>>
          %gather3A_384 = tpu.vector_load_idx %gather3A_383[%get3A_304] : memref<129xf32, #tpu.memory_space<vmem>>[vector<16xi32>], vector<16xf32>,
          %add3A_385 = arith.constant 0 : i32
          %add3A_386 = arith.addi %add3A_195, %add3A_385 : i32
          %add3A_387 = arith.constant 0 : i32
          %add3A_388 = arith.addi %add3A_386, %add3A_387 : i32
          %swap3A = arith.constant 0 : i32
          %swap3A_389 = tpu.memref_slice %arg6[%scan3A_158, %swap3A] : memref<2x32768xf32, #tpu.memory_space<vmem>> -> memref<1x32768xf32, #tpu.memory_space<vmem>>
          %swap3A_390 = tpu.memref_squeeze %swap3A_389 : memref<1x32768xf32, #tpu.memory_space<vmem>> -> memref<32768xf32, #tpu.memory_space<vmem>>
          %swap3A_391 = arith.index_cast %add3A_388 : i32 to index
          %swap3A_392 = tpu.vector_load %swap3A_390[%swap3A_391] {strides = array<i32>} : memref<32768xf32, #tpu.memory_space<vmem>>, vector<16xf32>,
          tpu.vector_store %swap3A_390[%swap3A_391], %gather3A_203 {strides = array<i32>} : memref<32768xf32, #tpu.memory_space<vmem>>, vector<16xf32>,
          %add3A_393 = arith.constant 0 : i32
          %add3A_394 = arith.addi %add3A_195, %add3A_393 : i32
          %add3A_395 = arith.constant 128 : i32
          %add3A_396 = arith.addi %add3A_394, %add3A_395 : i32
          %swap3A_397 = arith.constant 0 : i32
          %swap3A_398 = tpu.memref_slice %arg6[%scan3A_158, %swap3A_397] : memref<2x32768xf32, #tpu.memory_space<vmem>> -> memref<1x32768xf32, #tpu.memory_space<vmem>>
          %swap3A_399 = tpu.memref_squeeze %swap3A_398 : memref<1x32768xf32, #tpu.memory_space<vmem>> -> memref<32768xf32, #tpu.memory_space<vmem>>
          %swap3A_400 = arith.index_cast %add3A_396 : i32 to index
          %swap3A_401 = tpu.vector_load %swap3A_399[%swap3A_400] {strides = array<i32>} : memref<32768xf32, #tpu.memory_space<vmem>>, vector<16xf32>,
          tpu.vector_store %swap3A_399[%swap3A_400], %gather3A_208 {strides = array<i32>} : memref<32768xf32, #tpu.memory_space<vmem>>, vector<16xf32>,
          %add3A_402 = arith.constant 0 : i32
          %add3A_403 = arith.addi %add3A_195, %add3A_402 : i32
          %add3A_404 = arith.constant 256 : i32
          %add3A_405 = arith.addi %add3A_403, %add3A_404 : i32
          %swap3A_406 = arith.constant 0 : i32
          %swap3A_407 = tpu.memref_slice %arg6[%scan3A_158, %swap3A_406] : memref<2x32768xf32, #tpu.memory_space<vmem>> -> memref<1x32768xf32, #tpu.memory_space<vmem>>
          %swap3A_408 = tpu.memref_squeeze %swap3A_407 : memref<1x32768xf32, #tpu.memory_space<vmem>> -> memref<32768xf32, #tpu.memory_space<vmem>>
          %swap3A_409 = arith.index_cast %add3A_405 : i32 to index
          %swap3A_410 = tpu.vector_load %swap3A_408[%swap3A_409] {strides = array<i32>} : memref<32768xf32, #tpu.memory_space<vmem>>, vector<16xf32>,
          tpu.vector_store %swap3A_408[%swap3A_409], %gather3A_213 {strides = array<i32>} : memref<32768xf32, #tpu.memory_space<vmem>>, vector<16xf32>,
          %add3A_411 = arith.constant 0 : i32
          %add3A_412 = arith.addi %add3A_195, %add3A_411 : i32
          %add3A_413 = arith.constant 384 : i32
          %add3A_414 = arith.addi %add3A_412, %add3A_413 : i32
          %swap3A_415 = arith.constant 0 : i32
          %swap3A_416 = tpu.memref_slice %arg6[%scan3A_158, %swap3A_415] : memref<2x32768xf32, #tpu.memory_space<vmem>> -> memref<1x32768xf32, #tpu.memory_space<vmem>>
          %swap3A_417 = tpu.memref_squeeze %swap3A_416 : memref<1x32768xf32, #tpu.memory_space<vmem>> -> memref<32768xf32, #tpu.memory_space<vmem>>
          %swap3A_418 = arith.index_cast %add3A_414 : i32 to index
          %swap3A_419 = tpu.vector_load %swap3A_417[%swap3A_418] {strides = array<i32>} : memref<32768xf32, #tpu.memory_space<vmem>>, vector<16xf32>,
          tpu.vector_store %swap3A_417[%swap3A_418], %gather3A_218 {strides = array<i32>} : memref<32768xf32, #tpu.memory_space<vmem>>, vector<16xf32>,
          %add3A_420 = arith.constant 0 : i32
          %add3A_421 = arith.addi %add3A_195, %add3A_420 : i32
          %add3A_422 = arith.constant 512 : i32
          %add3A_423 = arith.addi %add3A_421, %add3A_422 : i32
          %swap3A_424 = arith.constant 0 : i32
          %swap3A_425 = tpu.memref_slice %arg6[%scan3A_158, %swap3A_424] : memref<2x32768xf32, #tpu.memory_space<vmem>> -> memref<1x32768xf32, #tpu.memory_space<vmem>>
          %swap3A_426 = tpu.memref_squeeze %swap3A_425 : memref<1x32768xf32, #tpu.memory_space<vmem>> -> memref<32768xf32, #tpu.memory_space<vmem>>
          %swap3A_427 = arith.index_cast %add3A_423 : i32 to index
          %swap3A_428 = tpu.vector_load %swap3A_426[%swap3A_427] {strides = array<i32>} : memref<32768xf32, #tpu.memory_space<vmem>>, vector<16xf32>,
          tpu.vector_store %swap3A_426[%swap3A_427], %gather3A_223 {strides = array<i32>} : memref<32768xf32, #tpu.memory_space<vmem>>, vector<16xf32>,
          %add3A_429 = arith.constant 0 : i32
          %add3A_430 = arith.addi %add3A_195, %add3A_429 : i32
          %add3A_431 = arith.constant 640 : i32
          %add3A_432 = arith.addi %add3A_430, %add3A_431 : i32
          %swap3A_433 = arith.constant 0 : i32
          %swap3A_434 = tpu.memref_slice %arg6[%scan3A_158, %swap3A_433] : memref<2x32768xf32, #tpu.memory_space<vmem>> -> memref<1x32768xf32, #tpu.memory_space<vmem>>
          %swap3A_435 = tpu.memref_squeeze %swap3A_434 : memref<1x32768xf32, #tpu.memory_space<vmem>> -> memref<32768xf32, #tpu.memory_space<vmem>>
          %swap3A_436 = arith.index_cast %add3A_432 : i32 to index
          %swap3A_437 = tpu.vector_load %swap3A_435[%swap3A_436] {strides = array<i32>} : memref<32768xf32, #tpu.memory_space<vmem>>, vector<16xf32>,
          tpu.vector_store %swap3A_435[%swap3A_436], %gather3A_228 {strides = array<i32>} : memref<32768xf32, #tpu.memory_space<vmem>>, vector<16xf32>,
          %add3A_438 = arith.constant 0 : i32
          %add3A_439 = arith.addi %add3A_195, %add3A_438 : i32
          %add3A_440 = arith.constant 768 : i32
          %add3A_441 = arith.addi %add3A_439, %add3A_440 : i32
          %swap3A_442 = arith.constant 0 : i32
          %swap3A_443 = tpu.memref_slice %arg6[%scan3A_158, %swap3A_442] : memref<2x32768xf32, #tpu.memory_space<vmem>> -> memref<1x32768xf32, #tpu.memory_space<vmem>>
          %swap3A_444 = tpu.memref_squeeze %swap3A_443 : memref<1x32768xf32, #tpu.memory_space<vmem>> -> memref<32768xf32, #tpu.memory_space<vmem>>
          %swap3A_445 = arith.index_cast %add3A_441 : i32 to index
          %swap3A_446 = tpu.vector_load %swap3A_444[%swap3A_445] {strides = array<i32>} : memref<32768xf32, #tpu.memory_space<vmem>>, vector<16xf32>,
          tpu.vector_store %swap3A_444[%swap3A_445], %gather3A_233 {strides = array<i32>} : memref<32768xf32, #tpu.memory_space<vmem>>, vector<16xf32>,
          %add3A_447 = arith.constant 0 : i32
          %add3A_448 = arith.addi %add3A_195, %add3A_447 : i32
          %add3A_449 = arith.constant 896 : i32
          %add3A_450 = arith.addi %add3A_448, %add3A_449 : i32
          %swap3A_451 = arith.constant 0 : i32
          %swap3A_452 = tpu.memref_slice %arg6[%scan3A_158, %swap3A_451] : memref<2x32768xf32, #tpu.memory_space<vmem>> -> memref<1x32768xf32, #tpu.memory_space<vmem>>
          %swap3A_453 = tpu.memref_squeeze %swap3A_452 : memref<1x32768xf32, #tpu.memory_space<vmem>> -> memref<32768xf32, #tpu.memory_space<vmem>>
          %swap3A_454 = arith.index_cast %add3A_450 : i32 to index
          %swap3A_455 = tpu.vector_load %swap3A_453[%swap3A_454] {strides = array<i32>} : memref<32768xf32, #tpu.memory_space<vmem>>, vector<16xf32>,
          tpu.vector_store %swap3A_453[%swap3A_454], %gather3A_238 {strides = array<i32>} : memref<32768xf32, #tpu.memory_space<vmem>>, vector<16xf32>,
          %add3A_456 = arith.constant 16384 : i32
          %add3A_457 = arith.addi %add3A_195, %add3A_456 : i32
          %add3A_458 = arith.constant 0 : i32
          %add3A_459 = arith.addi %add3A_457, %add3A_458 : i32
          %swap3A_460 = arith.constant 0 : i32
          %swap3A_461 = tpu.memref_slice %arg6[%scan3A_158, %swap3A_460] : memref<2x32768xf32, #tpu.memory_space<vmem>> -> memref<1x32768xf32, #tpu.memory_space<vmem>>
          %swap3A_462 = tpu.memref_squeeze %swap3A_461 : memref<1x32768xf32, #tpu.memory_space<vmem>> -> memref<32768xf32, #tpu.memory_space<vmem>>
          %swap3A_463 = arith.index_cast %add3A_459 : i32 to index
          %swap3A_464 = tpu.vector_load %swap3A_462[%swap3A_463] {strides = array<i32>} : memref<32768xf32, #tpu.memory_space<vmem>>, vector<16xf32>,
          tpu.vector_store %swap3A_462[%swap3A_463], %gather3A_243 {strides = array<i32>} : memref<32768xf32, #tpu.memory_space<vmem>>, vector<16xf32>,
          %add3A_465 = arith.constant 16384 : i32
          %add3A_466 = arith.addi %add3A_195, %add3A_465 : i32
          %add3A_467 = arith.constant 128 : i32
          %add3A_468 = arith.addi %add3A_466, %add3A_467 : i32
          %swap3A_469 = arith.constant 0 : i32
          %swap3A_470 = tpu.memref_slice %arg6[%scan3A_158, %swap3A_469] : memref<2x32768xf32, #tpu.memory_space<vmem>> -> memref<1x32768xf32, #tpu.memory_space<vmem>>
          %swap3A_471 = tpu.memref_squeeze %swap3A_470 : memref<1x32768xf32, #tpu.memory_space<vmem>> -> memref<32768xf32, #tpu.memory_space<vmem>>
          %swap3A_472 = arith.index_cast %add3A_468 : i32 to index
          %swap3A_473 = tpu.vector_load %swap3A_471[%swap3A_472] {strides = array<i32>} : memref<32768xf32, #tpu.memory_space<vmem>>, vector<16xf32>,
          tpu.vector_store %swap3A_471[%swap3A_472], %gather3A_248 {strides = array<i32>} : memref<32768xf32, #tpu.memory_space<vmem>>, vector<16xf32>,
          %add3A_474 = arith.constant 16384 : i32
          %add3A_475 = arith.addi %add3A_195, %add3A_474 : i32
          %add3A_476 = arith.constant 256 : i32
          %add3A_477 = arith.addi %add3A_475, %add3A_476 : i32
          %swap3A_478 = arith.constant 0 : i32
          %swap3A_479 = tpu.memref_slice %arg6[%scan3A_158, %swap3A_478] : memref<2x32768xf32, #tpu.memory_space<vmem>> -> memref<1x32768xf32, #tpu.memory_space<vmem>>
          %swap3A_480 = tpu.memref_squeeze %swap3A_479 : memref<1x32768xf32, #tpu.memory_space<vmem>> -> memref<32768xf32, #tpu.memory_space<vmem>>
          %swap3A_481 = arith.index_cast %add3A_477 : i32 to index
          %swap3A_482 = tpu.vector_load %swap3A_480[%swap3A_481] {strides = array<i32>} : memref<32768xf32, #tpu.memory_space<vmem>>, vector<16xf32>,
          tpu.vector_store %swap3A_480[%swap3A_481], %gather3A_253 {strides = array<i32>} : memref<32768xf32, #tpu.memory_space<vmem>>, vector<16xf32>,
          %add3A_483 = arith.constant 16384 : i32
          %add3A_484 = arith.addi %add3A_195, %add3A_483 : i32
          %add3A_485 = arith.constant 384 : i32
          %add3A_486 = arith.addi %add3A_484, %add3A_485 : i32
          %swap3A_487 = arith.constant 0 : i32
          %swap3A_488 = tpu.memref_slice %arg6[%scan3A_158, %swap3A_487] : memref<2x32768xf32, #tpu.memory_space<vmem>> -> memref<1x32768xf32, #tpu.memory_space<vmem>>
          %swap3A_489 = tpu.memref_squeeze %swap3A_488 : memref<1x32768xf32, #tpu.memory_space<vmem>> -> memref<32768xf32, #tpu.memory_space<vmem>>
          %swap3A_490 = arith.index_cast %add3A_486 : i32 to index
          %swap3A_491 = tpu.vector_load %swap3A_489[%swap3A_490] {strides = array<i32>} : memref<32768xf32, #tpu.memory_space<vmem>>, vector<16xf32>,
          tpu.vector_store %swap3A_489[%swap3A_490], %gather3A_258 {strides = array<i32>} : memref<32768xf32, #tpu.memory_space<vmem>>, vector<16xf32>,
          %add3A_492 = arith.constant 16384 : i32
          %add3A_493 = arith.addi %add3A_195, %add3A_492 : i32
          %add3A_494 = arith.constant 512 : i32
          %add3A_495 = arith.addi %add3A_493, %add3A_494 : i32
          %swap3A_496 = arith.constant 0 : i32
          %swap3A_497 = tpu.memref_slice %arg6[%scan3A_158, %swap3A_496] : memref<2x32768xf32, #tpu.memory_space<vmem>> -> memref<1x32768xf32, #tpu.memory_space<vmem>>
          %swap3A_498 = tpu.memref_squeeze %swap3A_497 : memref<1x32768xf32, #tpu.memory_space<vmem>> -> memref<32768xf32, #tpu.memory_space<vmem>>
          %swap3A_499 = arith.index_cast %add3A_495 : i32 to index
          %swap3A_500 = tpu.vector_load %swap3A_498[%swap3A_499] {strides = array<i32>} : memref<32768xf32, #tpu.memory_space<vmem>>, vector<16xf32>,
          tpu.vector_store %swap3A_498[%swap3A_499], %gather3A_263 {strides = array<i32>} : memref<32768xf32, #tpu.memory_space<vmem>>, vector<16xf32>,
          %add3A_501 = arith.constant 16384 : i32
          %add3A_502 = arith.addi %add3A_195, %add3A_501 : i32
          %add3A_503 = arith.constant 640 : i32
          %add3A_504 = arith.addi %add3A_502, %add3A_503 : i32
          %swap3A_505 = arith.constant 0 : i32
          %swap3A_506 = tpu.memref_slice %arg6[%scan3A_158, %swap3A_505] : memref<2x32768xf32, #tpu.memory_space<vmem>> -> memref<1x32768xf32, #tpu.memory_space<vmem>>
          %swap3A_507 = tpu.memref_squeeze %swap3A_506 : memref<1x32768xf32, #tpu.memory_space<vmem>> -> memref<32768xf32, #tpu.memory_space<vmem>>
          %swap3A_508 = arith.index_cast %add3A_504 : i32 to index
          %swap3A_509 = tpu.vector_load %swap3A_507[%swap3A_508] {strides = array<i32>} : memref<32768xf32, #tpu.memory_space<vmem>>, vector<16xf32>,
          tpu.vector_store %swap3A_507[%swap3A_508], %gather3A_268 {strides = array<i32>} : memref<32768xf32, #tpu.memory_space<vmem>>, vector<16xf32>,
          %add3A_510 = arith.constant 16384 : i32
          %add3A_511 = arith.addi %add3A_195, %add3A_510 : i32
          %add3A_512 = arith.constant 768 : i32
          %add3A_513 = arith.addi %add3A_511, %add3A_512 : i32
          %swap3A_514 = arith.constant 0 : i32
          %swap3A_515 = tpu.memref_slice %arg6[%scan3A_158, %swap3A_514] : memref<2x32768xf32, #tpu.memory_space<vmem>> -> memref<1x32768xf32, #tpu.memory_space<vmem>>
          %swap3A_516 = tpu.memref_squeeze %swap3A_515 : memref<1x32768xf32, #tpu.memory_space<vmem>> -> memref<32768xf32, #tpu.memory_space<vmem>>
          %swap3A_517 = arith.index_cast %add3A_513 : i32 to index
          %swap3A_518 = tpu.vector_load %swap3A_516[%swap3A_517] {strides = array<i32>} : memref<32768xf32, #tpu.memory_space<vmem>>, vector<16xf32>,
          tpu.vector_store %swap3A_516[%swap3A_517], %gather3A_273 {strides = array<i32>} : memref<32768xf32, #tpu.memory_space<vmem>>, vector<16xf32>,
          %add3A_519 = arith.constant 16384 : i32
          %add3A_520 = arith.addi %add3A_195, %add3A_519 : i32
          %add3A_521 = arith.constant 896 : i32
          %add3A_522 = arith.addi %add3A_520, %add3A_521 : i32
          %swap3A_523 = arith.constant 0 : i32
          %swap3A_524 = tpu.memref_slice %arg6[%scan3A_158, %swap3A_523] : memref<2x32768xf32, #tpu.memory_space<vmem>> -> memref<1x32768xf32, #tpu.memory_space<vmem>>
          %swap3A_525 = tpu.memref_squeeze %swap3A_524 : memref<1x32768xf32, #tpu.memory_space<vmem>> -> memref<32768xf32, #tpu.memory_space<vmem>>
          %swap3A_526 = arith.index_cast %add3A_522 : i32 to index
          %swap3A_527 = tpu.vector_load %swap3A_525[%swap3A_526] {strides = array<i32>} : memref<32768xf32, #tpu.memory_space<vmem>>, vector<16xf32>,
          tpu.vector_store %swap3A_525[%swap3A_526], %gather3A_278 {strides = array<i32>} : memref<32768xf32, #tpu.memory_space<vmem>>, vector<16xf32>,
          %add3A_528 = arith.constant 0 : i32
          %add3A_529 = arith.addi %add3A_299, %add3A_528 : i32
          %add3A_530 = arith.constant 0 : i32
          %add3A_531 = arith.addi %add3A_529, %add3A_530 : i32
          %swap3A_532 = arith.constant 0 : i32
          %swap3A_533 = tpu.memref_slice %arg6[%scan3A_158, %swap3A_532] : memref<2x32768xf32, #tpu.memory_space<vmem>> -> memref<1x32768xf32, #tpu.memory_space<vmem>>
          %swap3A_534 = tpu.memref_squeeze %swap3A_533 : memref<1x32768xf32, #tpu.memory_space<vmem>> -> memref<32768xf32, #tpu.memory_space<vmem>>
          %swap3A_535 = arith.index_cast %add3A_531 : i32 to index
          %swap3A_536 = tpu.vector_load %swap3A_534[%swap3A_535] {strides = array<i32>} : memref<32768xf32, #tpu.memory_space<vmem>>, vector<16xf32>,
          tpu.vector_store %swap3A_534[%swap3A_535], %gather3A_309 {strides = array<i32>} : memref<32768xf32, #tpu.memory_space<vmem>>, vector<16xf32>,
          %add3A_537 = arith.constant 0 : i32
          %add3A_538 = arith.addi %add3A_299, %add3A_537 : i32
          %add3A_539 = arith.constant 128 : i32
          %add3A_540 = arith.addi %add3A_538, %add3A_539 : i32
          %swap3A_541 = arith.constant 0 : i32
          %swap3A_542 = tpu.memref_slice %arg6[%scan3A_158, %swap3A_541] : memref<2x32768xf32, #tpu.memory_space<vmem>> -> memref<1x32768xf32, #tpu.memory_space<vmem>>
          %swap3A_543 = tpu.memref_squeeze %swap3A_542 : memref<1x32768xf32, #tpu.memory_space<vmem>> -> memref<32768xf32, #tpu.memory_space<vmem>>
          %swap3A_544 = arith.index_cast %add3A_540 : i32 to index
          %swap3A_545 = tpu.vector_load %swap3A_543[%swap3A_544] {strides = array<i32>} : memref<32768xf32, #tpu.memory_space<vmem>>, vector<16xf32>,
          tpu.vector_store %swap3A_543[%swap3A_544], %gather3A_314 {strides = array<i32>} : memref<32768xf32, #tpu.memory_space<vmem>>, vector<16xf32>,
          %add3A_546 = arith.constant 0 : i32
          %add3A_547 = arith.addi %add3A_299, %add3A_546 : i32
          %add3A_548 = arith.constant 256 : i32
          %add3A_549 = arith.addi %add3A_547, %add3A_548 : i32
          %swap3A_550 = arith.constant 0 : i32
          %swap3A_551 = tpu.memref_slice %arg6[%scan3A_158, %swap3A_550] : memref<2x32768xf32, #tpu.memory_space<vmem>> -> memref<1x32768xf32, #tpu.memory_space<vmem>>
          %swap3A_552 = tpu.memref_squeeze %swap3A_551 : memref<1x32768xf32, #tpu.memory_space<vmem>> -> memref<32768xf32, #tpu.memory_space<vmem>>
          %swap3A_553 = arith.index_cast %add3A_549 : i32 to index
          %swap3A_554 = tpu.vector_load %swap3A_552[%swap3A_553] {strides = array<i32>} : memref<32768xf32, #tpu.memory_space<vmem>>, vector<16xf32>,
          tpu.vector_store %swap3A_552[%swap3A_553], %gather3A_319 {strides = array<i32>} : memref<32768xf32, #tpu.memory_space<vmem>>, vector<16xf32>,
          %add3A_555 = arith.constant 0 : i32
          %add3A_556 = arith.addi %add3A_299, %add3A_555 : i32
          %add3A_557 = arith.constant 384 : i32
          %add3A_558 = arith.addi %add3A_556, %add3A_557 : i32
          %swap3A_559 = arith.constant 0 : i32
          %swap3A_560 = tpu.memref_slice %arg6[%scan3A_158, %swap3A_559] : memref<2x32768xf32, #tpu.memory_space<vmem>> -> memref<1x32768xf32, #tpu.memory_space<vmem>>
          %swap3A_561 = tpu.memref_squeeze %swap3A_560 : memref<1x32768xf32, #tpu.memory_space<vmem>> -> memref<32768xf32, #tpu.memory_space<vmem>>
          %swap3A_562 = arith.index_cast %add3A_558 : i32 to index
          %swap3A_563 = tpu.vector_load %swap3A_561[%swap3A_562] {strides = array<i32>} : memref<32768xf32, #tpu.memory_space<vmem>>, vector<16xf32>,
          tpu.vector_store %swap3A_561[%swap3A_562], %gather3A_324 {strides = array<i32>} : memref<32768xf32, #tpu.memory_space<vmem>>, vector<16xf32>,
          %add3A_564 = arith.constant 0 : i32
          %add3A_565 = arith.addi %add3A_299, %add3A_564 : i32
          %add3A_566 = arith.constant 512 : i32
          %add3A_567 = arith.addi %add3A_565, %add3A_566 : i32
          %swap3A_568 = arith.constant 0 : i32
          %swap3A_569 = tpu.memref_slice %arg6[%scan3A_158, %swap3A_568] : memref<2x32768xf32, #tpu.memory_space<vmem>> -> memref<1x32768xf32, #tpu.memory_space<vmem>>
          %swap3A_570 = tpu.memref_squeeze %swap3A_569 : memref<1x32768xf32, #tpu.memory_space<vmem>> -> memref<32768xf32, #tpu.memory_space<vmem>>
          %swap3A_571 = arith.index_cast %add3A_567 : i32 to index
          %swap3A_572 = tpu.vector_load %swap3A_570[%swap3A_571] {strides = array<i32>} : memref<32768xf32, #tpu.memory_space<vmem>>, vector<16xf32>,
          tpu.vector_store %swap3A_570[%swap3A_571], %gather3A_329 {strides = array<i32>} : memref<32768xf32, #tpu.memory_space<vmem>>, vector<16xf32>,
          %add3A_573 = arith.constant 0 : i32
          %add3A_574 = arith.addi %add3A_299, %add3A_573 : i32
          %add3A_575 = arith.constant 640 : i32
          %add3A_576 = arith.addi %add3A_574, %add3A_575 : i32
          %swap3A_577 = arith.constant 0 : i32
          %swap3A_578 = tpu.memref_slice %arg6[%scan3A_158, %swap3A_577] : memref<2x32768xf32, #tpu.memory_space<vmem>> -> memref<1x32768xf32, #tpu.memory_space<vmem>>
          %swap3A_579 = tpu.memref_squeeze %swap3A_578 : memref<1x32768xf32, #tpu.memory_space<vmem>> -> memref<32768xf32, #tpu.memory_space<vmem>>
          %swap3A_580 = arith.index_cast %add3A_576 : i32 to index
          %swap3A_581 = tpu.vector_load %swap3A_579[%swap3A_580] {strides = array<i32>} : memref<32768xf32, #tpu.memory_space<vmem>>, vector<16xf32>,
          tpu.vector_store %swap3A_579[%swap3A_580], %gather3A_334 {strides = array<i32>} : memref<32768xf32, #tpu.memory_space<vmem>>, vector<16xf32>,
          %add3A_582 = arith.constant 0 : i32
          %add3A_583 = arith.addi %add3A_299, %add3A_582 : i32
          %add3A_584 = arith.constant 768 : i32
          %add3A_585 = arith.addi %add3A_583, %add3A_584 : i32
          %swap3A_586 = arith.constant 0 : i32
          %swap3A_587 = tpu.memref_slice %arg6[%scan3A_158, %swap3A_586] : memref<2x32768xf32, #tpu.memory_space<vmem>> -> memref<1x32768xf32, #tpu.memory_space<vmem>>
          %swap3A_588 = tpu.memref_squeeze %swap3A_587 : memref<1x32768xf32, #tpu.memory_space<vmem>> -> memref<32768xf32, #tpu.memory_space<vmem>>
          %swap3A_589 = arith.index_cast %add3A_585 : i32 to index
          %swap3A_590 = tpu.vector_load %swap3A_588[%swap3A_589] {strides = array<i32>} : memref<32768xf32, #tpu.memory_space<vmem>>, vector<16xf32>,
          tpu.vector_store %swap3A_588[%swap3A_589], %gather3A_339 {strides = array<i32>} : memref<32768xf32, #tpu.memory_space<vmem>>, vector<16xf32>,
          %add3A_591 = arith.constant 0 : i32
          %add3A_592 = arith.addi %add3A_299, %add3A_591 : i32
          %add3A_593 = arith.constant 896 : i32
          %add3A_594 = arith.addi %add3A_592, %add3A_593 : i32
          %swap3A_595 = arith.constant 0 : i32
          %swap3A_596 = tpu.memref_slice %arg6[%scan3A_158, %swap3A_595] : memref<2x32768xf32, #tpu.memory_space<vmem>> -> memref<1x32768xf32, #tpu.memory_space<vmem>>
          %swap3A_597 = tpu.memref_squeeze %swap3A_596 : memref<1x32768xf32, #tpu.memory_space<vmem>> -> memref<32768xf32, #tpu.memory_space<vmem>>
          %swap3A_598 = arith.index_cast %add3A_594 : i32 to index
          %swap3A_599 = tpu.vector_load %swap3A_597[%swap3A_598] {strides = array<i32>} : memref<32768xf32, #tpu.memory_space<vmem>>, vector<16xf32>,
          tpu.vector_store %swap3A_597[%swap3A_598], %gather3A_344 {strides = array<i32>} : memref<32768xf32, #tpu.memory_space<vmem>>, vector<16xf32>,
          %add3A_600 = arith.constant 16384 : i32
          %add3A_601 = arith.addi %add3A_299, %add3A_600 : i32
          %add3A_602 = arith.constant 0 : i32
          %add3A_603 = arith.addi %add3A_601, %add3A_602 : i32
          %swap3A_604 = arith.constant 0 : i32
          %swap3A_605 = tpu.memref_slice %arg6[%scan3A_158, %swap3A_604] : memref<2x32768xf32, #tpu.memory_space<vmem>> -> memref<1x32768xf32, #tpu.memory_space<vmem>>
          %swap3A_606 = tpu.memref_squeeze %swap3A_605 : memref<1x32768xf32, #tpu.memory_space<vmem>> -> memref<32768xf32, #tpu.memory_space<vmem>>
          %swap3A_607 = arith.index_cast %add3A_603 : i32 to index
          %swap3A_608 = tpu.vector_load %swap3A_606[%swap3A_607] {strides = array<i32>} : memref<32768xf32, #tpu.memory_space<vmem>>, vector<16xf32>,
          tpu.vector_store %swap3A_606[%swap3A_607], %gather3A_349 {strides = array<i32>} : memref<32768xf32, #tpu.memory_space<vmem>>, vector<16xf32>,
          %add3A_609 = arith.constant 16384 : i32
          %add3A_610 = arith.addi %add3A_299, %add3A_609 : i32
          %add3A_611 = arith.constant 128 : i32
          %add3A_612 = arith.addi %add3A_610, %add3A_611 : i32
          %swap3A_613 = arith.constant 0 : i32
          %swap3A_614 = tpu.memref_slice %arg6[%scan3A_158, %swap3A_613] : memref<2x32768xf32, #tpu.memory_space<vmem>> -> memref<1x32768xf32, #tpu.memory_space<vmem>>
          %swap3A_615 = tpu.memref_squeeze %swap3A_614 : memref<1x32768xf32, #tpu.memory_space<vmem>> -> memref<32768xf32, #tpu.memory_space<vmem>>
          %swap3A_616 = arith.index_cast %add3A_612 : i32 to index
          %swap3A_617 = tpu.vector_load %swap3A_615[%swap3A_616] {strides = array<i32>} : memref<32768xf32, #tpu.memory_space<vmem>>, vector<16xf32>,
          tpu.vector_store %swap3A_615[%swap3A_616], %gather3A_354 {strides = array<i32>} : memref<32768xf32, #tpu.memory_space<vmem>>, vector<16xf32>,
          %add3A_618 = arith.constant 16384 : i32
          %add3A_619 = arith.addi %add3A_299, %add3A_618 : i32
          %add3A_620 = arith.constant 256 : i32
          %add3A_621 = arith.addi %add3A_619, %add3A_620 : i32
          %swap3A_622 = arith.constant 0 : i32
          %swap3A_623 = tpu.memref_slice %arg6[%scan3A_158, %swap3A_622] : memref<2x32768xf32, #tpu.memory_space<vmem>> -> memref<1x32768xf32, #tpu.memory_space<vmem>>
          %swap3A_624 = tpu.memref_squeeze %swap3A_623 : memref<1x32768xf32, #tpu.memory_space<vmem>> -> memref<32768xf32, #tpu.memory_space<vmem>>
          %swap3A_625 = arith.index_cast %add3A_621 : i32 to index
          %swap3A_626 = tpu.vector_load %swap3A_624[%swap3A_625] {strides = array<i32>} : memref<32768xf32, #tpu.memory_space<vmem>>, vector<16xf32>,
          tpu.vector_store %swap3A_624[%swap3A_625], %gather3A_359 {strides = array<i32>} : memref<32768xf32, #tpu.memory_space<vmem>>, vector<16xf32>,
          %add3A_627 = arith.constant 16384 : i32
          %add3A_628 = arith.addi %add3A_299, %add3A_627 : i32
          %add3A_629 = arith.constant 384 : i32
          %add3A_630 = arith.addi %add3A_628, %add3A_629 : i32
          %swap3A_631 = arith.constant 0 : i32
          %swap3A_632 = tpu.memref_slice %arg6[%scan3A_158, %swap3A_631] : memref<2x32768xf32, #tpu.memory_space<vmem>> -> memref<1x32768xf32, #tpu.memory_space<vmem>>
          %swap3A_633 = tpu.memref_squeeze %swap3A_632 : memref<1x32768xf32, #tpu.memory_space<vmem>> -> memref<32768xf32, #tpu.memory_space<vmem>>
          %swap3A_634 = arith.index_cast %add3A_630 : i32 to index
          %swap3A_635 = tpu.vector_load %swap3A_633[%swap3A_634] {strides = array<i32>} : memref<32768xf32, #tpu.memory_space<vmem>>, vector<16xf32>,
          tpu.vector_store %swap3A_633[%swap3A_634], %gather3A_364 {strides = array<i32>} : memref<32768xf32, #tpu.memory_space<vmem>>, vector<16xf32>,
          %add3A_636 = arith.constant 16384 : i32
          %add3A_637 = arith.addi %add3A_299, %add3A_636 : i32
          %add3A_638 = arith.constant 512 : i32
          %add3A_639 = arith.addi %add3A_637, %add3A_638 : i32
          %swap3A_640 = arith.constant 0 : i32
          %swap3A_641 = tpu.memref_slice %arg6[%scan3A_158, %swap3A_640] : memref<2x32768xf32, #tpu.memory_space<vmem>> -> memref<1x32768xf32, #tpu.memory_space<vmem>>
          %swap3A_642 = tpu.memref_squeeze %swap3A_641 : memref<1x32768xf32, #tpu.memory_space<vmem>> -> memref<32768xf32, #tpu.memory_space<vmem>>
          %swap3A_643 = arith.index_cast %add3A_639 : i32 to index
          %swap3A_644 = tpu.vector_load %swap3A_642[%swap3A_643] {strides = array<i32>} : memref<32768xf32, #tpu.memory_space<vmem>>, vector<16xf32>,
          tpu.vector_store %swap3A_642[%swap3A_643], %gather3A_369 {strides = array<i32>} : memref<32768xf32, #tpu.memory_space<vmem>>, vector<16xf32>,
          %add3A_645 = arith.constant 16384 : i32
          %add3A_646 = arith.addi %add3A_299, %add3A_645 : i32
          %add3A_647 = arith.constant 640 : i32
          %add3A_648 = arith.addi %add3A_646, %add3A_647 : i32
          %swap3A_649 = arith.constant 0 : i32
          %swap3A_650 = tpu.memref_slice %arg6[%scan3A_158, %swap3A_649] : memref<2x32768xf32, #tpu.memory_space<vmem>> -> memref<1x32768xf32, #tpu.memory_space<vmem>>
          %swap3A_651 = tpu.memref_squeeze %swap3A_650 : memref<1x32768xf32, #tpu.memory_space<vmem>> -> memref<32768xf32, #tpu.memory_space<vmem>>
          %swap3A_652 = arith.index_cast %add3A_648 : i32 to index
          %swap3A_653 = tpu.vector_load %swap3A_651[%swap3A_652] {strides = array<i32>} : memref<32768xf32, #tpu.memory_space<vmem>>, vector<16xf32>,
          tpu.vector_store %swap3A_651[%swap3A_652], %gather3A_374 {strides = array<i32>} : memref<32768xf32, #tpu.memory_space<vmem>>, vector<16xf32>,
          %add3A_654 = arith.constant 16384 : i32
          %add3A_655 = arith.addi %add3A_299, %add3A_654 : i32
          %add3A_656 = arith.constant 768 : i32
          %add3A_657 = arith.addi %add3A_655, %add3A_656 : i32
          %swap3A_658 = arith.constant 0 : i32
          %swap3A_659 = tpu.memref_slice %arg6[%scan3A_158, %swap3A_658] : memref<2x32768xf32, #tpu.memory_space<vmem>> -> memref<1x32768xf32, #tpu.memory_space<vmem>>
          %swap3A_660 = tpu.memref_squeeze %swap3A_659 : memref<1x32768xf32, #tpu.memory_space<vmem>> -> memref<32768xf32, #tpu.memory_space<vmem>>
          %swap3A_661 = arith.index_cast %add3A_657 : i32 to index
          %swap3A_662 = tpu.vector_load %swap3A_660[%swap3A_661] {strides = array<i32>} : memref<32768xf32, #tpu.memory_space<vmem>>, vector<16xf32>,
          tpu.vector_store %swap3A_660[%swap3A_661], %gather3A_379 {strides = array<i32>} : memref<32768xf32, #tpu.memory_space<vmem>>, vector<16xf32>,
          %add3A_663 = arith.constant 16384 : i32
          %add3A_664 = arith.addi %add3A_299, %add3A_663 : i32
          %add3A_665 = arith.constant 896 : i32
          %add3A_666 = arith.addi %add3A_664, %add3A_665 : i32
          %swap3A_667 = arith.constant 0 : i32
          %swap3A_668 = tpu.memref_slice %arg6[%scan3A_158, %swap3A_667] : memref<2x32768xf32, #tpu.memory_space<vmem>> -> memref<1x32768xf32, #tpu.memory_space<vmem>>
          %swap3A_669 = tpu.memref_squeeze %swap3A_668 : memref<1x32768xf32, #tpu.memory_space<vmem>> -> memref<32768xf32, #tpu.memory_space<vmem>>
          %swap3A_670 = arith.index_cast %add3A_666 : i32 to index
          %swap3A_671 = tpu.vector_load %swap3A_669[%swap3A_670] {strides = array<i32>} : memref<32768xf32, #tpu.memory_space<vmem>>, vector<16xf32>,
          tpu.vector_store %swap3A_669[%swap3A_670], %gather3A_384 {strides = array<i32>} : memref<32768xf32, #tpu.memory_space<vmem>>, vector<16xf32>,
        }
        %scan3A_163 = arith.constant 64 : i32
        %mul3A_164 = arith.constant 32768 : i32
        %mul3A_165 = arith.muli %add3A_147, %mul3A_164 : i32
        %multiple_of3A_166 = tpu.assume_multiple %mul3A_165, 32768 : i32
        %dma_start3A_167 = arith.constant 1 : i32
        %dma_start3A_168 = arith.constant 0 : i32
        %dma_start3A_169 = tpu.memref_slice %arg6[%dma_start3A_167, %dma_start3A_168] : memref<2x32768xf32, #tpu.memory_space<vmem>> -> memref<1x32768xf32, #tpu.memory_space<vmem>>
        %dma_start3A_170 = tpu.memref_squeeze %dma_start3A_169 : memref<1x32768xf32, #tpu.memory_space<vmem>> -> memref<32768xf32, #tpu.memory_space<vmem>>
        %dma_start3A_171 = tpu.memref_slice %arg4[%multiple_of3A_166] : memref<67108864xf32, #tpu.memory_space<hbm>> -> memref<32768xf32, #tpu.memory_space<hbm>>
        %dma_start3A_172 = tpu.memref_slice %arg4[%multiple_of3A_166] : memref<67108864xf32, #tpu.memory_space<hbm>> -> memref<32768xf32, #tpu.memory_space<hbm>>
        %dma_start3A_173 = arith.constant 0 : i32
        %dma_start3A_174 = tpu.memref_slice %arg6[%dma_start3A_167, %dma_start3A_173] : memref<2x32768xf32, #tpu.memory_space<vmem>> -> memref<1x32768xf32, #tpu.memory_space<vmem>>
        %dma_start3A_175 = tpu.memref_squeeze %dma_start3A_174 : memref<1x32768xf32, #tpu.memory_space<vmem>> -> memref<32768xf32, #tpu.memory_space<vmem>>
        tpu.enqueue_dma source(%dma_start3A_175 : memref<32768xf32, #tpu.memory_space<vmem>>) target(%dma_start3A_172 : memref<32768xf32, #tpu.memory_space<hbm>>) target_semaphore(%arg11 : memref<!tpu.dma_semaphore, #tpu.memory_space<semaphore_mem>>)
      }
      %scan3A_105 = arith.constant 4 : i32
    }
    %scan3A_17 = arith.constant 4 : i32
    %add3A_18 = arith.constant 8 : i32
    %add3A_19 = arith.addi %mul3A_2, %add3A_18 : i32
    %mul3A_20 = arith.constant 8 : i32
    %mul3A_21 = arith.muli %add3A_19, %mul3A_20 : i32
    %sub3A = arith.constant 2 : i32
    %sub3A_22 = arith.subi %mul3A_21, %sub3A : i32
    %mul3A_23 = arith.constant 32768 : i32
    %mul3A_24 = arith.muli %sub3A_22, %mul3A_23 : i32
    %multiple_of3A_25 = tpu.assume_multiple %mul3A_24, 32768 : i32
    %dma_wait3A = arith.constant 0 : i32
    %dma_wait3A_26 = arith.constant 0 : i32
    %dma_wait3A_27 = tpu.memref_slice %arg6[%dma_wait3A, %dma_wait3A_26] : memref<2x32768xf32, #tpu.memory_space<vmem>> -> memref<1x32768xf32, #tpu.memory_space<vmem>>
    %dma_wait3A_28 = tpu.memref_squeeze %dma_wait3A_27 : memref<1x32768xf32, #tpu.memory_space<vmem>> -> memref<32768xf32, #tpu.memory_space<vmem>>
    %dma_wait3A_29 = tpu.memref_slice %arg4[%multiple_of3A_25] : memref<67108864xf32, #tpu.memory_space<hbm>> -> memref<32768xf32, #tpu.memory_space<hbm>>
    %dma_wait3A_30 = tpu.memref_slice %arg4[%multiple_of3A_25] : memref<67108864xf32, #tpu.memory_space<hbm>> -> memref<32768xf32, #tpu.memory_space<hbm>>
    %dma_wait3A_31 = arith.constant 0 : i32
    %dma_wait3A_32 = tpu.memref_slice %arg6[%dma_wait3A, %dma_wait3A_31] : memref<2x32768xf32, #tpu.memory_space<vmem>> -> memref<1x32768xf32, #tpu.memory_space<vmem>>
    %dma_wait3A_33 = tpu.memref_squeeze %dma_wait3A_32 : memref<1x32768xf32, #tpu.memory_space<vmem>> -> memref<32768xf32, #tpu.memory_space<vmem>>
    tpu.wait_dma2 semaphore(%arg10 : memref<!tpu.dma_semaphore, #tpu.memory_space<semaphore_mem>>) src(%dma_wait3A_33 : memref<32768xf32, #tpu.memory_space<vmem>>) dst(%dma_wait3A_30 : memref<32768xf32, #tpu.memory_space<hbm>>)
    %sub3A_34 = arith.constant 1 : i32
    %sub3A_35 = arith.subi %mul3A_21, %sub3A_34 : i32
    %mul3A_36 = arith.constant 32768 : i32
    %mul3A_37 = arith.muli %sub3A_35, %mul3A_36 : i32
    %multiple_of3A_38 = tpu.assume_multiple %mul3A_37, 32768 : i32
    %dma_wait3A_39 = arith.constant 1 : i32
    %dma_wait3A_40 = arith.constant 0 : i32
    %dma_wait3A_41 = tpu.memref_slice %arg6[%dma_wait3A_39, %dma_wait3A_40] : memref<2x32768xf32, #tpu.memory_space<vmem>> -> memref<1x32768xf32, #tpu.memory_space<vmem>>
    %dma_wait3A_42 = tpu.memref_squeeze %dma_wait3A_41 : memref<1x32768xf32, #tpu.memory_space<vmem>> -> memref<32768xf32, #tpu.memory_space<vmem>>
    %dma_wait3A_43 = tpu.memref_slice %arg4[%multiple_of3A_38] : memref<67108864xf32, #tpu.memory_space<hbm>> -> memref<32768xf32, #tpu.memory_space<hbm>>
    %dma_wait3A_44 = tpu.memref_slice %arg4[%multiple_of3A_38] : memref<67108864xf32, #tpu.memory_space<hbm>> -> memref<32768xf32, #tpu.memory_space<hbm>>
    %dma_wait3A_45 = arith.constant 0 : i32
    %dma_wait3A_46 = tpu.memref_slice %arg6[%dma_wait3A_39, %dma_wait3A_45] : memref<2x32768xf32, #tpu.memory_space<vmem>> -> memref<1x32768xf32, #tpu.memory_space<vmem>>
    %dma_wait3A_47 = tpu.memref_squeeze %dma_wait3A_46 : memref<1x32768xf32, #tpu.memory_space<vmem>> -> memref<32768xf32, #tpu.memory_space<vmem>>
    tpu.wait_dma2 semaphore(%arg11 : memref<!tpu.dma_semaphore, #tpu.memory_space<semaphore_mem>>) src(%dma_wait3A_47 : memref<32768xf32, #tpu.memory_space<vmem>>) dst(%dma_wait3A_44 : memref<32768xf32, #tpu.memory_space<hbm>>)
    return
  }
}

</mosaic_0001>

<sc_bundles>
// kernel: kernel.3.cloned.1.call-start
scs
__scs_entry_jumppad:
0x0: {  	(pc) =	sbr.rel $0x88, $3  }
0x1: {  	(tag) =	ssettag $0x0;
	lr =	simm.s32 $0x1  }
0x2: {  	[smem:$0x3F9F] =	sst lr;
	_ =	strace $0xD0000000  }
0x3: {  	_ = 	snop  }
0x4: {  	_ = 	snop  }
0x5: {  	_ = 	snop  }
0x6: {  	_ = 	snop  }
0x7: {  	_ = 	snop  }
__scs_overlays_trampoline_lowered:
0x8: {  	[smem:$0x3FAE] =	sst s0  }
0x9: {  	[smem:$0x3FAF] =	sst s1  }
0xa: {  	[smem:$0x3FB0] =	sst s2  }
0xb: {  	[smem:$0x3FB1] =	sst s3  }
0xc: {  	[smem:$0x3FB2] =	sst s4  }
0xd: {  	[smem:$0x3FB3] =	sst s5  }
0xe: {  	[smem:$0x3FB4] =	sst s6  }
0xf: {  	[smem:$0x3FB5] =	sst s7  }
0x10: {  	[smem:$0x3FB6] =	sst s8  }
0x11: {  	[smem:$0x3FB7] =	sst s9;
	s0 =	simm.s32 @!p0 $0x0  }
0x12: {  	s1 =	sld [smem:$0x3F9D];
	s0 =	simm.s32 @p0 $0x1  }
0x13: {  	[smem:$0x3FB8] =	sst s0;
	s0 =	simm.s32 @!p1 $0x0  }
0x14: {  	s2 =	sld [smem:$0x3F9C];
	s0 =	simm.s32 @p1 $0x1  }
0x15: {  	[smem:$0x3FB9] =	sst s0;
	s0 =	simm.s32 @!p2 $0x0  }
0x16: {  	s3 =	sld [smem:$0x3FDB];
	s0 =	simm.s32 @p2 $0x1  }
0x17: {  	s4 =	simm.s32 $0x1BF5;
	[smem:$0x3FBB] =	sst s0  }
0x18: {  	s0 =	sld [smem:$0x3F9E];
	_ =	swait.ge [sflag:s4], $0x0  }
0x19: {  	s7 =	sld [smem:$0x3F9F]  }
0x1a: {  	s8 =	sadd.s32 $0xFFFFE003, lr  }
0x1b: {  	s9 =	sadd.s32 $0xFFFFFEF7, lr;
	s5 =	simm.s32 $0xFFFFFFFF;
	p2 =	slt.u32 s8, $0xFFFFF086  }
0x1c: {  	p1 =	slt.u32 s9, $0xF7A;
	s5 =	simm.s32 @!p2 $0x0  }
0x1d: {  	s5 =	simm.s32 @p1 $0x1;
	p0 =	seq.s32 s7, s2  }
0x1e: {  	s7 =	smul.u32 @!p0 $0xF7A, s2;
	p2 =	seq.s32 @!p0 s5, $0x0  }
0x1f: {  	s9 =	smul.u32 $0xF7A, s1;
	s8 =	simm.s32 @!p0 $0x1BF5;
	p2 =	por !p2, p0  }
0x20: {  	[sflag:s8] =	ssyncset.s32 @!p0 $0xFFFFF086;
	s6 =	sadd.s32 @!p0 s3, s7;
	s7 =	simm.s32 @!p0 $0x108  }
0x21: {  	s3 =	sadd.s32 s3, s9;
	s6 =	sadd.s32 @!p0 $0x88, s6;
	s7 =	simm.s32 @p2 $0x1082  }
0x22: {  	[simem:s7], [sflag:s8] =	dma.local @!p0 [hbm:s6], $0xF7A  }
0x23: {  	s9 =	sor.u32 $0xD0000000, s2;
	s6 =	simm.s32 $0x108;
	_ =	swait.ge @!p0 [sflag:s8], $0x0  }
0x24: {  	s3 =	sadd.s32 $0x88, s3;
	s6 =	simm.s32 @!p1 $0x1082;
	[sflag:s4] =	ssyncset.s32 $0xFFFFF086  }
0x25: {  	[simem:s6], [sflag:s4] =	dma.local [hbm:s3], $0xF7A  }
0x26: {  	[smem:$0x3F9F] =	sst s1;
	(tag) =	ssettag s2;
	_ =	strace s9  }
0x27: {  	s1 =	sld [smem:$0x3FAF]  }
0x28: {  	s2 =	sld [smem:$0x3FB0]  }
0x29: {  	s4 =	sld [smem:$0x3FB2]  }
0x2a: {  	p0 =	seq.s32 s5, $0x0;
	s5 =	sld [smem:$0x3FB3]  }
0x2b: {  	s6 =	sld [smem:$0x3FB4]  }
0x2c: {  	s7 =	sld [smem:$0x3FB5]  }
0x2d: {  	s3 =	simm.s32 $0x108;
	s8 =	sld [smem:$0x3FB6]  }
0x2e: {  	s3 =	simm.s32 @!p0 $0x1082;
	s9 =	sld [smem:$0x3FB7]  }
0x2f: {  	lr =	sadd.s32 s0, s3;
	s0 =	sld [smem:$0x3FAE]  }
0x30: {  	s3 =	sld [smem:$0x3FB1]  }
0x31: {  	[smem:$0x3FBA] =	sst s10  }
0x32: {  	s10 =	sld [smem:$0x3FB8];
	_ =	sdelay $0x3  }
0x33: {  	p0 =	seq.s32 s10, $0x1;
	s10 =	sld [smem:$0x3FBA];
	_ =	sdelay $0x3  }
0x34: {  	[smem:$0x3FBA] =	sst s10  }
0x35: {  	s10 =	sld [smem:$0x3FB9];
	_ =	sdelay $0x3  }
0x36: {  	p1 =	seq.s32 s10, $0x1;
	s10 =	sld [smem:$0x3FBA];
	_ =	sdelay $0x3  }
0x37: {  	[smem:$0x3FBA] =	sst s10  }
0x38: {  	s10 =	sld [smem:$0x3FBB]  }
0x39: {  	_ = 	snop;
	(pc) =	sbr.ind lr, $3  }
0x3a: {  	_ = 	snop  }
0x3b: {  	_ = 	snop  }
0x3c: {  	p2 =	seq.s32 s10, $0x1;
	s10 =	sld [smem:$0x3FBA]  }
0x3d: {  	_ =	shalt  }
0x3e: {  	_ =	shalt  }
0x3f: {  	_ =	shalt  }
0x40: {  	_ =	shalt  }
0x41: {  	_ =	shalt  }
0x42: {  	_ =	shalt  }
0x43: {  	_ =	shalt  }
0x44: {  	_ =	shalt  }
0x45: {  	_ =	shalt  }
0x46: {  	_ =	shalt  }
0x47: {  	_ =	shalt  }
0x48: {  	_ =	shalt  }
0x49: {  	_ =	shalt  }
0x4a: {  	_ =	shalt  }
0x4b: {  	_ =	shalt  }
0x4c: {  	_ =	shalt  }
0x4d: {  	_ =	shalt  }
0x4e: {  	_ =	shalt  }
0x4f: {  	_ =	shalt  }
0x50: {  	_ =	shalt  }
0x51: {  	_ =	shalt  }
0x52: {  	_ =	shalt  }
0x53: {  	_ =	shalt  }
0x54: {  	_ =	shalt  }
0x55: {  	_ =	shalt  }
0x56: {  	_ =	shalt  }
0x57: {  	_ =	shalt  }
0x58: {  	_ =	shalt  }
0x59: {  	_ =	shalt  }
0x5a: {  	_ =	shalt  }
0x5b: {  	_ =	shalt  }
0x5c: {  	_ =	shalt  }
0x5d: {  	_ =	shalt  }
0x5e: {  	_ =	shalt  }
0x5f: {  	_ =	shalt  }
0x60: {  	_ =	shalt  }
0x61: {  	_ =	shalt  }
0x62: {  	_ =	shalt  }
0x63: {  	_ =	shalt  }
0x64: {  	_ =	shalt  }
0x65: {  	_ =	shalt  }
0x66: {  	_ =	shalt  }
0x67: {  	_ =	shalt  }
0x68: {  	_ =	shalt  }
0x69: {  	_ =	shalt  }
0x6a: {  	_ =	shalt  }
0x6b: {  	_ =	shalt  }
0x6c: {  	_ =	shalt  }
0x6d: {  	_ =	shalt  }
0x6e: {  	_ =	shalt  }
0x6f: {  	_ =	shalt  }
0x70: {  	_ =	shalt  }
0x71: {  	_ =	shalt  }
0x72: {  	_ =	shalt  }
0x73: {  	_ =	shalt  }
0x74: {  	_ =	shalt  }
0x75: {  	_ =	shalt  }
0x76: {  	_ =	shalt  }
0x77: {  	_ =	shalt  }
0x78: {  	_ =	shalt  }
0x79: {  	_ =	shalt  }
0x7a: {  	_ =	shalt  }
0x7b: {  	_ =	shalt  }
0x7c: {  	_ =	shalt  }
0x7d: {  	_ =	shalt  }
0x7e: {  	_ =	shalt  }
0x7f: {  	_ =	shalt  }
0x80: {  	_ =	shalt  }
0x81: {  	_ =	shalt  }
0x82: {  	_ =	shalt  }
0x83: {  	_ =	shalt  }
0x84: {  	_ =	shalt  }
0x85: {  	_ =	shalt  }
0x86: {  	_ =	shalt  }
0x87: {  	_ =	shalt  }
.Lfunc_end0:
.L_simem_size_0:
called_computation_lowered:
.L_overlay_start_0:
0x88: {  	s2 =	sld [smem:$0x3FD9]  }
0x89: {  	s3 =	sld [smem:$0x3FFE];
	_ =	sdelay $0x1  }
0x8a: {  	s1 =	srdreg.scid  }
0x8b: {  	s0 =	sand.u32 $0x1, s1  }
0x8c: {  	s17 =	sshll.u32 s0, $0xA;
	s2 =	sadd.s32 s3, s2  }
0x8d: {  	s2 =	sadd.s32 s2, s17  }
0x8e: {  	[smem:$0x3FC6] =	sst s2  }
0x8f: {  	_ = 	snop  }
0x90: {  	s2 =	sld [smem:$0x3FC9]  }
0x91: {  	s18 =	sld [smem:$0x3FD0];
	(tm) =	ssettm $0x1  }
0x92: {  	s4 =	sld [smem:$0x3FFB];
	_ =	sdelay $0x3  }
0x93: {  	_ =	strace s4  }
0x94: {  	s4 =	sld [smem:$0x3FFC];
	_ =	sdelay $0x3  }
0x95: {  	_ =	strace s4  }
0x96: {  	s4 =	sld [smem:$0x3FFD];
	_ =	sdelay $0x3  }
0x97: {  	_ =	strace s4  }
0x98: {  	_ =	strace $0x8FFFFFFF  }
0x99: {  	s19 =	sld [smem:$0x3FDB];
	_ =	sdelay $0x1  }
0x9a: {  	s5 =	simm.s32 $_scs_section_size  }
0x9b: {  	s6 =	simm.s32 $_size__tile_overlayer_lowered;
	s7 =	simm.s32 $_tile_overlayer_lowered  }
0x9c: {  	s22 =	simm.s32 $0x1BFF;
	s21 =	sshll.u32 s7, $0x1;
	s4 =	sadd.s32 s5, s19  }
0x9d: {  	s8 =	simm.s32 $0x0;
	s20 =	sshll.u32 s6, $0x1;
	s6 =	sadd.s32 s21, s4  }
0x9e: {  	[timem:s8], [sflag:s22] =	dma.local [hbm:s6], s20  }
0x9f: {  	_ =	swait.ge [sflag:s22], s20  }
0xa0: {  	s5 =	ssub.s32 $0x0, s20;
	[sflag:s22] =	ssyncset.done $0x0  }
0xa1: {  	[sflag:s22] =	ssyncadd.s32 s5;
	_ =	sdelay $0x1  }
0xa2: {  	s23 =	simm.s32 $0x1B8B  }
0xa3: {  	_ =	swait.ge [sflag:s23], $0x1  }
0xa4: {  	[sflag:s23] =	ssyncset.done $0x0  }
0xa5: {  	s25 =	simm.s32 $0x1B8E;
	s24 =	sld [smem:$0x3FFE];
	[sflag:s23] =	ssyncadd.s32 $0xFFFFFFFF  }
0xa6: {  	s26 =	simm.s32 $execute0_lowered;
	[smem:$0x3FD2] =	sst s25  }
0xa7: {  	s6 =	sshll.u32 s26, $0x1;
	_ =	strace $0x80000046;
	[dreg:$0x1] =	wrdreg $0xFFFFFFFF  }
0xa8: {  	s28 =	simm.s32 $_size_execute0_lowered;
	s4 =	sadd.s32 s4, s6;
	[dreg:$0x0] =	wrdreg $0x0  }
0xa9: {  	s6 =	sshll.u32 s28, $0x1;
	[dreg:$0x2] =	wrdreg s4  }
0xaa: {  	[dreg:$0x3] =	wrdreg s6  }
0xab: {  	[dreg:$0x4] =	wrdreg $0xC0  }
0xac: {  	_ =	task [dreg:s8], $0x5FFFF  }
0xad: {  	[dreg:$0x1] =	wrdreg $0xFFFFFFFF  }
0xae: {  	[dreg:$0x0] =	wrdreg $0x60  }
0xaf: {  	[dreg:$0x2] =	wrdreg s2  }
0xb0: {  	[dreg:$0x3] =	wrdreg s24  }
0xb1: {  	[dreg:$0x4] =	wrdreg s18  }
0xb2: {  	[dreg:$0x5] =	wrdreg $0x9  }
0xb3: {  	_ =	task.clear_ibuf [dreg:s8], $0x6FFFF;
	_ =	strace $0x90000046  }
0xb4: {  	s29 =	simm.s32 $0x9;
	_ =	strace $0x80000048  }
0xb5: {  	_ =	swait.ge [sflag:s29], $0x1  }
0xb6: {  	[sflag:s29] =	ssyncadd.s32 $0xFFFFFFFF  }
0xb7: {  	_ =	strace $0x90000048  }
0xb8: {  	_ =	sfence  }
0xb9: {  	s30 =	sld [smem:$0x0];
	_ =	sdelay $0x2  }
0xba: {  	s31 =	sshll.u32 s1, $0xD;
	s1 =	sshrl.u32 s1, $0x2  }
0xbb: {  	s3 =	sand.u32 $0x4000, s31;
	s1 =	sadd.s32 s1, s30  }
0xbc: {  	s0 =	sor.u32 s3, s0;
	s1 =	sshll.u32 s1, $0x11  }
0xbd: {  	s0 =	sor.u32 s1, s0  }
0xbe: {  	s0 =	sadd.s32 $0x8F2B, s0  }
0xbf: {  	[sflag:s0] =	ssyncadd.remote.s32 $0x1  }
0xc0: {  	_ =	sfence.sel $0xFFFF  }
0xc1: {  	[dreg:$0x0] =	wrdreg $0xFFFFFFFF;
	(pc) =	sbr.abs _section_cstart, $3  }
0xc2: {  	[dreg:$0x1] =	wrdreg $0xFFFFFFFF  }
0xc3: {  	_ =	task.clear_ibuf [dreg:s8], $0x2FFFF;
	_ =	strace $0x9FFFFFFF  }
0xc4: {  	(tm) =	ssettm $0x7FFFFFFF  }
0xc5: {  	_ =	shalt  }
tec
execute0_lowered:
.L_overlay_start_1:
0x0: {  	(tag) =	ssettag $0x1  }
0x1: {  	s0 =	rddreg [dreg:$0x0]  }
0x2: {  	s1 =	rddreg [dreg:$0x1]  }
0x3: {  	s2 =	rddreg [dreg:$0x2];
	s31 =	simm.s32 $0x0  }
0x4: {  	s4 =	srdreg.scid;
	s3 =	stileid.u32;
	s9 =	simm.s32 $0x18000  }
0x5: {  	s13 =	simm.s32 $0x18088;
	s14 =	simm.s32 $0x18110;
	s15 =	simm.s32 $0x18198  }
0x6: {  	s16 =	simm.s32 $0x18220;
	s17 =	simm.s32 $0x182A8;
	s18 =	simm.s32 $0x18330  }
0x7: {  	s19 =	simm.s32 $0x183B8;
	s20 =	simm.s32 $0x18440;
	s21 =	simm.s32 $0x184C8  }
0x8: {  	s22 =	simm.s32 $0x18550;
	s23 =	simm.s32 $0x185D8;
	s28 =	simm.s32 $0x187F8  }
0x9: {  	[smem:$0x7FF] =	sst s31;
	s4 =	sand.u32 $0x1, s4;
	s5 =	sshll.u32 s3, $0x1  }
0xa: {  	s1 =	sadd.s32 $0x400, s1;
	s30 =	sadd.s32 $0x800, s0;
	_ =	strace $0x80000047  }
0xb: {  	s6 =	ssub.s32 $0x2, s4;
	s4 =	sor.u32 s4, s5;
	[dreg:$0x4] =	wrdreg s1  }
0xc: {  	[dreg:$0x7] =	wrdreg s30;
	s24 =	sshrl.u32 s6, $0x1;
	s5 =	sshll.u32 s4, $0xE  }
0xd: {  	s25 =	sshll.u32 s4, $0x3;
	s4 =	simm.s32 $0x0;
	s1 =	ssub.s32 s6, s24  }
0xe: {  	[dreg:$0x5] =	wrdreg s25;
	s26 =	sadd.s32 s0, s5;
	s24 =	simm.s32 $0x18660  }
0xf: {  	s25 =	simm.s32 $0x186E8;
	[dreg:$0x6] =	wrdreg s26;
	s29 =	smax.u32 s1, $0x1  }
0x10: {  	s26 =	simm.s32 $0x18770;
	s1 =	simm.s32 $0x4;
	[dreg:$0x8] =	wrdreg s29  }
.LBB2_1:
0x11: {  	[dreg:$0x9] =	wrdreg s4  }
0x12: {  	s3 =	rddreg [dreg:$0x4];
	s12 =	simm.s32 $0x5  }
0x13: {  	[tilespmem:s9], [sflag:$0x5] =	stream.linear.gather [hbm4b:s3+s31], $0x880, $0x38;
	[tilespmem:$0x18880] =	vst v63  }
0x14: {  	_ =	swait.ge [sflag:s12], $0x880  }
0x15: {  	[sflag:s12] =	ssyncset.done $0x0  }
0x16: {  	s5 =	simm.s32 $0x0;
	s29 =	rddreg [dreg:$0x6];
	[sflag:s12] =	ssyncadd.s32 $0xFFFFF780  }
0x17: {  	[tilespmem:s31], [sflag:$0x1] =	stream.linear.gather [hbm4b:s29+s31], $0x4000, $0x38;
	[tilespmem:$0x18880] =	vst v63  }
.LBB2_2:
0x18: {  	s4 =	sshll.u32 s5, $0x1;
	s3 =	rddreg [dreg:$0x5]  }
0x19: {  	s0 =	sor.u32 s3, s4  }
0x1a: {  	s10 =	simm.s32 $0x0;
	s4 =	sshll.u32 s0, $0xB  }
0x1b: {  	s31 =	simm.s32 $0x1;
	s4 =	sadd.s32 s4, s30;
	s30 =	simm.s32 $0x4000  }
0x1c: {  	[tilespmem:s30], [sflag:$0x2] =	stream.linear.gather [hbm4b:s4+s10], $0x4000, $0x38;
	[tilespmem:$0x18880] =	vst v63  }
0x1d: {  	_ =	swait.ge [sflag:s31], $0x4000  }
0x1e: {  	s11 =	sshll.u32 s5, $0x4;
	[sflag:s31] =	ssyncset.done $0x0  }
0x1f: {  	s4 =	sshll.u32 s0, $0x3;
	[dreg:$0xa] =	wrdreg s0;
	[sflag:s31] =	ssyncadd.s32 $0xFFFFC000  }
.LBB2_3:
0x20: {  	s29 =	sor.u32 s5, s10  }
0x21: {  	p0 =	seq.s32 s29, $0x0  }
0x22: {  	s0 =	smov.u32 s5;
	s7 =	simm.s32 @!p0 $0x3  }
0x23: {  	s5 =	sshll.u32 s10, $0x1;
	s30 =	sshll.u32 s10, $0x8;
	_ =	swait.ge @!p0 [sflag:s7], $0x8000  }
0x24: {  	s8 =	simm.s32 $0x0;
	s12 =	sadd.s32 s4, s5;
	[sflag:s7] =	ssyncset.done @!p0 $0x0  }
0x25: {  	s31 =	sand.u32 $0x3FFFFF00, s30;
	[sflag:s7] =	ssyncadd.s32 @!p0 $0xFFFF8000;
	s7 =	simm.s32 $0x0  }
.LBB2_4:
0x26: {  	s29 =	sand.u32 $0x3C00, s7  }
0x27: {  	s30 =	sand.u32 $0x60, s8;
	s6 =	sadd.s32 s29, s31  }
0x28: {  	s3 =	sadd.s32 s30, s6  }
0x29: {  	v0 =	vld [tilespmem:s3+$0x0];
	_ =	sdelay $0x4  }
0x2a: {  	s3 =	sor.u32 $0x10, s30  }
0x2b: {  	s6 =	sadd.s32 s3, s6  }
0x2c: {  	v10 =	vld [tilespmem:s6+$0x0]  }
0x2d: {  	v1 =	vld.idx.msk [tilespmem:v0+s9+$0x0], $0xffff  }
0x2e: {  	v2 =	vld.idx.msk [tilespmem:v0+s13+$0x0], $0xffff  }
0x2f: {  	v3 =	vld.idx.msk [tilespmem:v0+s14+$0x0], $0xffff  }
0x30: {  	v4 =	vld.idx.msk [tilespmem:v0+s15+$0x0], $0xffff  }
0x31: {  	v5 =	vld.idx.msk [tilespmem:v0+s16+$0x0], $0xffff  }
0x32: {  	v6 =	vld.idx.msk [tilespmem:v0+s17+$0x0], $0xffff  }
0x33: {  	v7 =	vld.idx.msk [tilespmem:v0+s18+$0x0], $0xffff  }
0x34: {  	v8 =	vld.idx.msk [tilespmem:v0+s19+$0x0], $0xffff  }
0x35: {  	v9 =	vld.idx.msk [tilespmem:v0+s20+$0x0], $0xffff  }
0x36: {  	v11 =	vld.idx.msk [tilespmem:v0+s21+$0x0], $0xffff  }
0x37: {  	v12 =	vld.idx.msk [tilespmem:v0+s22+$0x0], $0xffff  }
0x38: {  	v13 =	vld.idx.msk [tilespmem:v0+s23+$0x0], $0xffff  }
0x39: {  	v14 =	vld.idx.msk [tilespmem:v0+s24+$0x0], $0xffff  }
0x3a: {  	v15 =	vld.idx.msk [tilespmem:v0+s25+$0x0], $0xffff  }
0x3b: {  	v16 =	vld.idx.msk [tilespmem:v0+s26+$0x0], $0xffff  }
0x3c: {  	v0 =	vld.idx.msk [tilespmem:v0+s28+$0x0], $0xffff  }
0x3d: {  	v17 =	vld.idx.msk [tilespmem:v10+s9+$0x0], $0xffff  }
0x3e: {  	v18 =	vld.idx.msk [tilespmem:v10+s13+$0x0], $0xffff  }
0x3f: {  	v19 =	vld.idx.msk [tilespmem:v10+s14+$0x0], $0xffff  }
0x40: {  	v20 =	vld.idx.msk [tilespmem:v10+s15+$0x0], $0xffff  }
0x41: {  	v21 =	vld.idx.msk [tilespmem:v10+s16+$0x0], $0xffff  }
0x42: {  	v22 =	vld.idx.msk [tilespmem:v10+s17+$0x0], $0xffff  }
0x43: {  	v23 =	vld.idx.msk [tilespmem:v10+s18+$0x0], $0xffff  }
0x44: {  	v24 =	vld.idx.msk [tilespmem:v10+s19+$0x0], $0xffff  }
0x45: {  	v25 =	vld.idx.msk [tilespmem:v10+s20+$0x0], $0xffff  }
0x46: {  	v26 =	vld.idx.msk [tilespmem:v10+s21+$0x0], $0xffff  }
0x47: {  	v27 =	vld.idx.msk [tilespmem:v10+s22+$0x0], $0xffff  }
0x48: {  	v28 =	vld.idx.msk [tilespmem:v10+s23+$0x0], $0xffff  }
0x49: {  	v29 =	vld.idx.msk [tilespmem:v10+s24+$0x0], $0xffff  }
0x4a: {  	s6 =	sor.u32 $0x8000, s29;
	v30 =	vld.idx.msk [tilespmem:v10+s25+$0x0], $0xffff  }
0x4b: {  	s29 =	sor.u32 s30, s6;
	v31 =	vld.idx.msk [tilespmem:v10+s26+$0x0], $0xffff  }
0x4c: {  	v10 =	vld.idx.msk [tilespmem:v10+s28+$0x0], $0xffff;
	[tilespmem:s29+$0x0] =	vst v1  }
0x4d: {  	[tilespmem:s29+$0x80] =	vst v2  }
0x4e: {  	[tilespmem:s29+$0x100] =	vst v3  }
0x4f: {  	[tilespmem:s29+$0x180] =	vst v4  }
0x50: {  	[tilespmem:s29+$0x200] =	vst v5  }
0x51: {  	[tilespmem:s29+$0x280] =	vst v6  }
0x52: {  	[tilespmem:s29+$0x300] =	vst v7  }
0x53: {  	[tilespmem:s29+$0x380] =	vst v8  }
0x54: {  	[tilespmem:s29+$0x4000] =	vst v9  }
0x55: {  	[tilespmem:s29+$0x4080] =	vst v11  }
0x56: {  	[tilespmem:s29+$0x4100] =	vst v12  }
0x57: {  	[tilespmem:s29+$0x4180] =	vst v13  }
0x58: {  	[tilespmem:s29+$0x4200] =	vst v14  }
0x59: {  	[tilespmem:s29+$0x4280] =	vst v15  }
0x5a: {  	[tilespmem:s29+$0x4300] =	vst v16  }
0x5b: {  	s3 =	sor.u32 s3, s6;
	[tilespmem:s29+$0x4380] =	vst v0  }
0x5c: {  	[tilespmem:s3+$0x0] =	vst v17  }
0x5d: {  	[tilespmem:s3+$0x80] =	vst v18  }
0x5e: {  	[tilespmem:s3+$0x100] =	vst v19  }
0x5f: {  	[tilespmem:s3+$0x180] =	vst v20  }
0x60: {  	[tilespmem:s3+$0x200] =	vst v21  }
0x61: {  	[tilespmem:s3+$0x280] =	vst v22  }
0x62: {  	[tilespmem:s3+$0x300] =	vst v23  }
0x63: {  	[tilespmem:s3+$0x380] =	vst v24  }
0x64: {  	[tilespmem:s3+$0x4000] =	vst v25  }
0x65: {  	[tilespmem:s3+$0x4080] =	vst v26  }
0x66: {  	p0 =	sne.s32 s8, $0x7E0;
	[tilespmem:s3+$0x4100] =	vst v27  }
.Ltmp0:
0x67: {  	[tilespmem:s3+$0x4180] =	vst v28;
	(pc) =	sbr.rel @p0 .LBB2_4-.Ltmp0, $4  }
0x68: {  	[tilespmem:s3+$0x4200] =	vst v29  }
0x69: {  	[tilespmem:s3+$0x4280] =	vst v30  }
0x6a: {  	[tilespmem:s3+$0x4300] =	vst v31  }
0x6b: {  	s7 =	sadd.s32 $0x100, s7;
	s8 =	sadd.s32 $0x20, s8;
	[tilespmem:s3+$0x4380] =	vst v10  }
0x6c: {  	s3 =	sshll.u32 s12, $0xC;
	s30 =	sor.u32 $0x1, s5  }
0x6d: {  	s31 =	simm.s32 $0x0;
	s3 =	sand.u32 $0x1FFF6000, s3;
	s5 =	sadd.s32 s11, s30  }
0x6e: {  	s6 =	simm.s32 $0x8000;
	s3 =	sadd.s32 s2, s3;
	p0 =	seq.s32 s5, $0x1  }
0x6f: {  	[hbm4b:s3+s31] =	stream.linear.scatter [tilespmem:s6], [sflag:$0x3], $0x8000, $0x38;
	[tilespmem:$0x18880] =	vst v63  }
0x70: {  	s6 =	simm.s32 @!p0 $0x4  }
0x71: {  	s7 =	simm.s32 $0x0;
	_ =	swait.ge @!p0 [sflag:s6], $0x8000  }
0x72: {  	s8 =	simm.s32 $0x0;
	s3 =	sshll.u32 s30, $0x7;
	[sflag:s6] =	ssyncset.done @!p0 $0x0  }
0x73: {  	s5 =	sadd.s32 s4, s30;
	s12 =	sand.u32 $0x3FFFFF80, s3;
	[sflag:s6] =	ssyncadd.s32 @!p0 $0xFFFF8000  }
.LBB2_6:
0x74: {  	s3 =	sand.u32 $0x3C00, s7  }
0x75: {  	s6 =	sand.u32 $0x60, s8;
	s29 =	sadd.s32 s3, s12  }
0x76: {  	s30 =	sadd.s32 s6, s29  }
0x77: {  	v0 =	vld [tilespmem:s30+$0x0];
	_ =	sdelay $0x4  }
0x78: {  	s30 =	sor.u32 $0x10, s6  }
0x79: {  	s29 =	sadd.s32 s30, s29  }
0x7a: {  	v10 =	vld [tilespmem:s29+$0x0]  }
0x7b: {  	v1 =	vld.idx.msk [tilespmem:v0+s9+$0x0], $0xffff  }
0x7c: {  	v2 =	vld.idx.msk [tilespmem:v0+s13+$0x0], $0xffff  }
0x7d: {  	v3 =	vld.idx.msk [tilespmem:v0+s14+$0x0], $0xffff  }
0x7e: {  	v4 =	vld.idx.msk [tilespmem:v0+s15+$0x0], $0xffff  }
0x7f: {  	v5 =	vld.idx.msk [tilespmem:v0+s16+$0x0], $0xffff  }
0x80: {  	v6 =	vld.idx.msk [tilespmem:v0+s17+$0x0], $0xffff  }
0x81: {  	v7 =	vld.idx.msk [tilespmem:v0+s18+$0x0], $0xffff  }
0x82: {  	v8 =	vld.idx.msk [tilespmem:v0+s19+$0x0], $0xffff  }
0x83: {  	v9 =	vld.idx.msk [tilespmem:v0+s20+$0x0], $0xffff  }
0x84: {  	v11 =	vld.idx.msk [tilespmem:v0+s21+$0x0], $0xffff  }
0x85: {  	v12 =	vld.idx.msk [tilespmem:v0+s22+$0x0], $0xffff  }
0x86: {  	v13 =	vld.idx.msk [tilespmem:v0+s23+$0x0], $0xffff  }
0x87: {  	v14 =	vld.idx.msk [tilespmem:v0+s24+$0x0], $0xffff  }
0x88: {  	v15 =	vld.idx.msk [tilespmem:v0+s25+$0x0], $0xffff  }
0x89: {  	v16 =	vld.idx.msk [tilespmem:v0+s26+$0x0], $0xffff  }
0x8a: {  	v0 =	vld.idx.msk [tilespmem:v0+s28+$0x0], $0xffff  }
0x8b: {  	v17 =	vld.idx.msk [tilespmem:v10+s9+$0x0], $0xffff  }
0x8c: {  	v18 =	vld.idx.msk [tilespmem:v10+s13+$0x0], $0xffff  }
0x8d: {  	v19 =	vld.idx.msk [tilespmem:v10+s14+$0x0], $0xffff  }
0x8e: {  	v20 =	vld.idx.msk [tilespmem:v10+s15+$0x0], $0xffff  }
0x8f: {  	v21 =	vld.idx.msk [tilespmem:v10+s16+$0x0], $0xffff  }
0x90: {  	v22 =	vld.idx.msk [tilespmem:v10+s17+$0x0], $0xffff  }
0x91: {  	v23 =	vld.idx.msk [tilespmem:v10+s18+$0x0], $0xffff  }
0x92: {  	v24 =	vld.idx.msk [tilespmem:v10+s19+$0x0], $0xffff  }
0x93: {  	v25 =	vld.idx.msk [tilespmem:v10+s20+$0x0], $0xffff  }
0x94: {  	v26 =	vld.idx.msk [tilespmem:v10+s21+$0x0], $0xffff  }
0x95: {  	v27 =	vld.idx.msk [tilespmem:v10+s22+$0x0], $0xffff  }
0x96: {  	v28 =	vld.idx.msk [tilespmem:v10+s23+$0x0], $0xffff  }
0x97: {  	v29 =	vld.idx.msk [tilespmem:v10+s24+$0x0], $0xffff  }
0x98: {  	s3 =	sor.u32 $0x10000, s3;
	v30 =	vld.idx.msk [tilespmem:v10+s25+$0x0], $0xffff  }
0x99: {  	s6 =	sor.u32 s6, s3;
	v31 =	vld.idx.msk [tilespmem:v10+s26+$0x0], $0xffff  }
0x9a: {  	v10 =	vld.idx.msk [tilespmem:v10+s28+$0x0], $0xffff;
	[tilespmem:s6+$0x0] =	vst v1  }
0x9b: {  	[tilespmem:s6+$0x80] =	vst v2  }
0x9c: {  	[tilespmem:s6+$0x100] =	vst v3  }
0x9d: {  	[tilespmem:s6+$0x180] =	vst v4  }
0x9e: {  	[tilespmem:s6+$0x200] =	vst v5  }
0x9f: {  	[tilespmem:s6+$0x280] =	vst v6  }
0xa0: {  	[tilespmem:s6+$0x300] =	vst v7  }
0xa1: {  	[tilespmem:s6+$0x380] =	vst v8  }
0xa2: {  	[tilespmem:s6+$0x4000] =	vst v9  }
0xa3: {  	[tilespmem:s6+$0x4080] =	vst v11  }
0xa4: {  	[tilespmem:s6+$0x4100] =	vst v12  }
0xa5: {  	[tilespmem:s6+$0x4180] =	vst v13  }
0xa6: {  	[tilespmem:s6+$0x4200] =	vst v14  }
0xa7: {  	[tilespmem:s6+$0x4280] =	vst v15  }
0xa8: {  	[tilespmem:s6+$0x4300] =	vst v16  }
0xa9: {  	s3 =	sor.u32 s30, s3;
	[tilespmem:s6+$0x4380] =	vst v0  }
0xaa: {  	[tilespmem:s3+$0x0] =	vst v17  }
0xab: {  	[tilespmem:s3+$0x80] =	vst v18  }
0xac: {  	[tilespmem:s3+$0x100] =	vst v19  }
0xad: {  	[tilespmem:s3+$0x180] =	vst v20  }
0xae: {  	[tilespmem:s3+$0x200] =	vst v21  }
0xaf: {  	[tilespmem:s3+$0x280] =	vst v22  }
0xb0: {  	[tilespmem:s3+$0x300] =	vst v23  }
0xb1: {  	[tilespmem:s3+$0x380] =	vst v24  }
0xb2: {  	[tilespmem:s3+$0x4000] =	vst v25  }
0xb3: {  	[tilespmem:s3+$0x4080] =	vst v26  }
0xb4: {  	p0 =	sne.s32 s8, $0x7E0;
	[tilespmem:s3+$0x4100] =	vst v27  }
.Ltmp1:
0xb5: {  	[tilespmem:s3+$0x4180] =	vst v28;
	(pc) =	sbr.rel @p0 .LBB2_6-.Ltmp1, $4  }
0xb6: {  	[tilespmem:s3+$0x4200] =	vst v29  }
0xb7: {  	[tilespmem:s3+$0x4280] =	vst v30  }
0xb8: {  	[tilespmem:s3+$0x4300] =	vst v31  }
0xb9: {  	s7 =	sadd.s32 $0x100, s7;
	s8 =	sadd.s32 $0x20, s8;
	[tilespmem:s3+$0x4380] =	vst v10  }
0xba: {  	s10 =	sadd.s32 $0x1, s10  }
0xbb: {  	p0 =	sne.s32 s10, $0x4  }
.Ltmp2:
0xbc: {  	_ = 	snop;
	(pc) =	sbr.rel @p0 .LBB2_3-.Ltmp2, $4  }
0xbd: {  	s3 =	sshll.u32 s5, $0xC  }
0xbe: {  	s3 =	sand.u32 $0x1FFF7000, s3  }
0xbf: {  	s30 =	simm.s32 $0x10000;
	s5 =	smov.u32 s0;
	s3 =	sadd.s32 s2, s3  }
0xc0: {  	[hbm4b:s3+s31] =	stream.linear.scatter [tilespmem:s30], [sflag:$0x4], $0x8000, $0x38;
	[tilespmem:$0x18880] =	vst v63  }
0xc1: {  	s3 =	rddreg [dreg:$0xa]  }
0xc2: {  	p0 =	seq.s32 s5, $0x3;
	s3 =	sor.u32 $0x1, s3  }
0xc3: {  	s30 =	rddreg [dreg:$0x7];
	s4 =	sshll.u32 @!p0 s3, $0xB  }
0xc4: {  	s29 =	simm.s32 $0x2;
	s5 =	simm.s32 @!p0 $0x0;
	s4 =	sadd.s32 @!p0 s4, s30  }
0xc5: {  	[tilespmem:s5], [sflag:$0x1] =	stream.linear.gather @!p0 [hbm4b:s4+s5], $0x4000, $0x38;
	[tilespmem:$0x18880] =	vst v63  }
0xc6: {  	_ =	swait.ge [sflag:s29], $0x4000  }
0xc7: {  	[sflag:s29] =	ssyncset.done $0x0  }
0xc8: {  	s8 =	simm.s32 $0x0;
	s4 =	sshll.u32 s3, $0x3;
	[sflag:s29] =	ssyncadd.s32 $0xFFFFC000  }
.LBB2_9:
0xc9: {  	s5 =	simm.s32 $0x3  }
0xca: {  	s3 =	sshll.u32 s8, $0x8;
	_ =	swait.ge [sflag:s5], $0x8000  }
0xcb: {  	s7 =	simm.s32 $0x0;
	s3 =	sand.u32 $0x3FFFFF00, s3;
	[sflag:s5] =	ssyncset.done $0x0  }
0xcc: {  	s10 =	simm.s32 $0x0;
	[sflag:s5] =	ssyncadd.s32 $0xFFFF8000;
	s5 =	sadd.s32 $0x4000, s3  }
.LBB2_10:
0xcd: {  	s3 =	sand.u32 $0x3C00, s7  }
0xce: {  	s6 =	sand.u32 $0x60, s10;
	s11 =	sadd.s32 s3, s5  }
0xcf: {  	s12 =	sadd.s32 s6, s11  }
0xd0: {  	v0 =	vld [tilespmem:s12+$0x0];
	_ =	sdelay $0x4  }
0xd1: {  	s29 =	sor.u32 $0x10, s6  }
0xd2: {  	s11 =	sadd.s32 s29, s11  }
0xd3: {  	v10 =	vld [tilespmem:s11+$0x0]  }
0xd4: {  	v1 =	vld.idx.msk [tilespmem:v0+s9+$0x0], $0xffff  }
0xd5: {  	v2 =	vld.idx.msk [tilespmem:v0+s13+$0x0], $0xffff  }
0xd6: {  	v3 =	vld.idx.msk [tilespmem:v0+s14+$0x0], $0xffff  }
0xd7: {  	v4 =	vld.idx.msk [tilespmem:v0+s15+$0x0], $0xffff  }
0xd8: {  	v5 =	vld.idx.msk [tilespmem:v0+s16+$0x0], $0xffff  }
0xd9: {  	v6 =	vld.idx.msk [tilespmem:v0+s17+$0x0], $0xffff  }
0xda: {  	v7 =	vld.idx.msk [tilespmem:v0+s18+$0x0], $0xffff  }
0xdb: {  	v8 =	vld.idx.msk [tilespmem:v0+s19+$0x0], $0xffff  }
0xdc: {  	v9 =	vld.idx.msk [tilespmem:v0+s20+$0x0], $0xffff  }
0xdd: {  	v11 =	vld.idx.msk [tilespmem:v0+s21+$0x0], $0xffff  }
0xde: {  	v12 =	vld.idx.msk [tilespmem:v0+s22+$0x0], $0xffff  }
0xdf: {  	v13 =	vld.idx.msk [tilespmem:v0+s23+$0x0], $0xffff  }
0xe0: {  	v14 =	vld.idx.msk [tilespmem:v0+s24+$0x0], $0xffff  }
0xe1: {  	v15 =	vld.idx.msk [tilespmem:v0+s25+$0x0], $0xffff  }
0xe2: {  	v16 =	vld.idx.msk [tilespmem:v0+s26+$0x0], $0xffff  }
0xe3: {  	v0 =	vld.idx.msk [tilespmem:v0+s28+$0x0], $0xffff  }
0xe4: {  	v17 =	vld.idx.msk [tilespmem:v10+s9+$0x0], $0xffff  }
0xe5: {  	v18 =	vld.idx.msk [tilespmem:v10+s13+$0x0], $0xffff  }
0xe6: {  	v19 =	vld.idx.msk [tilespmem:v10+s14+$0x0], $0xffff  }
0xe7: {  	v20 =	vld.idx.msk [tilespmem:v10+s15+$0x0], $0xffff  }
0xe8: {  	v21 =	vld.idx.msk [tilespmem:v10+s16+$0x0], $0xffff  }
0xe9: {  	v22 =	vld.idx.msk [tilespmem:v10+s17+$0x0], $0xffff  }
0xea: {  	v23 =	vld.idx.msk [tilespmem:v10+s18+$0x0], $0xffff  }
0xeb: {  	v24 =	vld.idx.msk [tilespmem:v10+s19+$0x0], $0xffff  }
0xec: {  	v25 =	vld.idx.msk [tilespmem:v10+s20+$0x0], $0xffff  }
0xed: {  	v26 =	vld.idx.msk [tilespmem:v10+s21+$0x0], $0xffff  }
0xee: {  	v27 =	vld.idx.msk [tilespmem:v10+s22+$0x0], $0xffff  }
0xef: {  	v28 =	vld.idx.msk [tilespmem:v10+s23+$0x0], $0xffff  }
0xf0: {  	v29 =	vld.idx.msk [tilespmem:v10+s24+$0x0], $0xffff  }
0xf1: {  	s3 =	sor.u32 $0x8000, s3;
	v30 =	vld.idx.msk [tilespmem:v10+s25+$0x0], $0xffff  }
0xf2: {  	s6 =	sor.u32 s6, s3;
	v31 =	vld.idx.msk [tilespmem:v10+s26+$0x0], $0xffff  }
0xf3: {  	v10 =	vld.idx.msk [tilespmem:v10+s28+$0x0], $0xffff;
	[tilespmem:s6+$0x0] =	vst v1  }
0xf4: {  	[tilespmem:s6+$0x80] =	vst v2  }
0xf5: {  	[tilespmem:s6+$0x100] =	vst v3  }
0xf6: {  	[tilespmem:s6+$0x180] =	vst v4  }
0xf7: {  	[tilespmem:s6+$0x200] =	vst v5  }
0xf8: {  	[tilespmem:s6+$0x280] =	vst v6  }
0xf9: {  	[tilespmem:s6+$0x300] =	vst v7  }
0xfa: {  	[tilespmem:s6+$0x380] =	vst v8  }
0xfb: {  	[tilespmem:s6+$0x4000] =	vst v9  }
0xfc: {  	[tilespmem:s6+$0x4080] =	vst v11  }
0xfd: {  	[tilespmem:s6+$0x4100] =	vst v12  }
0xfe: {  	[tilespmem:s6+$0x4180] =	vst v13  }
0xff: {  	[tilespmem:s6+$0x4200] =	vst v14  }
0x100: {  	[tilespmem:s6+$0x4280] =	vst v15  }
0x101: {  	[tilespmem:s6+$0x4300] =	vst v16  }
0x102: {  	s3 =	sor.u32 s29, s3;
	[tilespmem:s6+$0x4380] =	vst v0  }
0x103: {  	[tilespmem:s3+$0x0] =	vst v17  }
0x104: {  	[tilespmem:s3+$0x80] =	vst v18  }
0x105: {  	[tilespmem:s3+$0x100] =	vst v19  }
0x106: {  	[tilespmem:s3+$0x180] =	vst v20  }
0x107: {  	[tilespmem:s3+$0x200] =	vst v21  }
0x108: {  	[tilespmem:s3+$0x280] =	vst v22  }
0x109: {  	[tilespmem:s3+$0x300] =	vst v23  }
0x10a: {  	[tilespmem:s3+$0x380] =	vst v24  }
0x10b: {  	[tilespmem:s3+$0x4000] =	vst v25  }
0x10c: {  	[tilespmem:s3+$0x4080] =	vst v26  }
0x10d: {  	p0 =	sne.s32 s10, $0x7E0;
	[tilespmem:s3+$0x4100] =	vst v27  }
.Ltmp3:
0x10e: {  	[tilespmem:s3+$0x4180] =	vst v28;
	(pc) =	sbr.rel @p0 .LBB2_10-.Ltmp3, $4  }
0x10f: {  	[tilespmem:s3+$0x4200] =	vst v29  }
0x110: {  	[tilespmem:s3+$0x4280] =	vst v30  }
0x111: {  	[tilespmem:s3+$0x4300] =	vst v31  }
0x112: {  	s7 =	sadd.s32 $0x100, s7;
	s10 =	sadd.s32 $0x20, s10;
	[tilespmem:s3+$0x4380] =	vst v10  }
0x113: {  	s3 =	sshll.u32 s8, $0x1  }
0x114: {  	s3 =	sadd.s32 s4, s3  }
0x115: {  	s3 =	sshll.u32 s3, $0xC  }
0x116: {  	s5 =	simm.s32 $0x0;
	s3 =	sand.u32 $0x1FFFE000, s3  }
0x117: {  	s6 =	simm.s32 $0x8000;
	s10 =	sshllo.u32 s8, $0x1;
	s3 =	sadd.s32 s2, s3  }
0x118: {  	[hbm4b:s3+s5] =	stream.linear.scatter [tilespmem:s6], [sflag:$0x3], $0x8000, $0x38;
	[tilespmem:$0x18880] =	vst v63  }
0x119: {  	s29 =	sshll.u32 s10, $0x7;
	_ =	swait.ge [sflag:s1], $0x8000  }
0x11a: {  	s3 =	sand.u32 $0x3FFFFF80, s29;
	[sflag:s1] =	ssyncset.done $0x0  }
0x11b: {  	s7 =	simm.s32 $0x0;
	s11 =	sadd.s32 $0x4000, s3;
	[sflag:s1] =	ssyncadd.s32 $0xFFFF8000  }
.LBB2_12:
0x11c: {  	s3 =	sand.u32 $0x3C00, s5  }
0x11d: {  	s6 =	sand.u32 $0x60, s7;
	s12 =	sadd.s32 s3, s11  }
0x11e: {  	s29 =	sadd.s32 s6, s12  }
0x11f: {  	v0 =	vld [tilespmem:s29+$0x0];
	_ =	sdelay $0x4  }
0x120: {  	s29 =	sor.u32 $0x10, s6  }
0x121: {  	s12 =	sadd.s32 s29, s12  }
0x122: {  	v10 =	vld [tilespmem:s12+$0x0]  }
0x123: {  	v1 =	vld.idx.msk [tilespmem:v0+s9+$0x0], $0xffff  }
0x124: {  	v2 =	vld.idx.msk [tilespmem:v0+s13+$0x0], $0xffff  }
0x125: {  	v3 =	vld.idx.msk [tilespmem:v0+s14+$0x0], $0xffff  }
0x126: {  	v4 =	vld.idx.msk [tilespmem:v0+s15+$0x0], $0xffff  }
0x127: {  	v5 =	vld.idx.msk [tilespmem:v0+s16+$0x0], $0xffff  }
0x128: {  	v6 =	vld.idx.msk [tilespmem:v0+s17+$0x0], $0xffff  }
0x129: {  	v7 =	vld.idx.msk [tilespmem:v0+s18+$0x0], $0xffff  }
0x12a: {  	v8 =	vld.idx.msk [tilespmem:v0+s19+$0x0], $0xffff  }
0x12b: {  	v9 =	vld.idx.msk [tilespmem:v0+s20+$0x0], $0xffff  }
0x12c: {  	v11 =	vld.idx.msk [tilespmem:v0+s21+$0x0], $0xffff  }
0x12d: {  	v12 =	vld.idx.msk [tilespmem:v0+s22+$0x0], $0xffff  }
0x12e: {  	v13 =	vld.idx.msk [tilespmem:v0+s23+$0x0], $0xffff  }
0x12f: {  	v14 =	vld.idx.msk [tilespmem:v0+s24+$0x0], $0xffff  }
0x130: {  	v15 =	vld.idx.msk [tilespmem:v0+s25+$0x0], $0xffff  }
0x131: {  	v16 =	vld.idx.msk [tilespmem:v0+s26+$0x0], $0xffff  }
0x132: {  	v0 =	vld.idx.msk [tilespmem:v0+s28+$0x0], $0xffff  }
0x133: {  	v17 =	vld.idx.msk [tilespmem:v10+s9+$0x0], $0xffff  }
0x134: {  	v18 =	vld.idx.msk [tilespmem:v10+s13+$0x0], $0xffff  }
0x135: {  	v19 =	vld.idx.msk [tilespmem:v10+s14+$0x0], $0xffff  }
0x136: {  	v20 =	vld.idx.msk [tilespmem:v10+s15+$0x0], $0xffff  }
0x137: {  	v21 =	vld.idx.msk [tilespmem:v10+s16+$0x0], $0xffff  }
0x138: {  	v22 =	vld.idx.msk [tilespmem:v10+s17+$0x0], $0xffff  }
0x139: {  	v23 =	vld.idx.msk [tilespmem:v10+s18+$0x0], $0xffff  }
0x13a: {  	v24 =	vld.idx.msk [tilespmem:v10+s19+$0x0], $0xffff  }
0x13b: {  	v25 =	vld.idx.msk [tilespmem:v10+s20+$0x0], $0xffff  }
0x13c: {  	v26 =	vld.idx.msk [tilespmem:v10+s21+$0x0], $0xffff  }
0x13d: {  	v27 =	vld.idx.msk [tilespmem:v10+s22+$0x0], $0xffff  }
0x13e: {  	v28 =	vld.idx.msk [tilespmem:v10+s23+$0x0], $0xffff  }
0x13f: {  	v29 =	vld.idx.msk [tilespmem:v10+s24+$0x0], $0xffff  }
0x140: {  	s3 =	sor.u32 $0x10000, s3;
	v30 =	vld.idx.msk [tilespmem:v10+s25+$0x0], $0xffff  }
0x141: {  	s6 =	sor.u32 s6, s3;
	v31 =	vld.idx.msk [tilespmem:v10+s26+$0x0], $0xffff  }
0x142: {  	v10 =	vld.idx.msk [tilespmem:v10+s28+$0x0], $0xffff;
	[tilespmem:s6+$0x0] =	vst v1  }
0x143: {  	[tilespmem:s6+$0x80] =	vst v2  }
0x144: {  	[tilespmem:s6+$0x100] =	vst v3  }
0x145: {  	[tilespmem:s6+$0x180] =	vst v4  }
0x146: {  	[tilespmem:s6+$0x200] =	vst v5  }
0x147: {  	[tilespmem:s6+$0x280] =	vst v6  }
0x148: {  	[tilespmem:s6+$0x300] =	vst v7  }
0x149: {  	[tilespmem:s6+$0x380] =	vst v8  }
0x14a: {  	[tilespmem:s6+$0x4000] =	vst v9  }
0x14b: {  	[tilespmem:s6+$0x4080] =	vst v11  }
0x14c: {  	[tilespmem:s6+$0x4100] =	vst v12  }
0x14d: {  	[tilespmem:s6+$0x4180] =	vst v13  }
0x14e: {  	[tilespmem:s6+$0x4200] =	vst v14  }
0x14f: {  	[tilespmem:s6+$0x4280] =	vst v15  }
0x150: {  	[tilespmem:s6+$0x4300] =	vst v16  }
0x151: {  	s3 =	sor.u32 s29, s3;
	[tilespmem:s6+$0x4380] =	vst v0  }
0x152: {  	[tilespmem:s3+$0x0] =	vst v17  }
0x153: {  	[tilespmem:s3+$0x80] =	vst v18  }
0x154: {  	[tilespmem:s3+$0x100] =	vst v19  }
0x155: {  	[tilespmem:s3+$0x180] =	vst v20  }
0x156: {  	[tilespmem:s3+$0x200] =	vst v21  }
0x157: {  	[tilespmem:s3+$0x280] =	vst v22  }
0x158: {  	[tilespmem:s3+$0x300] =	vst v23  }
0x159: {  	[tilespmem:s3+$0x380] =	vst v24  }
0x15a: {  	[tilespmem:s3+$0x4000] =	vst v25  }
0x15b: {  	[tilespmem:s3+$0x4080] =	vst v26  }
0x15c: {  	p0 =	sne.s32 s7, $0x7E0;
	[tilespmem:s3+$0x4100] =	vst v27  }
.Ltmp4:
0x15d: {  	[tilespmem:s3+$0x4180] =	vst v28;
	(pc) =	sbr.rel @p0 .LBB2_12-.Ltmp4, $4  }
0x15e: {  	[tilespmem:s3+$0x4200] =	vst v29  }
0x15f: {  	[tilespmem:s3+$0x4280] =	vst v30  }
0x160: {  	[tilespmem:s3+$0x4300] =	vst v31  }
0x161: {  	s5 =	sadd.s32 $0x100, s5;
	s7 =	sadd.s32 $0x20, s7;
	[tilespmem:s3+$0x4380] =	vst v10  }
0x162: {  	s8 =	sadd.s32 $0x1, s8  }
0x163: {  	p0 =	sne.s32 s8, $0x4  }
.Ltmp5:
0x164: {  	s3 =	sadd.s32 s4, s10;
	(pc) =	sbr.rel @p0 .LBB2_9-.Ltmp5, $4  }
0x165: {  	s3 =	sshll.u32 s3, $0xC  }
0x166: {  	s3 =	sand.u32 $0x1FFFF000, s3  }
0x167: {  	s5 =	simm.s32 $0x10000;
	s3 =	sadd.s32 s2, s3  }
0x168: {  	[hbm4b:s3+s31] =	stream.linear.scatter [tilespmem:s5], [sflag:$0x4], $0x8000, $0x38;
	[tilespmem:$0x18880] =	vst v63  }
0x169: {  	s5 =	sadd.s32 $0x1, s0  }
0x16a: {  	p0 =	sne.s32 s5, $0x4  }
.Ltmp6:
0x16b: {  	_ = 	snop;
	(pc) =	sbr.rel @p0 .LBB2_2-.Ltmp6, $1  }
0x16c: {  	_ =	sdelay $0x3  }
0x16d: {  	s0 =	simm.s32 $0x3  }
0x16e: {  	_ =	swait.ge [sflag:s0], $0x8000  }
0x16f: {  	[sflag:s0] =	ssyncset.done $0x0  }
0x170: {  	[sflag:s0] =	ssyncadd.s32 $0xFFFF8000  }
0x171: {  	_ =	swait.ge [sflag:s1], $0x8000  }
0x172: {  	s4 =	rddreg [dreg:$0x9]  }
0x173: {  	s3 =	rddreg [dreg:$0x8];
	s4 =	sadd.s32 $0x1, s4  }
0x174: {  	p0 =	sne.s32 s4, s3  }
.Ltmp7:
0x175: {  	_ = 	snop;
	(pc) =	sbr.rel @p0 .LBB2_1-.Ltmp7, $3  }
0x176: {  	_ =	sdelay $0x1  }
0x177: {  	[sflag:s1] =	ssyncset.done $0x0  }
0x178: {  	[sflag:s1] =	ssyncadd.s32 $0xFFFF8000  }
0x179: {  	_ =	sfence.sel $0x180000  }
0x17a: {  	[bflag:$0x0] =	sbarrier.arrive $0xFFFF  }
0x17b: {  	_ =	strace $0x90000047  }
0x17c: {  	s0 =	stileid.u32;
	[bflag:$0x2] =	sbarrier.arrive $0xFFFF  }
0x17d: {  	p0 =	sne.s32 s0, $0x0;
	s0 =	rddreg [dreg:$0x3]  }
0x17e: {  	s0 =	sadd.s32 @!p0 $0x100000, s0  }
0x17f: {  	[sflag:s0] =	ssyncadd.tile.s32 @!p0 $0x1;
	_ =	shalt  }
.Lfunc_end2:
_tile_overlayer_lowered:
.L_overlay_start_2:
0x180: {  	(tag) =	ssettag $0x2  }
0x181: {  	s0 =	rddreg [dreg:$0x0];
	s2 =	stileid.u32  }
0x182: {  	s1 =	rddreg [dreg:$0x1];
	p0 =	sne.s32 s2, $0x0  }
0x183: {  	s3 =	rddreg [dreg:$0x2];
	[bflag:$0x3] =	sbarrier.arrive $0xFFFF;
	s2 =	simm.s32 @!p0 $0x1C05  }
0x184: {  	[timem:s3], [sflag:s2] =	dma.local @!p0 [hbm:s0], s1  }
0x185: {  	s0 =	simm.s32 @!p0 $0x5  }
0x186: {  	_ =	swait.ge @!p0 [sflag:s0], s1  }
0x187: {  	s1 =	ssub.s32 @!p0 $0x0, s1;
	[sflag:s0] =	ssyncset.done @!p0 $0x0  }
0x188: {  	[sflag:s0] =	ssyncadd.s32 @!p0 s1  }
0x189: {  	[bflag:$0x3] =	sbarrier.arrive $0xFFFF  }
0x18a: {  	_ =	shalt  }

</sc_bundles>
